<compile_context>
chip_gen: v7x
topology: tpu7x:2x2x1
jax: 0.10.2.dev20260603
libtpu: 0.0.44.dev20260713+nightly
codegen_flags: <defaults>
</compile_context>

<pallas_src>
import functools

import jax
import jax.numpy as jnp
from jax import lax
from jax.experimental import pallas as pl
from jax.experimental.pallas import tpu as pltpu
from jax.experimental.pallas import tpu_sc as plsc

N_IDX = 6_400_000
DIM = 16
LANES = 128
NUM_CORES = 2
NUM_SUBCORES = 16
NW = NUM_CORES * NUM_SUBCORES
ITILES = N_IDX // LANES
CHUNK_IT = 16
CHUNK = CHUNK_IT * LANES
N_CHUNKS = ITILES // CHUNK_IT
STEPS = -(-N_CHUNKS // NW)
GROUPS = CHUNK // 16
TILE_W = 8 * LANES
BUF_W = CHUNK_IT * TILE_W


def _sc_lookup(table_t, idx):
    mesh = plsc.VectorSubcoreMesh(core_axis_name="c", subcore_axis_name="s")

    @functools.partial(
        pl.kernel,
        mesh=mesh,
        out_type=jax.ShapeDtypeStruct((N_IDX * DIM,), jnp.float32),
        compiler_params=pltpu.CompilerParams(
            use_tc_tiling_on_sc=False, needs_layout_passes=False
        ),
        scratch_types=[
            pltpu.VMEM((DIM, DIM), jnp.float32),
            pltpu.VMEM((CHUNK,), jnp.int32),
            pltpu.VMEM((CHUNK,), jnp.int32),
            pltpu.VMEM((2, BUF_W), jnp.float32),
            pltpu.VMEM((2, BUF_W), jnp.float32),
            pltpu.SemaphoreType.DMA,
            pltpu.SemaphoreType.DMA,
            pltpu.SemaphoreType.DMA,
            pltpu.SemaphoreType.DMA,
        ],
    )
    def body(tt_hbm, idx_hbm, out_hbm, tt_v, idx_v0, idx_v1, rows_v0,
             rows_v1, sem_in0, sem_in1, sem_out0, sem_out1):
        wid = lax.axis_index("s") * NUM_CORES + lax.axis_index("c")

        pltpu.sync_copy(tt_hbm, tt_v)
        tcols = [tt_v[d, :] for d in range(DIM)]

        idx_bufs = (idx_v0, idx_v1)
        rows_bufs = (rows_v0, rows_v1)
        sin = (sem_in0, sem_in1)
        sout = (sem_out0, sem_out1)

        def chunk_id(m):
            return jnp.minimum(wid + NW * m, N_CHUNKS - 1)

        pltpu.async_copy(
            idx_hbm.at[pl.ds(chunk_id(0) * CHUNK, CHUNK)], idx_v0, sem_in0
        )
        pltpu.async_copy(
            idx_hbm.at[pl.ds(chunk_id(1) * CHUNK, CHUNK)], idx_v1, sem_in1
        )

        def outer(t, carry):
            for b in range(2):
                m = t * 2 + b
                c = chunk_id(m)

                @pl.when(m >= 2)
                def _wait_out():
                    for dt in range(2):
                        pltpu.make_async_copy(
                            rows_bufs[b].at[dt],
                            out_hbm.at[pl.ds(dt * ITILES * TILE_W, BUF_W)],
                            sout[b],
                        ).wait()

                pltpu.make_async_copy(
                    idx_hbm.at[pl.ds(0, CHUNK)], idx_bufs[b], sin[b]
                ).wait()

                def group(jh, carry2):
                    for jl in range(8):
                        idxv = idx_bufs[b][pl.ds(jh * 128 + jl * 16, 16)]
                        off = jh * TILE_W + jl * 16
                        for d in range(DIM):
                            col = jnp.take_along_axis(
                                tcols[d], idxv, axis=0,
                                mode="promise_in_bounds",
                            )
                            rows_bufs[b][
                                d // 8, pl.ds(off + (d % 8) * LANES, 16)
                            ] = col
                    return carry2

                lax.fori_loop(0, CHUNK_IT, group, 0)

                for dt in range(2):
                    pltpu.async_copy(
                        rows_bufs[b].at[dt],
                        out_hbm.at[
                            pl.ds((dt * ITILES + c * CHUNK_IT) * TILE_W,
                                  BUF_W)
                        ],
                        sout[b],
                    )

                @pl.when(m + 2 < STEPS)
                def _prefetch():
                    pltpu.async_copy(
                        idx_hbm.at[pl.ds(chunk_id(m + 2) * CHUNK, CHUNK)],
                        idx_bufs[b],
                        sin[b],
                    )
            return carry

        lax.fori_loop(0, STEPS // 2, outer, 0)

        for b in range(2):
            for dt in range(2):
                pltpu.make_async_copy(
                    rows_bufs[b].at[dt],
                    out_hbm.at[pl.ds(dt * ITILES * TILE_W, BUF_W)],
                    sout[b],
                ).wait()

    return body(table_t, idx)


def kernel(type_indices, embedding_table):
    idx = type_indices.astype(jnp.int32)
    table_t = jnp.zeros((DIM, DIM), jnp.float32)
    table_t = table_t.at[:, : embedding_table.shape[0]].set(embedding_table.T)
    flat = _sc_lookup(table_t, idx)
    r = flat.reshape(2, ITILES, 8, LANES)
    return r.transpose(1, 3, 0, 2).reshape(N_IDX, DIM)

# --- scband reference (transcript-rebuilt; emitter-appended) ---
"""Pipeline reference for scband-neighbor-node-type-encoder-47622597378638 (READ-ONLY COPY).

The authoritative reference and input builder live on the scoring server;
editing this copy changes nothing except your own understanding.
"""

import jax, jax.numpy as jnp
import numpy as np

NUM_TYPES = 8  # max(node_type_map.values()) + 1
TABLE_ROWS = NUM_TYPES + 1  # 9
EMBED_DIM = 16
N_INDICES = 6400000


def setup_inputs(seed: int = 0) -> dict:
    key = jax.random.key(seed)
    k1, k2 = jax.random.split(key)
    type_indices = jax.random.randint(k1, (N_INDICES,), 0, TABLE_ROWS, dtype=jnp.int64)
    # nn.Embedding default init: N(0, 1)
    embedding_table = jax.random.normal(k2, (TABLE_ROWS, EMBED_DIM), dtype=jnp.float32)
    return {"type_indices": type_indices, "embedding_table": embedding_table}


def reference(type_indices, embedding_table):
    # NeighborNodeTypeEncoder.forward: embedding lookup
    return jnp.take(embedding_table, type_indices, axis=0)

if __name__ == "__main__":
    import jax
    _d = setup_inputs()
    print(jax.jit(kernel)(*tuple(_d.values())))

</pallas_src>

<mosaic_0001>
#map = affine_map<(d0, d1) -> (0, 0)>
#map1 = affine_map<(d0, d1) -> (0)>
module attributes {stable_mosaic.version = 14 : i64} {
  func.func @body(%arg0: i32, %arg1: i32, %arg2: memref<16x16xf32, #tpu.memory_space<hbm>>, %arg3: memref<6400000xi32, #tpu.memory_space<hbm>>, %arg4: memref<102400000xf32, #tpu.memory_space<hbm>>, %arg5: memref<16x16xf32, #tpu.memory_space<vmem>>, %arg6: memref<2048xi32, #tpu.memory_space<vmem>>, %arg7: memref<2048xi32, #tpu.memory_space<vmem>>, %arg8: memref<2x16384xf32, #tpu.memory_space<vmem>>, %arg9: memref<2x16384xf32, #tpu.memory_space<vmem>>, %arg10: memref<!tpu.dma_semaphore, #tpu.memory_space<semaphore_mem>>, %arg11: memref<!tpu.dma_semaphore, #tpu.memory_space<semaphore_mem>>, %arg12: memref<!tpu.dma_semaphore, #tpu.memory_space<semaphore_mem>>, %arg13: memref<!tpu.dma_semaphore, #tpu.memory_space<semaphore_mem>>) attributes {dimension_semantics = [#tpu.dimension_semantics<core_parallel>, #tpu.dimension_semantics<subcore_parallel>], iteration_bounds = array<i64: 2, 16>, scalar_prefetch = 0 : i64, scratch_operands = 9 : i64, tpu.core_type = #tpu.core_type<sc_vector_subcore>, window_params = [{transform_indices = #map}, {transform_indices = #map1}, {transform_indices = #map1}]} {
    %mul3A = arith.constant 2 : i32
    %mul3A_0 = arith.muli %arg1, %mul3A : i32
    %add3A = arith.addi %mul3A_0, %arg0 : i32
    "tpu.region"() ({
      %run_scoped3A = tpu.sem_alloc : memref<!tpu.dma_semaphore, #tpu.memory_space<semaphore_mem>>
      tpu.enqueue_dma source(%arg2 : memref<16x16xf32, #tpu.memory_space<hbm>>) target(%arg5 : memref<16x16xf32, #tpu.memory_space<vmem>>) target_semaphore(%run_scoped3A : memref<!tpu.dma_semaphore, #tpu.memory_space<semaphore_mem>>)
      tpu.wait_dma2 semaphore(%run_scoped3A : memref<!tpu.dma_semaphore, #tpu.memory_space<semaphore_mem>>) src(%arg2 : memref<16x16xf32, #tpu.memory_space<hbm>>) dst(%arg5 : memref<16x16xf32, #tpu.memory_space<vmem>>)
      tpu.yield
    }) : () -> ()
    %get3A = arith.constant 0 : i32
    %get3A_1 = arith.index_cast %get3A : i32 to index
    %get3A_2 = arith.constant 0 : index
    %get3A_3 = tpu.vector_load %arg5[%get3A_1, %get3A_2] {strides = array<i32>} : memref<16x16xf32, #tpu.memory_space<vmem>>, vector<16xf32>,
    %get3A_4 = arith.constant 1 : i32
    %get3A_5 = arith.index_cast %get3A_4 : i32 to index
    %get3A_6 = arith.constant 0 : index
    %get3A_7 = tpu.vector_load %arg5[%get3A_5, %get3A_6] {strides = array<i32>} : memref<16x16xf32, #tpu.memory_space<vmem>>, vector<16xf32>,
    %get3A_8 = arith.constant 2 : i32
    %get3A_9 = arith.index_cast %get3A_8 : i32 to index
    %get3A_10 = arith.constant 0 : index
    %get3A_11 = tpu.vector_load %arg5[%get3A_9, %get3A_10] {strides = array<i32>} : memref<16x16xf32, #tpu.memory_space<vmem>>, vector<16xf32>,
    %get3A_12 = arith.constant 3 : i32
    %get3A_13 = arith.index_cast %get3A_12 : i32 to index
    %get3A_14 = arith.constant 0 : index
    %get3A_15 = tpu.vector_load %arg5[%get3A_13, %get3A_14] {strides = array<i32>} : memref<16x16xf32, #tpu.memory_space<vmem>>, vector<16xf32>,
    %get3A_16 = arith.constant 4 : i32
    %get3A_17 = arith.index_cast %get3A_16 : i32 to index
    %get3A_18 = arith.constant 0 : index
    %get3A_19 = tpu.vector_load %arg5[%get3A_17, %get3A_18] {strides = array<i32>} : memref<16x16xf32, #tpu.memory_space<vmem>>, vector<16xf32>,
    %get3A_20 = arith.constant 5 : i32
    %get3A_21 = arith.index_cast %get3A_20 : i32 to index
    %get3A_22 = arith.constant 0 : index
    %get3A_23 = tpu.vector_load %arg5[%get3A_21, %get3A_22] {strides = array<i32>} : memref<16x16xf32, #tpu.memory_space<vmem>>, vector<16xf32>,
    %get3A_24 = arith.constant 6 : i32
    %get3A_25 = arith.index_cast %get3A_24 : i32 to index
    %get3A_26 = arith.constant 0 : index
    %get3A_27 = tpu.vector_load %arg5[%get3A_25, %get3A_26] {strides = array<i32>} : memref<16x16xf32, #tpu.memory_space<vmem>>, vector<16xf32>,
    %get3A_28 = arith.constant 7 : i32
    %get3A_29 = arith.index_cast %get3A_28 : i32 to index
    %get3A_30 = arith.constant 0 : index
    %get3A_31 = tpu.vector_load %arg5[%get3A_29, %get3A_30] {strides = array<i32>} : memref<16x16xf32, #tpu.memory_space<vmem>>, vector<16xf32>,
    %get3A_32 = arith.constant 8 : i32
    %get3A_33 = arith.index_cast %get3A_32 : i32 to index
    %get3A_34 = arith.constant 0 : index
    %get3A_35 = tpu.vector_load %arg5[%get3A_33, %get3A_34] {strides = array<i32>} : memref<16x16xf32, #tpu.memory_space<vmem>>, vector<16xf32>,
    %get3A_36 = arith.constant 9 : i32
    %get3A_37 = arith.index_cast %get3A_36 : i32 to index
    %get3A_38 = arith.constant 0 : index
    %get3A_39 = tpu.vector_load %arg5[%get3A_37, %get3A_38] {strides = array<i32>} : memref<16x16xf32, #tpu.memory_space<vmem>>, vector<16xf32>,
    %get3A_40 = arith.constant 10 : i32
    %get3A_41 = arith.index_cast %get3A_40 : i32 to index
    %get3A_42 = arith.constant 0 : index
    %get3A_43 = tpu.vector_load %arg5[%get3A_41, %get3A_42] {strides = array<i32>} : memref<16x16xf32, #tpu.memory_space<vmem>>, vector<16xf32>,
    %get3A_44 = arith.constant 11 : i32
    %get3A_45 = arith.index_cast %get3A_44 : i32 to index
    %get3A_46 = arith.constant 0 : index
    %get3A_47 = tpu.vector_load %arg5[%get3A_45, %get3A_46] {strides = array<i32>} : memref<16x16xf32, #tpu.memory_space<vmem>>, vector<16xf32>,
    %get3A_48 = arith.constant 12 : i32
    %get3A_49 = arith.index_cast %get3A_48 : i32 to index
    %get3A_50 = arith.constant 0 : index
    %get3A_51 = tpu.vector_load %arg5[%get3A_49, %get3A_50] {strides = array<i32>} : memref<16x16xf32, #tpu.memory_space<vmem>>, vector<16xf32>,
    %get3A_52 = arith.constant 13 : i32
    %get3A_53 = arith.index_cast %get3A_52 : i32 to index
    %get3A_54 = arith.constant 0 : index
    %get3A_55 = tpu.vector_load %arg5[%get3A_53, %get3A_54] {strides = array<i32>} : memref<16x16xf32, #tpu.memory_space<vmem>>, vector<16xf32>,
    %get3A_56 = arith.constant 14 : i32
    %get3A_57 = arith.index_cast %get3A_56 : i32 to index
    %get3A_58 = arith.constant 0 : index
    %get3A_59 = tpu.vector_load %arg5[%get3A_57, %get3A_58] {strides = array<i32>} : memref<16x16xf32, #tpu.memory_space<vmem>>, vector<16xf32>,
    %get3A_60 = arith.constant 15 : i32
    %get3A_61 = arith.index_cast %get3A_60 : i32 to index
    %get3A_62 = arith.constant 0 : index
    %get3A_63 = tpu.vector_load %arg5[%get3A_61, %get3A_62] {strides = array<i32>} : memref<16x16xf32, #tpu.memory_space<vmem>>, vector<16xf32>,
    %add3A_64 = arith.constant 0 : i32
    %add3A_65 = arith.addi %add3A, %add3A_64 : i32
    %min3A = arith.constant 3124 : i32
    %min3A_66 = arith.minsi %add3A_65, %min3A : i32
    %mul3A_67 = arith.constant 2048 : i32
    %mul3A_68 = arith.muli %min3A_66, %mul3A_67 : i32
    %dma_start3A = tpu.memref_slice %arg3[%mul3A_68] : memref<6400000xi32, #tpu.memory_space<hbm>> -> memref<2048xi32, #tpu.memory_space<hbm>>
    %dma_start3A_69 = tpu.memref_slice %arg3[%mul3A_68] : memref<6400000xi32, #tpu.memory_space<hbm>> -> memref<2048xi32, #tpu.memory_space<hbm>>
    tpu.enqueue_dma source(%dma_start3A_69 : memref<2048xi32, #tpu.memory_space<hbm>>) target(%arg6 : memref<2048xi32, #tpu.memory_space<vmem>>) target_semaphore(%arg10 : memref<!tpu.dma_semaphore, #tpu.memory_space<semaphore_mem>>)
    %add3A_70 = arith.constant 32 : i32
    %add3A_71 = arith.addi %add3A, %add3A_70 : i32
    %min3A_72 = arith.constant 3124 : i32
    %min3A_73 = arith.minsi %add3A_71, %min3A_72 : i32
    %mul3A_74 = arith.constant 2048 : i32
    %mul3A_75 = arith.muli %min3A_73, %mul3A_74 : i32
    %dma_start3A_76 = tpu.memref_slice %arg3[%mul3A_75] : memref<6400000xi32, #tpu.memory_space<hbm>> -> memref<2048xi32, #tpu.memory_space<hbm>>
    %dma_start3A_77 = tpu.memref_slice %arg3[%mul3A_75] : memref<6400000xi32, #tpu.memory_space<hbm>> -> memref<2048xi32, #tpu.memory_space<hbm>>
    tpu.enqueue_dma source(%dma_start3A_77 : memref<2048xi32, #tpu.memory_space<hbm>>) target(%arg7 : memref<2048xi32, #tpu.memory_space<vmem>>) target_semaphore(%arg11 : memref<!tpu.dma_semaphore, #tpu.memory_space<semaphore_mem>>)
    %scan3A = arith.constant 0 : i32
    %scan3A_78 = arith.constant 0 : i32
    %scan3A_79 = arith.constant 49 : i32
    %scan3A_80 = arith.addi %scan3A_78, %scan3A_79 : i32
    %scan3A_81 = arith.constant 1 : i32
    scf.for %scan3A_126 = %scan3A_78 to %scan3A_80 step %scan3A_81  : i32 {
      %mul3A_127 = arith.constant 2 : i32
      %mul3A_128 = arith.muli %scan3A_126, %mul3A_127 : i32
      %add3A_129 = arith.constant 0 : i32
      %add3A_130 = arith.addi %mul3A_128, %add3A_129 : i32
      %mul3A_131 = arith.constant 32 : i32
      %mul3A_132 = arith.muli %mul3A_131, %add3A_130 : i32
      %add3A_133 = arith.addi %add3A, %mul3A_132 : i32
      %min3A_134 = arith.constant 3124 : i32
      %min3A_135 = arith.minsi %add3A_133, %min3A_134 : i32
      %ge3A = arith.constant 2 : i32
      %ge3A_136 = arith.cmpi sge, %add3A_130, %ge3A : i32
      %convert_element_type3A = arith.extui %ge3A_136 : i1 to i32
      %cond3A = arith.constant 0 : i32
      %cond3A_137 = arith.cmpi ne, %convert_element_type3A, %cond3A : i32
      scf.if %cond3A_137 {
        %dma_wait3A_245 = arith.constant 0 : i32
        %dma_wait3A_246 = arith.constant 0 : i32
        %dma_wait3A_247 = tpu.memref_slice %arg8[%dma_wait3A_245, %dma_wait3A_246] : memref<2x16384xf32, #tpu.memory_space<vmem>> -> memref<1x16384xf32, #tpu.memory_space<vmem>>
        %dma_wait3A_248 = tpu.memref_squeeze %dma_wait3A_247 : memref<1x16384xf32, #tpu.memory_space<vmem>> -> memref<16384xf32, #tpu.memory_space<vmem>>
        %dma_wait3A_249 = arith.constant 0 : i32
        %dma_wait3A_250 = tpu.memref_slice %arg4[%dma_wait3A_249] : memref<102400000xf32, #tpu.memory_space<hbm>> -> memref<16384xf32, #tpu.memory_space<hbm>>
        %dma_wait3A_251 = arith.constant 0 : i32
        %dma_wait3A_252 = tpu.memref_slice %arg4[%dma_wait3A_251] : memref<102400000xf32, #tpu.memory_space<hbm>> -> memref<16384xf32, #tpu.memory_space<hbm>>
        %dma_wait3A_253 = arith.constant 0 : i32
        %dma_wait3A_254 = tpu.memref_slice %arg8[%dma_wait3A_245, %dma_wait3A_253] : memref<2x16384xf32, #tpu.memory_space<vmem>> -> memref<1x16384xf32, #tpu.memory_space<vmem>>
        %dma_wait3A_255 = tpu.memref_squeeze %dma_wait3A_254 : memref<1x16384xf32, #tpu.memory_space<vmem>> -> memref<16384xf32, #tpu.memory_space<vmem>>
        tpu.wait_dma2 semaphore(%arg12 : memref<!tpu.dma_semaphore, #tpu.memory_space<semaphore_mem>>) src(%dma_wait3A_255 : memref<16384xf32, #tpu.memory_space<vmem>>) dst(%dma_wait3A_252 : memref<16384xf32, #tpu.memory_space<hbm>>)
        %dma_wait3A_256 = arith.constant 1 : i32
        %dma_wait3A_257 = arith.constant 0 : i32
        %dma_wait3A_258 = tpu.memref_slice %arg8[%dma_wait3A_256, %dma_wait3A_257] : memref<2x16384xf32, #tpu.memory_space<vmem>> -> memref<1x16384xf32, #tpu.memory_space<vmem>>
        %dma_wait3A_259 = tpu.memref_squeeze %dma_wait3A_258 : memref<1x16384xf32, #tpu.memory_space<vmem>> -> memref<16384xf32, #tpu.memory_space<vmem>>
        %dma_wait3A_260 = arith.constant 51200000 : i32
        %dma_wait3A_261 = tpu.memref_slice %arg4[%dma_wait3A_260] : memref<102400000xf32, #tpu.memory_space<hbm>> -> memref<16384xf32, #tpu.memory_space<hbm>>
        %dma_wait3A_262 = arith.constant 51200000 : i32
        %dma_wait3A_263 = tpu.memref_slice %arg4[%dma_wait3A_262] : memref<102400000xf32, #tpu.memory_space<hbm>> -> memref<16384xf32, #tpu.memory_space<hbm>>
        %dma_wait3A_264 = arith.constant 0 : i32
        %dma_wait3A_265 = tpu.memref_slice %arg8[%dma_wait3A_256, %dma_wait3A_264] : memref<2x16384xf32, #tpu.memory_space<vmem>> -> memref<1x16384xf32, #tpu.memory_space<vmem>>
        %dma_wait3A_266 = tpu.memref_squeeze %dma_wait3A_265 : memref<1x16384xf32, #tpu.memory_space<vmem>> -> memref<16384xf32, #tpu.memory_space<vmem>>
        tpu.wait_dma2 semaphore(%arg12 : memref<!tpu.dma_semaphore, #tpu.memory_space<semaphore_mem>>) src(%dma_wait3A_266 : memref<16384xf32, #tpu.memory_space<vmem>>) dst(%dma_wait3A_263 : memref<16384xf32, #tpu.memory_space<hbm>>)
      } else {
      }
      %dma_wait3A_138 = arith.constant 0 : i32
      %dma_wait3A_139 = tpu.memref_slice %arg3[%dma_wait3A_138] : memref<6400000xi32, #tpu.memory_space<hbm>> -> memref<2048xi32, #tpu.memory_space<hbm>>
      %dma_wait3A_140 = arith.constant 0 : i32
      %dma_wait3A_141 = tpu.memref_slice %arg3[%dma_wait3A_140] : memref<6400000xi32, #tpu.memory_space<hbm>> -> memref<2048xi32, #tpu.memory_space<hbm>>
      tpu.wait_dma2 semaphore(%arg10 : memref<!tpu.dma_semaphore, #tpu.memory_space<semaphore_mem>>) src(%dma_wait3A_141 : memref<2048xi32, #tpu.memory_space<hbm>>) dst(%arg6 : memref<2048xi32, #tpu.memory_space<vmem>>)
      %scan3A_142 = arith.constant 0 : i32
      %scan3A_143 = arith.constant 0 : i32
      %scan3A_144 = arith.constant 16 : i32
      %scan3A_145 = arith.addi %scan3A_143, %scan3A_144 : i32
      %scan3A_146 = arith.constant 1 : i32
      scf.for %scan3A_245 = %scan3A_143 to %scan3A_145 step %scan3A_146  : i32 {
        %mul3A_246 = arith.constant 128 : i32
        %mul3A_247 = arith.muli %scan3A_245, %mul3A_246 : i32
        %add3A_248 = arith.constant 0 : i32
        %add3A_249 = arith.addi %mul3A_247, %add3A_248 : i32
        %get3A_250 = arith.index_cast %add3A_249 : i32 to index
        %get3A_251 = tpu.vector_load %arg6[%get3A_250] {strides = array<i32>} : memref<2048xi32, #tpu.memory_space<vmem>>, vector<16xi32>,
        %mul3A_252 = arith.constant 1024 : i32
        %mul3A_253 = arith.muli %scan3A_245, %mul3A_252 : i32
        %add3A_254 = arith.constant 0 : i32
        %add3A_255 = arith.addi %mul3A_253, %add3A_254 : i32
        %reshape3A = vector.shape_cast %get3A_251 : vector<16xi32> to vector<16x1xi32>
        %gather3A = vector.shape_cast %reshape3A : vector<16x1xi32> to vector<16xi32>
        %gather3A_256 = tpu.dynamic_gather %get3A_3[%gather3A] in [0] : vector<16xf32>, vector<16xi32> -> vector<16xf32>
        %add3A_257 = arith.constant 0 : i32
        %add3A_258 = arith.addi %add3A_255, %add3A_257 : i32
        %swap3A = arith.constant 0 : i32
        %swap3A_259 = arith.index_cast %swap3A : i32 to index
        %swap3A_260 = arith.index_cast %add3A_258 : i32 to index
        %swap3A_261 = tpu.vector_load %arg8[%swap3A_259, %swap3A_260] {strides = array<i32>} : memref<2x16384xf32, #tpu.memory_space<vmem>>, vector<16xf32>,
        tpu.vector_store %arg8[%swap3A_259, %swap3A_260], %gather3A_256 {strides = array<i32>} : memref<2x16384xf32, #tpu.memory_space<vmem>>, vector<16xf32>,
        %reshape3A_262 = vector.shape_cast %get3A_251 : vector<16xi32> to vector<16x1xi32>
        %gather3A_263 = vector.shape_cast %reshape3A_262 : vector<16x1xi32> to vector<16xi32>
        %gather3A_264 = tpu.dynamic_gather %get3A_7[%gather3A_263] in [0] : vector<16xf32>, vector<16xi32> -> vector<16xf32>
        %add3A_265 = arith.constant 128 : i32
        %add3A_266 = arith.addi %add3A_255, %add3A_265 : i32
        %swap3A_267 = arith.constant 0 : i32
        %swap3A_268 = arith.index_cast %swap3A_267 : i32 to index
        %swap3A_269 = arith.index_cast %add3A_266 : i32 to index
        %swap3A_270 = tpu.vector_load %arg8[%swap3A_268, %swap3A_269] {strides = array<i32>} : memref<2x16384xf32, #tpu.memory_space<vmem>>, vector<16xf32>,
        tpu.vector_store %arg8[%swap3A_268, %swap3A_269], %gather3A_264 {strides = array<i32>} : memref<2x16384xf32, #tpu.memory_space<vmem>>, vector<16xf32>,
        %reshape3A_271 = vector.shape_cast %get3A_251 : vector<16xi32> to vector<16x1xi32>
        %gather3A_272 = vector.shape_cast %reshape3A_271 : vector<16x1xi32> to vector<16xi32>
        %gather3A_273 = tpu.dynamic_gather %get3A_11[%gather3A_272] in [0] : vector<16xf32>, vector<16xi32> -> vector<16xf32>
        %add3A_274 = arith.constant 256 : i32
        %add3A_275 = arith.addi %add3A_255, %add3A_274 : i32
        %swap3A_276 = arith.constant 0 : i32
        %swap3A_277 = arith.index_cast %swap3A_276 : i32 to index
        %swap3A_278 = arith.index_cast %add3A_275 : i32 to index
        %swap3A_279 = tpu.vector_load %arg8[%swap3A_277, %swap3A_278] {strides = array<i32>} : memref<2x16384xf32, #tpu.memory_space<vmem>>, vector<16xf32>,
        tpu.vector_store %arg8[%swap3A_277, %swap3A_278], %gather3A_273 {strides = array<i32>} : memref<2x16384xf32, #tpu.memory_space<vmem>>, vector<16xf32>,
        %reshape3A_280 = vector.shape_cast %get3A_251 : vector<16xi32> to vector<16x1xi32>
        %gather3A_281 = vector.shape_cast %reshape3A_280 : vector<16x1xi32> to vector<16xi32>
        %gather3A_282 = tpu.dynamic_gather %get3A_15[%gather3A_281] in [0] : vector<16xf32>, vector<16xi32> -> vector<16xf32>
        %add3A_283 = arith.constant 384 : i32
        %add3A_284 = arith.addi %add3A_255, %add3A_283 : i32
        %swap3A_285 = arith.constant 0 : i32
        %swap3A_286 = arith.index_cast %swap3A_285 : i32 to index
        %swap3A_287 = arith.index_cast %add3A_284 : i32 to index
        %swap3A_288 = tpu.vector_load %arg8[%swap3A_286, %swap3A_287] {strides = array<i32>} : memref<2x16384xf32, #tpu.memory_space<vmem>>, vector<16xf32>,
        tpu.vector_store %arg8[%swap3A_286, %swap3A_287], %gather3A_282 {strides = array<i32>} : memref<2x16384xf32, #tpu.memory_space<vmem>>, vector<16xf32>,
        %reshape3A_289 = vector.shape_cast %get3A_251 : vector<16xi32> to vector<16x1xi32>
        %gather3A_290 = vector.shape_cast %reshape3A_289 : vector<16x1xi32> to vector<16xi32>
        %gather3A_291 = tpu.dynamic_gather %get3A_19[%gather3A_290] in [0] : vector<16xf32>, vector<16xi32> -> vector<16xf32>
        %add3A_292 = arith.constant 512 : i32
        %add3A_293 = arith.addi %add3A_255, %add3A_292 : i32
        %swap3A_294 = arith.constant 0 : i32
        %swap3A_295 = arith.index_cast %swap3A_294 : i32 to index
        %swap3A_296 = arith.index_cast %add3A_293 : i32 to index
        %swap3A_297 = tpu.vector_load %arg8[%swap3A_295, %swap3A_296] {strides = array<i32>} : memref<2x16384xf32, #tpu.memory_space<vmem>>, vector<16xf32>,
        tpu.vector_store %arg8[%swap3A_295, %swap3A_296], %gather3A_291 {strides = array<i32>} : memref<2x16384xf32, #tpu.memory_space<vmem>>, vector<16xf32>,
        %reshape3A_298 = vector.shape_cast %get3A_251 : vector<16xi32> to vector<16x1xi32>
        %gather3A_299 = vector.shape_cast %reshape3A_298 : vector<16x1xi32> to vector<16xi32>
        %gather3A_300 = tpu.dynamic_gather %get3A_23[%gather3A_299] in [0] : vector<16xf32>, vector<16xi32> -> vector<16xf32>
        %add3A_301 = arith.constant 640 : i32
        %add3A_302 = arith.addi %add3A_255, %add3A_301 : i32
        %swap3A_303 = arith.constant 0 : i32
        %swap3A_304 = arith.index_cast %swap3A_303 : i32 to index
        %swap3A_305 = arith.index_cast %add3A_302 : i32 to index
        %swap3A_306 = tpu.vector_load %arg8[%swap3A_304, %swap3A_305] {strides = array<i32>} : memref<2x16384xf32, #tpu.memory_space<vmem>>, vector<16xf32>,
        tpu.vector_store %arg8[%swap3A_304, %swap3A_305], %gather3A_300 {strides = array<i32>} : memref<2x16384xf32, #tpu.memory_space<vmem>>, vector<16xf32>,
        %reshape3A_307 = vector.shape_cast %get3A_251 : vector<16xi32> to vector<16x1xi32>
        %gather3A_308 = vector.shape_cast %reshape3A_307 : vector<16x1xi32> to vector<16xi32>
        %gather3A_309 = tpu.dynamic_gather %get3A_27[%gather3A_308] in [0] : vector<16xf32>, vector<16xi32> -> vector<16xf32>
        %add3A_310 = arith.constant 768 : i32
        %add3A_311 = arith.addi %add3A_255, %add3A_310 : i32
        %swap3A_312 = arith.constant 0 : i32
        %swap3A_313 = arith.index_cast %swap3A_312 : i32 to index
        %swap3A_314 = arith.index_cast %add3A_311 : i32 to index
        %swap3A_315 = tpu.vector_load %arg8[%swap3A_313, %swap3A_314] {strides = array<i32>} : memref<2x16384xf32, #tpu.memory_space<vmem>>, vector<16xf32>,
        tpu.vector_store %arg8[%swap3A_313, %swap3A_314], %gather3A_309 {strides = array<i32>} : memref<2x16384xf32, #tpu.memory_space<vmem>>, vector<16xf32>,
        %reshape3A_316 = vector.shape_cast %get3A_251 : vector<16xi32> to vector<16x1xi32>
        %gather3A_317 = vector.shape_cast %reshape3A_316 : vector<16x1xi32> to vector<16xi32>
        %gather3A_318 = tpu.dynamic_gather %get3A_31[%gather3A_317] in [0] : vector<16xf32>, vector<16xi32> -> vector<16xf32>
        %add3A_319 = arith.constant 896 : i32
        %add3A_320 = arith.addi %add3A_255, %add3A_319 : i32
        %swap3A_321 = arith.constant 0 : i32
        %swap3A_322 = arith.index_cast %swap3A_321 : i32 to index
        %swap3A_323 = arith.index_cast %add3A_320 : i32 to index
        %swap3A_324 = tpu.vector_load %arg8[%swap3A_322, %swap3A_323] {strides = array<i32>} : memref<2x16384xf32, #tpu.memory_space<vmem>>, vector<16xf32>,
        tpu.vector_store %arg8[%swap3A_322, %swap3A_323], %gather3A_318 {strides = array<i32>} : memref<2x16384xf32, #tpu.memory_space<vmem>>, vector<16xf32>,
        %reshape3A_325 = vector.shape_cast %get3A_251 : vector<16xi32> to vector<16x1xi32>
        %gather3A_326 = vector.shape_cast %reshape3A_325 : vector<16x1xi32> to vector<16xi32>
        %gather3A_327 = tpu.dynamic_gather %get3A_35[%gather3A_326] in [0] : vector<16xf32>, vector<16xi32> -> vector<16xf32>
        %add3A_328 = arith.constant 0 : i32
        %add3A_329 = arith.addi %add3A_255, %add3A_328 : i32
        %swap3A_330 = arith.constant 1 : i32
        %swap3A_331 = arith.index_cast %swap3A_330 : i32 to index
        %swap3A_332 = arith.index_cast %add3A_329 : i32 to index
        %swap3A_333 = tpu.vector_load %arg8[%swap3A_331, %swap3A_332] {strides = array<i32>} : memref<2x16384xf32, #tpu.memory_space<vmem>>, vector<16xf32>,
        tpu.vector_store %arg8[%swap3A_331, %swap3A_332], %gather3A_327 {strides = array<i32>} : memref<2x16384xf32, #tpu.memory_space<vmem>>, vector<16xf32>,
        %reshape3A_334 = vector.shape_cast %get3A_251 : vector<16xi32> to vector<16x1xi32>
        %gather3A_335 = vector.shape_cast %reshape3A_334 : vector<16x1xi32> to vector<16xi32>
        %gather3A_336 = tpu.dynamic_gather %get3A_39[%gather3A_335] in [0] : vector<16xf32>, vector<16xi32> -> vector<16xf32>
        %add3A_337 = arith.constant 128 : i32
        %add3A_338 = arith.addi %add3A_255, %add3A_337 : i32
        %swap3A_339 = arith.constant 1 : i32
        %swap3A_340 = arith.index_cast %swap3A_339 : i32 to index
        %swap3A_341 = arith.index_cast %add3A_338 : i32 to index
        %swap3A_342 = tpu.vector_load %arg8[%swap3A_340, %swap3A_341] {strides = array<i32>} : memref<2x16384xf32, #tpu.memory_space<vmem>>, vector<16xf32>,
        tpu.vector_store %arg8[%swap3A_340, %swap3A_341], %gather3A_336 {strides = array<i32>} : memref<2x16384xf32, #tpu.memory_space<vmem>>, vector<16xf32>,
        %reshape3A_343 = vector.shape_cast %get3A_251 : vector<16xi32> to vector<16x1xi32>
        %gather3A_344 = vector.shape_cast %reshape3A_343 : vector<16x1xi32> to vector<16xi32>
        %gather3A_345 = tpu.dynamic_gather %get3A_43[%gather3A_344] in [0] : vector<16xf32>, vector<16xi32> -> vector<16xf32>
        %add3A_346 = arith.constant 256 : i32
        %add3A_347 = arith.addi %add3A_255, %add3A_346 : i32
        %swap3A_348 = arith.constant 1 : i32
        %swap3A_349 = arith.index_cast %swap3A_348 : i32 to index
        %swap3A_350 = arith.index_cast %add3A_347 : i32 to index
        %swap3A_351 = tpu.vector_load %arg8[%swap3A_349, %swap3A_350] {strides = array<i32>} : memref<2x16384xf32, #tpu.memory_space<vmem>>, vector<16xf32>,
        tpu.vector_store %arg8[%swap3A_349, %swap3A_350], %gather3A_345 {strides = array<i32>} : memref<2x16384xf32, #tpu.memory_space<vmem>>, vector<16xf32>,
        %reshape3A_352 = vector.shape_cast %get3A_251 : vector<16xi32> to vector<16x1xi32>
        %gather3A_353 = vector.shape_cast %reshape3A_352 : vector<16x1xi32> to vector<16xi32>
        %gather3A_354 = tpu.dynamic_gather %get3A_47[%gather3A_353] in [0] : vector<16xf32>, vector<16xi32> -> vector<16xf32>
        %add3A_355 = arith.constant 384 : i32
        %add3A_356 = arith.addi %add3A_255, %add3A_355 : i32
        %swap3A_357 = arith.constant 1 : i32
        %swap3A_358 = arith.index_cast %swap3A_357 : i32 to index
        %swap3A_359 = arith.index_cast %add3A_356 : i32 to index
        %swap3A_360 = tpu.vector_load %arg8[%swap3A_358, %swap3A_359] {strides = array<i32>} : memref<2x16384xf32, #tpu.memory_space<vmem>>, vector<16xf32>,
        tpu.vector_store %arg8[%swap3A_358, %swap3A_359], %gather3A_354 {strides = array<i32>} : memref<2x16384xf32, #tpu.memory_space<vmem>>, vector<16xf32>,
        %reshape3A_361 = vector.shape_cast %get3A_251 : vector<16xi32> to vector<16x1xi32>
        %gather3A_362 = vector.shape_cast %reshape3A_361 : vector<16x1xi32> to vector<16xi32>
        %gather3A_363 = tpu.dynamic_gather %get3A_51[%gather3A_362] in [0] : vector<16xf32>, vector<16xi32> -> vector<16xf32>
        %add3A_364 = arith.constant 512 : i32
        %add3A_365 = arith.addi %add3A_255, %add3A_364 : i32
        %swap3A_366 = arith.constant 1 : i32
        %swap3A_367 = arith.index_cast %swap3A_366 : i32 to index
        %swap3A_368 = arith.index_cast %add3A_365 : i32 to index
        %swap3A_369 = tpu.vector_load %arg8[%swap3A_367, %swap3A_368] {strides = array<i32>} : memref<2x16384xf32, #tpu.memory_space<vmem>>, vector<16xf32>,
        tpu.vector_store %arg8[%swap3A_367, %swap3A_368], %gather3A_363 {strides = array<i32>} : memref<2x16384xf32, #tpu.memory_space<vmem>>, vector<16xf32>,
        %reshape3A_370 = vector.shape_cast %get3A_251 : vector<16xi32> to vector<16x1xi32>
        %gather3A_371 = vector.shape_cast %reshape3A_370 : vector<16x1xi32> to vector<16xi32>
        %gather3A_372 = tpu.dynamic_gather %get3A_55[%gather3A_371] in [0] : vector<16xf32>, vector<16xi32> -> vector<16xf32>
        %add3A_373 = arith.constant 640 : i32
        %add3A_374 = arith.addi %add3A_255, %add3A_373 : i32
        %swap3A_375 = arith.constant 1 : i32
        %swap3A_376 = arith.index_cast %swap3A_375 : i32 to index
        %swap3A_377 = arith.index_cast %add3A_374 : i32 to index
        %swap3A_378 = tpu.vector_load %arg8[%swap3A_376, %swap3A_377] {strides = array<i32>} : memref<2x16384xf32, #tpu.memory_space<vmem>>, vector<16xf32>,
        tpu.vector_store %arg8[%swap3A_376, %swap3A_377], %gather3A_372 {strides = array<i32>} : memref<2x16384xf32, #tpu.memory_space<vmem>>, vector<16xf32>,
        %reshape3A_379 = vector.shape_cast %get3A_251 : vector<16xi32> to vector<16x1xi32>
        %gather3A_380 = vector.shape_cast %reshape3A_379 : vector<16x1xi32> to vector<16xi32>
        %gather3A_381 = tpu.dynamic_gather %get3A_59[%gather3A_380] in [0] : vector<16xf32>, vector<16xi32> -> vector<16xf32>
        %add3A_382 = arith.constant 768 : i32
        %add3A_383 = arith.addi %add3A_255, %add3A_382 : i32
        %swap3A_384 = arith.constant 1 : i32
        %swap3A_385 = arith.index_cast %swap3A_384 : i32 to index
        %swap3A_386 = arith.index_cast %add3A_383 : i32 to index
        %swap3A_387 = tpu.vector_load %arg8[%swap3A_385, %swap3A_386] {strides = array<i32>} : memref<2x16384xf32, #tpu.memory_space<vmem>>, vector<16xf32>,
        tpu.vector_store %arg8[%swap3A_385, %swap3A_386], %gather3A_381 {strides = array<i32>} : memref<2x16384xf32, #tpu.memory_space<vmem>>, vector<16xf32>,
        %reshape3A_388 = vector.shape_cast %get3A_251 : vector<16xi32> to vector<16x1xi32>
        %gather3A_389 = vector.shape_cast %reshape3A_388 : vector<16x1xi32> to vector<16xi32>
        %gather3A_390 = tpu.dynamic_gather %get3A_63[%gather3A_389] in [0] : vector<16xf32>, vector<16xi32> -> vector<16xf32>
        %add3A_391 = arith.constant 896 : i32
        %add3A_392 = arith.addi %add3A_255, %add3A_391 : i32
        %swap3A_393 = arith.constant 1 : i32
        %swap3A_394 = arith.index_cast %swap3A_393 : i32 to index
        %swap3A_395 = arith.index_cast %add3A_392 : i32 to index
        %swap3A_396 = tpu.vector_load %arg8[%swap3A_394, %swap3A_395] {strides = array<i32>} : memref<2x16384xf32, #tpu.memory_space<vmem>>, vector<16xf32>,
        tpu.vector_store %arg8[%swap3A_394, %swap3A_395], %gather3A_390 {strides = array<i32>} : memref<2x16384xf32, #tpu.memory_space<vmem>>, vector<16xf32>,
        %mul3A_397 = arith.constant 128 : i32
        %mul3A_398 = arith.muli %scan3A_245, %mul3A_397 : i32
        %add3A_399 = arith.constant 16 : i32
        %add3A_400 = arith.addi %mul3A_398, %add3A_399 : i32
        %get3A_401 = arith.index_cast %add3A_400 : i32 to index
        %get3A_402 = tpu.vector_load %arg6[%get3A_401] {strides = array<i32>} : memref<2048xi32, #tpu.memory_space<vmem>>, vector<16xi32>,
        %mul3A_403 = arith.constant 1024 : i32
        %mul3A_404 = arith.muli %scan3A_245, %mul3A_403 : i32
        %add3A_405 = arith.constant 16 : i32
        %add3A_406 = arith.addi %mul3A_404, %add3A_405 : i32
        %reshape3A_407 = vector.shape_cast %get3A_402 : vector<16xi32> to vector<16x1xi32>
        %gather3A_408 = vector.shape_cast %reshape3A_407 : vector<16x1xi32> to vector<16xi32>
        %gather3A_409 = tpu.dynamic_gather %get3A_3[%gather3A_408] in [0] : vector<16xf32>, vector<16xi32> -> vector<16xf32>
        %add3A_410 = arith.constant 0 : i32
        %add3A_411 = arith.addi %add3A_406, %add3A_410 : i32
        %swap3A_412 = arith.constant 0 : i32
        %swap3A_413 = arith.index_cast %swap3A_412 : i32 to index
        %swap3A_414 = arith.index_cast %add3A_411 : i32 to index
        %swap3A_415 = tpu.vector_load %arg8[%swap3A_413, %swap3A_414] {strides = array<i32>} : memref<2x16384xf32, #tpu.memory_space<vmem>>, vector<16xf32>,
        tpu.vector_store %arg8[%swap3A_413, %swap3A_414], %gather3A_409 {strides = array<i32>} : memref<2x16384xf32, #tpu.memory_space<vmem>>, vector<16xf32>,
        %reshape3A_416 = vector.shape_cast %get3A_402 : vector<16xi32> to vector<16x1xi32>
        %gather3A_417 = vector.shape_cast %reshape3A_416 : vector<16x1xi32> to vector<16xi32>
        %gather3A_418 = tpu.dynamic_gather %get3A_7[%gather3A_417] in [0] : vector<16xf32>, vector<16xi32> -> vector<16xf32>
        %add3A_419 = arith.constant 128 : i32
        %add3A_420 = arith.addi %add3A_406, %add3A_419 : i32
        %swap3A_421 = arith.constant 0 : i32
        %swap3A_422 = arith.index_cast %swap3A_421 : i32 to index
        %swap3A_423 = arith.index_cast %add3A_420 : i32 to index
        %swap3A_424 = tpu.vector_load %arg8[%swap3A_422, %swap3A_423] {strides = array<i32>} : memref<2x16384xf32, #tpu.memory_space<vmem>>, vector<16xf32>,
        tpu.vector_store %arg8[%swap3A_422, %swap3A_423], %gather3A_418 {strides = array<i32>} : memref<2x16384xf32, #tpu.memory_space<vmem>>, vector<16xf32>,
        %reshape3A_425 = vector.shape_cast %get3A_402 : vector<16xi32> to vector<16x1xi32>
        %gather3A_426 = vector.shape_cast %reshape3A_425 : vector<16x1xi32> to vector<16xi32>
        %gather3A_427 = tpu.dynamic_gather %get3A_11[%gather3A_426] in [0] : vector<16xf32>, vector<16xi32> -> vector<16xf32>
        %add3A_428 = arith.constant 256 : i32
        %add3A_429 = arith.addi %add3A_406, %add3A_428 : i32
        %swap3A_430 = arith.constant 0 : i32
        %swap3A_431 = arith.index_cast %swap3A_430 : i32 to index
        %swap3A_432 = arith.index_cast %add3A_429 : i32 to index
        %swap3A_433 = tpu.vector_load %arg8[%swap3A_431, %swap3A_432] {strides = array<i32>} : memref<2x16384xf32, #tpu.memory_space<vmem>>, vector<16xf32>,
        tpu.vector_store %arg8[%swap3A_431, %swap3A_432], %gather3A_427 {strides = array<i32>} : memref<2x16384xf32, #tpu.memory_space<vmem>>, vector<16xf32>,
        %reshape3A_434 = vector.shape_cast %get3A_402 : vector<16xi32> to vector<16x1xi32>
        %gather3A_435 = vector.shape_cast %reshape3A_434 : vector<16x1xi32> to vector<16xi32>
        %gather3A_436 = tpu.dynamic_gather %get3A_15[%gather3A_435] in [0] : vector<16xf32>, vector<16xi32> -> vector<16xf32>
        %add3A_437 = arith.constant 384 : i32
        %add3A_438 = arith.addi %add3A_406, %add3A_437 : i32
        %swap3A_439 = arith.constant 0 : i32
        %swap3A_440 = arith.index_cast %swap3A_439 : i32 to index
        %swap3A_441 = arith.index_cast %add3A_438 : i32 to index
        %swap3A_442 = tpu.vector_load %arg8[%swap3A_440, %swap3A_441] {strides = array<i32>} : memref<2x16384xf32, #tpu.memory_space<vmem>>, vector<16xf32>,
        tpu.vector_store %arg8[%swap3A_440, %swap3A_441], %gather3A_436 {strides = array<i32>} : memref<2x16384xf32, #tpu.memory_space<vmem>>, vector<16xf32>,
        %reshape3A_443 = vector.shape_cast %get3A_402 : vector<16xi32> to vector<16x1xi32>
        %gather3A_444 = vector.shape_cast %reshape3A_443 : vector<16x1xi32> to vector<16xi32>
        %gather3A_445 = tpu.dynamic_gather %get3A_19[%gather3A_444] in [0] : vector<16xf32>, vector<16xi32> -> vector<16xf32>
        %add3A_446 = arith.constant 512 : i32
        %add3A_447 = arith.addi %add3A_406, %add3A_446 : i32
        %swap3A_448 = arith.constant 0 : i32
        %swap3A_449 = arith.index_cast %swap3A_448 : i32 to index
        %swap3A_450 = arith.index_cast %add3A_447 : i32 to index
        %swap3A_451 = tpu.vector_load %arg8[%swap3A_449, %swap3A_450] {strides = array<i32>} : memref<2x16384xf32, #tpu.memory_space<vmem>>, vector<16xf32>,
        tpu.vector_store %arg8[%swap3A_449, %swap3A_450], %gather3A_445 {strides = array<i32>} : memref<2x16384xf32, #tpu.memory_space<vmem>>, vector<16xf32>,
        %reshape3A_452 = vector.shape_cast %get3A_402 : vector<16xi32> to vector<16x1xi32>
        %gather3A_453 = vector.shape_cast %reshape3A_452 : vector<16x1xi32> to vector<16xi32>
        %gather3A_454 = tpu.dynamic_gather %get3A_23[%gather3A_453] in [0] : vector<16xf32>, vector<16xi32> -> vector<16xf32>
        %add3A_455 = arith.constant 640 : i32
        %add3A_456 = arith.addi %add3A_406, %add3A_455 : i32
        %swap3A_457 = arith.constant 0 : i32
        %swap3A_458 = arith.index_cast %swap3A_457 : i32 to index
        %swap3A_459 = arith.index_cast %add3A_456 : i32 to index
        %swap3A_460 = tpu.vector_load %arg8[%swap3A_458, %swap3A_459] {strides = array<i32>} : memref<2x16384xf32, #tpu.memory_space<vmem>>, vector<16xf32>,
        tpu.vector_store %arg8[%swap3A_458, %swap3A_459], %gather3A_454 {strides = array<i32>} : memref<2x16384xf32, #tpu.memory_space<vmem>>, vector<16xf32>,
        %reshape3A_461 = vector.shape_cast %get3A_402 : vector<16xi32> to vector<16x1xi32>
        %gather3A_462 = vector.shape_cast %reshape3A_461 : vector<16x1xi32> to vector<16xi32>
        %gather3A_463 = tpu.dynamic_gather %get3A_27[%gather3A_462] in [0] : vector<16xf32>, vector<16xi32> -> vector<16xf32>
        %add3A_464 = arith.constant 768 : i32
        %add3A_465 = arith.addi %add3A_406, %add3A_464 : i32
        %swap3A_466 = arith.constant 0 : i32
        %swap3A_467 = arith.index_cast %swap3A_466 : i32 to index
        %swap3A_468 = arith.index_cast %add3A_465 : i32 to index
        %swap3A_469 = tpu.vector_load %arg8[%swap3A_467, %swap3A_468] {strides = array<i32>} : memref<2x16384xf32, #tpu.memory_space<vmem>>, vector<16xf32>,
        tpu.vector_store %arg8[%swap3A_467, %swap3A_468], %gather3A_463 {strides = array<i32>} : memref<2x16384xf32, #tpu.memory_space<vmem>>, vector<16xf32>,
        %reshape3A_470 = vector.shape_cast %get3A_402 : vector<16xi32> to vector<16x1xi32>
        %gather3A_471 = vector.shape_cast %reshape3A_470 : vector<16x1xi32> to vector<16xi32>
        %gather3A_472 = tpu.dynamic_gather %get3A_31[%gather3A_471] in [0] : vector<16xf32>, vector<16xi32> -> vector<16xf32>
        %add3A_473 = arith.constant 896 : i32
        %add3A_474 = arith.addi %add3A_406, %add3A_473 : i32
        %swap3A_475 = arith.constant 0 : i32
        %swap3A_476 = arith.index_cast %swap3A_475 : i32 to index
        %swap3A_477 = arith.index_cast %add3A_474 : i32 to index
        %swap3A_478 = tpu.vector_load %arg8[%swap3A_476, %swap3A_477] {strides = array<i32>} : memref<2x16384xf32, #tpu.memory_space<vmem>>, vector<16xf32>,
        tpu.vector_store %arg8[%swap3A_476, %swap3A_477], %gather3A_472 {strides = array<i32>} : memref<2x16384xf32, #tpu.memory_space<vmem>>, vector<16xf32>,
        %reshape3A_479 = vector.shape_cast %get3A_402 : vector<16xi32> to vector<16x1xi32>
        %gather3A_480 = vector.shape_cast %reshape3A_479 : vector<16x1xi32> to vector<16xi32>
        %gather3A_481 = tpu.dynamic_gather %get3A_35[%gather3A_480] in [0] : vector<16xf32>, vector<16xi32> -> vector<16xf32>
        %add3A_482 = arith.constant 0 : i32
        %add3A_483 = arith.addi %add3A_406, %add3A_482 : i32
        %swap3A_484 = arith.constant 1 : i32
        %swap3A_485 = arith.index_cast %swap3A_484 : i32 to index
        %swap3A_486 = arith.index_cast %add3A_483 : i32 to index
        %swap3A_487 = tpu.vector_load %arg8[%swap3A_485, %swap3A_486] {strides = array<i32>} : memref<2x16384xf32, #tpu.memory_space<vmem>>, vector<16xf32>,
        tpu.vector_store %arg8[%swap3A_485, %swap3A_486], %gather3A_481 {strides = array<i32>} : memref<2x16384xf32, #tpu.memory_space<vmem>>, vector<16xf32>,
        %reshape3A_488 = vector.shape_cast %get3A_402 : vector<16xi32> to vector<16x1xi32>
        %gather3A_489 = vector.shape_cast %reshape3A_488 : vector<16x1xi32> to vector<16xi32>
        %gather3A_490 = tpu.dynamic_gather %get3A_39[%gather3A_489] in [0] : vector<16xf32>, vector<16xi32> -> vector<16xf32>
        %add3A_491 = arith.constant 128 : i32
        %add3A_492 = arith.addi %add3A_406, %add3A_491 : i32
        %swap3A_493 = arith.constant 1 : i32
        %swap3A_494 = arith.index_cast %swap3A_493 : i32 to index
        %swap3A_495 = arith.index_cast %add3A_492 : i32 to index
        %swap3A_496 = tpu.vector_load %arg8[%swap3A_494, %swap3A_495] {strides = array<i32>} : memref<2x16384xf32, #tpu.memory_space<vmem>>, vector<16xf32>,
        tpu.vector_store %arg8[%swap3A_494, %swap3A_495], %gather3A_490 {strides = array<i32>} : memref<2x16384xf32, #tpu.memory_space<vmem>>, vector<16xf32>,
        %reshape3A_497 = vector.shape_cast %get3A_402 : vector<16xi32> to vector<16x1xi32>
        %gather3A_498 = vector.shape_cast %reshape3A_497 : vector<16x1xi32> to vector<16xi32>
        %gather3A_499 = tpu.dynamic_gather %get3A_43[%gather3A_498] in [0] : vector<16xf32>, vector<16xi32> -> vector<16xf32>
        %add3A_500 = arith.constant 256 : i32
        %add3A_501 = arith.addi %add3A_406, %add3A_500 : i32
        %swap3A_502 = arith.constant 1 : i32
        %swap3A_503 = arith.index_cast %swap3A_502 : i32 to index
        %swap3A_504 = arith.index_cast %add3A_501 : i32 to index
        %swap3A_505 = tpu.vector_load %arg8[%swap3A_503, %swap3A_504] {strides = array<i32>} : memref<2x16384xf32, #tpu.memory_space<vmem>>, vector<16xf32>,
        tpu.vector_store %arg8[%swap3A_503, %swap3A_504], %gather3A_499 {strides = array<i32>} : memref<2x16384xf32, #tpu.memory_space<vmem>>, vector<16xf32>,
        %reshape3A_506 = vector.shape_cast %get3A_402 : vector<16xi32> to vector<16x1xi32>
        %gather3A_507 = vector.shape_cast %reshape3A_506 : vector<16x1xi32> to vector<16xi32>
        %gather3A_508 = tpu.dynamic_gather %get3A_47[%gather3A_507] in [0] : vector<16xf32>, vector<16xi32> -> vector<16xf32>
        %add3A_509 = arith.constant 384 : i32
        %add3A_510 = arith.addi %add3A_406, %add3A_509 : i32
        %swap3A_511 = arith.constant 1 : i32
        %swap3A_512 = arith.index_cast %swap3A_511 : i32 to index
        %swap3A_513 = arith.index_cast %add3A_510 : i32 to index
        %swap3A_514 = tpu.vector_load %arg8[%swap3A_512, %swap3A_513] {strides = array<i32>} : memref<2x16384xf32, #tpu.memory_space<vmem>>, vector<16xf32>,
        tpu.vector_store %arg8[%swap3A_512, %swap3A_513], %gather3A_508 {strides = array<i32>} : memref<2x16384xf32, #tpu.memory_space<vmem>>, vector<16xf32>,
        %reshape3A_515 = vector.shape_cast %get3A_402 : vector<16xi32> to vector<16x1xi32>
        %gather3A_516 = vector.shape_cast %reshape3A_515 : vector<16x1xi32> to vector<16xi32>
        %gather3A_517 = tpu.dynamic_gather %get3A_51[%gather3A_516] in [0] : vector<16xf32>, vector<16xi32> -> vector<16xf32>
        %add3A_518 = arith.constant 512 : i32
        %add3A_519 = arith.addi %add3A_406, %add3A_518 : i32
        %swap3A_520 = arith.constant 1 : i32
        %swap3A_521 = arith.index_cast %swap3A_520 : i32 to index
        %swap3A_522 = arith.index_cast %add3A_519 : i32 to index
        %swap3A_523 = tpu.vector_load %arg8[%swap3A_521, %swap3A_522] {strides = array<i32>} : memref<2x16384xf32, #tpu.memory_space<vmem>>, vector<16xf32>,
        tpu.vector_store %arg8[%swap3A_521, %swap3A_522], %gather3A_517 {strides = array<i32>} : memref<2x16384xf32, #tpu.memory_space<vmem>>, vector<16xf32>,
        %reshape3A_524 = vector.shape_cast %get3A_402 : vector<16xi32> to vector<16x1xi32>
        %gather3A_525 = vector.shape_cast %reshape3A_524 : vector<16x1xi32> to vector<16xi32>
        %gather3A_526 = tpu.dynamic_gather %get3A_55[%gather3A_525] in [0] : vector<16xf32>, vector<16xi32> -> vector<16xf32>
        %add3A_527 = arith.constant 640 : i32
        %add3A_528 = arith.addi %add3A_406, %add3A_527 : i32
        %swap3A_529 = arith.constant 1 : i32
        %swap3A_530 = arith.index_cast %swap3A_529 : i32 to index
        %swap3A_531 = arith.index_cast %add3A_528 : i32 to index
        %swap3A_532 = tpu.vector_load %arg8[%swap3A_530, %swap3A_531] {strides = array<i32>} : memref<2x16384xf32, #tpu.memory_space<vmem>>, vector<16xf32>,
        tpu.vector_store %arg8[%swap3A_530, %swap3A_531], %gather3A_526 {strides = array<i32>} : memref<2x16384xf32, #tpu.memory_space<vmem>>, vector<16xf32>,
        %reshape3A_533 = vector.shape_cast %get3A_402 : vector<16xi32> to vector<16x1xi32>
        %gather3A_534 = vector.shape_cast %reshape3A_533 : vector<16x1xi32> to vector<16xi32>
        %gather3A_535 = tpu.dynamic_gather %get3A_59[%gather3A_534] in [0] : vector<16xf32>, vector<16xi32> -> vector<16xf32>
        %add3A_536 = arith.constant 768 : i32
        %add3A_537 = arith.addi %add3A_406, %add3A_536 : i32
        %swap3A_538 = arith.constant 1 : i32
        %swap3A_539 = arith.index_cast %swap3A_538 : i32 to index
        %swap3A_540 = arith.index_cast %add3A_537 : i32 to index
        %swap3A_541 = tpu.vector_load %arg8[%swap3A_539, %swap3A_540] {strides = array<i32>} : memref<2x16384xf32, #tpu.memory_space<vmem>>, vector<16xf32>,
        tpu.vector_store %arg8[%swap3A_539, %swap3A_540], %gather3A_535 {strides = array<i32>} : memref<2x16384xf32, #tpu.memory_space<vmem>>, vector<16xf32>,
        %reshape3A_542 = vector.shape_cast %get3A_402 : vector<16xi32> to vector<16x1xi32>
        %gather3A_543 = vector.shape_cast %reshape3A_542 : vector<16x1xi32> to vector<16xi32>
        %gather3A_544 = tpu.dynamic_gather %get3A_63[%gather3A_543] in [0] : vector<16xf32>, vector<16xi32> -> vector<16xf32>
        %add3A_545 = arith.constant 896 : i32
        %add3A_546 = arith.addi %add3A_406, %add3A_545 : i32
        %swap3A_547 = arith.constant 1 : i32
        %swap3A_548 = arith.index_cast %swap3A_547 : i32 to index
        %swap3A_549 = arith.index_cast %add3A_546 : i32 to index
        %swap3A_550 = tpu.vector_load %arg8[%swap3A_548, %swap3A_549] {strides = array<i32>} : memref<2x16384xf32, #tpu.memory_space<vmem>>, vector<16xf32>,
        tpu.vector_store %arg8[%swap3A_548, %swap3A_549], %gather3A_544 {strides = array<i32>} : memref<2x16384xf32, #tpu.memory_space<vmem>>, vector<16xf32>,
        %mul3A_551 = arith.constant 128 : i32
        %mul3A_552 = arith.muli %scan3A_245, %mul3A_551 : i32
        %add3A_553 = arith.constant 32 : i32
        %add3A_554 = arith.addi %mul3A_552, %add3A_553 : i32
        %get3A_555 = arith.index_cast %add3A_554 : i32 to index
        %get3A_556 = tpu.vector_load %arg6[%get3A_555] {strides = array<i32>} : memref<2048xi32, #tpu.memory_space<vmem>>, vector<16xi32>,
        %mul3A_557 = arith.constant 1024 : i32
        %mul3A_558 = arith.muli %scan3A_245, %mul3A_557 : i32
        %add3A_559 = arith.constant 32 : i32
        %add3A_560 = arith.addi %mul3A_558, %add3A_559 : i32
        %reshape3A_561 = vector.shape_cast %get3A_556 : vector<16xi32> to vector<16x1xi32>
        %gather3A_562 = vector.shape_cast %reshape3A_561 : vector<16x1xi32> to vector<16xi32>
        %gather3A_563 = tpu.dynamic_gather %get3A_3[%gather3A_562] in [0] : vector<16xf32>, vector<16xi32> -> vector<16xf32>
        %add3A_564 = arith.constant 0 : i32
        %add3A_565 = arith.addi %add3A_560, %add3A_564 : i32
        %swap3A_566 = arith.constant 0 : i32
        %swap3A_567 = arith.index_cast %swap3A_566 : i32 to index
        %swap3A_568 = arith.index_cast %add3A_565 : i32 to index
        %swap3A_569 = tpu.vector_load %arg8[%swap3A_567, %swap3A_568] {strides = array<i32>} : memref<2x16384xf32, #tpu.memory_space<vmem>>, vector<16xf32>,
        tpu.vector_store %arg8[%swap3A_567, %swap3A_568], %gather3A_563 {strides = array<i32>} : memref<2x16384xf32, #tpu.memory_space<vmem>>, vector<16xf32>,
        %reshape3A_570 = vector.shape_cast %get3A_556 : vector<16xi32> to vector<16x1xi32>
        %gather3A_571 = vector.shape_cast %reshape3A_570 : vector<16x1xi32> to vector<16xi32>
        %gather3A_572 = tpu.dynamic_gather %get3A_7[%gather3A_571] in [0] : vector<16xf32>, vector<16xi32> -> vector<16xf32>
        %add3A_573 = arith.constant 128 : i32
        %add3A_574 = arith.addi %add3A_560, %add3A_573 : i32
        %swap3A_575 = arith.constant 0 : i32
        %swap3A_576 = arith.index_cast %swap3A_575 : i32 to index
        %swap3A_577 = arith.index_cast %add3A_574 : i32 to index
        %swap3A_578 = tpu.vector_load %arg8[%swap3A_576, %swap3A_577] {strides = array<i32>} : memref<2x16384xf32, #tpu.memory_space<vmem>>, vector<16xf32>,
        tpu.vector_store %arg8[%swap3A_576, %swap3A_577], %gather3A_572 {strides = array<i32>} : memref<2x16384xf32, #tpu.memory_space<vmem>>, vector<16xf32>,
        %reshape3A_579 = vector.shape_cast %get3A_556 : vector<16xi32> to vector<16x1xi32>
        %gather3A_580 = vector.shape_cast %reshape3A_579 : vector<16x1xi32> to vector<16xi32>
        %gather3A_581 = tpu.dynamic_gather %get3A_11[%gather3A_580] in [0] : vector<16xf32>, vector<16xi32> -> vector<16xf32>
        %add3A_582 = arith.constant 256 : i32
        %add3A_583 = arith.addi %add3A_560, %add3A_582 : i32
        %swap3A_584 = arith.constant 0 : i32
        %swap3A_585 = arith.index_cast %swap3A_584 : i32 to index
        %swap3A_586 = arith.index_cast %add3A_583 : i32 to index
        %swap3A_587 = tpu.vector_load %arg8[%swap3A_585, %swap3A_586] {strides = array<i32>} : memref<2x16384xf32, #tpu.memory_space<vmem>>, vector<16xf32>,
        tpu.vector_store %arg8[%swap3A_585, %swap3A_586], %gather3A_581 {strides = array<i32>} : memref<2x16384xf32, #tpu.memory_space<vmem>>, vector<16xf32>,
        %reshape3A_588 = vector.shape_cast %get3A_556 : vector<16xi32> to vector<16x1xi32>
        %gather3A_589 = vector.shape_cast %reshape3A_588 : vector<16x1xi32> to vector<16xi32>
        %gather3A_590 = tpu.dynamic_gather %get3A_15[%gather3A_589] in [0] : vector<16xf32>, vector<16xi32> -> vector<16xf32>
        %add3A_591 = arith.constant 384 : i32
        %add3A_592 = arith.addi %add3A_560, %add3A_591 : i32
        %swap3A_593 = arith.constant 0 : i32
        %swap3A_594 = arith.index_cast %swap3A_593 : i32 to index
        %swap3A_595 = arith.index_cast %add3A_592 : i32 to index
        %swap3A_596 = tpu.vector_load %arg8[%swap3A_594, %swap3A_595] {strides = array<i32>} : memref<2x16384xf32, #tpu.memory_space<vmem>>, vector<16xf32>,
        tpu.vector_store %arg8[%swap3A_594, %swap3A_595], %gather3A_590 {strides = array<i32>} : memref<2x16384xf32, #tpu.memory_space<vmem>>, vector<16xf32>,
        %reshape3A_597 = vector.shape_cast %get3A_556 : vector<16xi32> to vector<16x1xi32>
        %gather3A_598 = vector.shape_cast %reshape3A_597 : vector<16x1xi32> to vector<16xi32>
        %gather3A_599 = tpu.dynamic_gather %get3A_19[%gather3A_598] in [0] : vector<16xf32>, vector<16xi32> -> vector<16xf32>
        %add3A_600 = arith.constant 512 : i32
        %add3A_601 = arith.addi %add3A_560, %add3A_600 : i32
        %swap3A_602 = arith.constant 0 : i32
        %swap3A_603 = arith.index_cast %swap3A_602 : i32 to index
        %swap3A_604 = arith.index_cast %add3A_601 : i32 to index
        %swap3A_605 = tpu.vector_load %arg8[%swap3A_603, %swap3A_604] {strides = array<i32>} : memref<2x16384xf32, #tpu.memory_space<vmem>>, vector<16xf32>,
        tpu.vector_store %arg8[%swap3A_603, %swap3A_604], %gather3A_599 {strides = array<i32>} : memref<2x16384xf32, #tpu.memory_space<vmem>>, vector<16xf32>,
        %reshape3A_606 = vector.shape_cast %get3A_556 : vector<16xi32> to vector<16x1xi32>
        %gather3A_607 = vector.shape_cast %reshape3A_606 : vector<16x1xi32> to vector<16xi32>
        %gather3A_608 = tpu.dynamic_gather %get3A_23[%gather3A_607] in [0] : vector<16xf32>, vector<16xi32> -> vector<16xf32>
        %add3A_609 = arith.constant 640 : i32
        %add3A_610 = arith.addi %add3A_560, %add3A_609 : i32
        %swap3A_611 = arith.constant 0 : i32
        %swap3A_612 = arith.index_cast %swap3A_611 : i32 to index
        %swap3A_613 = arith.index_cast %add3A_610 : i32 to index
        %swap3A_614 = tpu.vector_load %arg8[%swap3A_612, %swap3A_613] {strides = array<i32>} : memref<2x16384xf32, #tpu.memory_space<vmem>>, vector<16xf32>,
        tpu.vector_store %arg8[%swap3A_612, %swap3A_613], %gather3A_608 {strides = array<i32>} : memref<2x16384xf32, #tpu.memory_space<vmem>>, vector<16xf32>,
        %reshape3A_615 = vector.shape_cast %get3A_556 : vector<16xi32> to vector<16x1xi32>
        %gather3A_616 = vector.shape_cast %reshape3A_615 : vector<16x1xi32> to vector<16xi32>
        %gather3A_617 = tpu.dynamic_gather %get3A_27[%gather3A_616] in [0] : vector<16xf32>, vector<16xi32> -> vector<16xf32>
        %add3A_618 = arith.constant 768 : i32
        %add3A_619 = arith.addi %add3A_560, %add3A_618 : i32
        %swap3A_620 = arith.constant 0 : i32
        %swap3A_621 = arith.index_cast %swap3A_620 : i32 to index
        %swap3A_622 = arith.index_cast %add3A_619 : i32 to index
        %swap3A_623 = tpu.vector_load %arg8[%swap3A_621, %swap3A_622] {strides = array<i32>} : memref<2x16384xf32, #tpu.memory_space<vmem>>, vector<16xf32>,
        tpu.vector_store %arg8[%swap3A_621, %swap3A_622], %gather3A_617 {strides = array<i32>} : memref<2x16384xf32, #tpu.memory_space<vmem>>, vector<16xf32>,
        %reshape3A_624 = vector.shape_cast %get3A_556 : vector<16xi32> to vector<16x1xi32>
        %gather3A_625 = vector.shape_cast %reshape3A_624 : vector<16x1xi32> to vector<16xi32>
        %gather3A_626 = tpu.dynamic_gather %get3A_31[%gather3A_625] in [0] : vector<16xf32>, vector<16xi32> -> vector<16xf32>
        %add3A_627 = arith.constant 896 : i32
        %add3A_628 = arith.addi %add3A_560, %add3A_627 : i32
        %swap3A_629 = arith.constant 0 : i32
        %swap3A_630 = arith.index_cast %swap3A_629 : i32 to index
        %swap3A_631 = arith.index_cast %add3A_628 : i32 to index
        %swap3A_632 = tpu.vector_load %arg8[%swap3A_630, %swap3A_631] {strides = array<i32>} : memref<2x16384xf32, #tpu.memory_space<vmem>>, vector<16xf32>,
        tpu.vector_store %arg8[%swap3A_630, %swap3A_631], %gather3A_626 {strides = array<i32>} : memref<2x16384xf32, #tpu.memory_space<vmem>>, vector<16xf32>,
        %reshape3A_633 = vector.shape_cast %get3A_556 : vector<16xi32> to vector<16x1xi32>
        %gather3A_634 = vector.shape_cast %reshape3A_633 : vector<16x1xi32> to vector<16xi32>
        %gather3A_635 = tpu.dynamic_gather %get3A_35[%gather3A_634] in [0] : vector<16xf32>, vector<16xi32> -> vector<16xf32>
        %add3A_636 = arith.constant 0 : i32
        %add3A_637 = arith.addi %add3A_560, %add3A_636 : i32
        %swap3A_638 = arith.constant 1 : i32
        %swap3A_639 = arith.index_cast %swap3A_638 : i32 to index
        %swap3A_640 = arith.index_cast %add3A_637 : i32 to index
        %swap3A_641 = tpu.vector_load %arg8[%swap3A_639, %swap3A_640] {strides = array<i32>} : memref<2x16384xf32, #tpu.memory_space<vmem>>, vector<16xf32>,
        tpu.vector_store %arg8[%swap3A_639, %swap3A_640], %gather3A_635 {strides = array<i32>} : memref<2x16384xf32, #tpu.memory_space<vmem>>, vector<16xf32>,
        %reshape3A_642 = vector.shape_cast %get3A_556 : vector<16xi32> to vector<16x1xi32>
        %gather3A_643 = vector.shape_cast %reshape3A_642 : vector<16x1xi32> to vector<16xi32>
        %gather3A_644 = tpu.dynamic_gather %get3A_39[%gather3A_643] in [0] : vector<16xf32>, vector<16xi32> -> vector<16xf32>
        %add3A_645 = arith.constant 128 : i32
        %add3A_646 = arith.addi %add3A_560, %add3A_645 : i32
        %swap3A_647 = arith.constant 1 : i32
        %swap3A_648 = arith.index_cast %swap3A_647 : i32 to index
        %swap3A_649 = arith.index_cast %add3A_646 : i32 to index
        %swap3A_650 = tpu.vector_load %arg8[%swap3A_648, %swap3A_649] {strides = array<i32>} : memref<2x16384xf32, #tpu.memory_space<vmem>>, vector<16xf32>,
        tpu.vector_store %arg8[%swap3A_648, %swap3A_649], %gather3A_644 {strides = array<i32>} : memref<2x16384xf32, #tpu.memory_space<vmem>>, vector<16xf32>,
        %reshape3A_651 = vector.shape_cast %get3A_556 : vector<16xi32> to vector<16x1xi32>
        %gather3A_652 = vector.shape_cast %reshape3A_651 : vector<16x1xi32> to vector<16xi32>
        %gather3A_653 = tpu.dynamic_gather %get3A_43[%gather3A_652] in [0] : vector<16xf32>, vector<16xi32> -> vector<16xf32>
        %add3A_654 = arith.constant 256 : i32
        %add3A_655 = arith.addi %add3A_560, %add3A_654 : i32
        %swap3A_656 = arith.constant 1 : i32
        %swap3A_657 = arith.index_cast %swap3A_656 : i32 to index
        %swap3A_658 = arith.index_cast %add3A_655 : i32 to index
        %swap3A_659 = tpu.vector_load %arg8[%swap3A_657, %swap3A_658] {strides = array<i32>} : memref<2x16384xf32, #tpu.memory_space<vmem>>, vector<16xf32>,
        tpu.vector_store %arg8[%swap3A_657, %swap3A_658], %gather3A_653 {strides = array<i32>} : memref<2x16384xf32, #tpu.memory_space<vmem>>, vector<16xf32>,
        %reshape3A_660 = vector.shape_cast %get3A_556 : vector<16xi32> to vector<16x1xi32>
        %gather3A_661 = vector.shape_cast %reshape3A_660 : vector<16x1xi32> to vector<16xi32>
        %gather3A_662 = tpu.dynamic_gather %get3A_47[%gather3A_661] in [0] : vector<16xf32>, vector<16xi32> -> vector<16xf32>
        %add3A_663 = arith.constant 384 : i32
        %add3A_664 = arith.addi %add3A_560, %add3A_663 : i32
        %swap3A_665 = arith.constant 1 : i32
        %swap3A_666 = arith.index_cast %swap3A_665 : i32 to index
        %swap3A_667 = arith.index_cast %add3A_664 : i32 to index
        %swap3A_668 = tpu.vector_load %arg8[%swap3A_666, %swap3A_667] {strides = array<i32>} : memref<2x16384xf32, #tpu.memory_space<vmem>>, vector<16xf32>,
        tpu.vector_store %arg8[%swap3A_666, %swap3A_667], %gather3A_662 {strides = array<i32>} : memref<2x16384xf32, #tpu.memory_space<vmem>>, vector<16xf32>,
        %reshape3A_669 = vector.shape_cast %get3A_556 : vector<16xi32> to vector<16x1xi32>
        %gather3A_670 = vector.shape_cast %reshape3A_669 : vector<16x1xi32> to vector<16xi32>
        %gather3A_671 = tpu.dynamic_gather %get3A_51[%gather3A_670] in [0] : vector<16xf32>, vector<16xi32> -> vector<16xf32>
        %add3A_672 = arith.constant 512 : i32
        %add3A_673 = arith.addi %add3A_560, %add3A_672 : i32
        %swap3A_674 = arith.constant 1 : i32
        %swap3A_675 = arith.index_cast %swap3A_674 : i32 to index
        %swap3A_676 = arith.index_cast %add3A_673 : i32 to index
        %swap3A_677 = tpu.vector_load %arg8[%swap3A_675, %swap3A_676] {strides = array<i32>} : memref<2x16384xf32, #tpu.memory_space<vmem>>, vector<16xf32>,
        tpu.vector_store %arg8[%swap3A_675, %swap3A_676], %gather3A_671 {strides = array<i32>} : memref<2x16384xf32, #tpu.memory_space<vmem>>, vector<16xf32>,
        %reshape3A_678 = vector.shape_cast %get3A_556 : vector<16xi32> to vector<16x1xi32>
        %gather3A_679 = vector.shape_cast %reshape3A_678 : vector<16x1xi32> to vector<16xi32>
        %gather3A_680 = tpu.dynamic_gather %get3A_55[%gather3A_679] in [0] : vector<16xf32>, vector<16xi32> -> vector<16xf32>
        %add3A_681 = arith.constant 640 : i32
        %add3A_682 = arith.addi %add3A_560, %add3A_681 : i32
        %swap3A_683 = arith.constant 1 : i32
        %swap3A_684 = arith.index_cast %swap3A_683 : i32 to index
        %swap3A_685 = arith.index_cast %add3A_682 : i32 to index
        %swap3A_686 = tpu.vector_load %arg8[%swap3A_684, %swap3A_685] {strides = array<i32>} : memref<2x16384xf32, #tpu.memory_space<vmem>>, vector<16xf32>,
        tpu.vector_store %arg8[%swap3A_684, %swap3A_685], %gather3A_680 {strides = array<i32>} : memref<2x16384xf32, #tpu.memory_space<vmem>>, vector<16xf32>,
        %reshape3A_687 = vector.shape_cast %get3A_556 : vector<16xi32> to vector<16x1xi32>
        %gather3A_688 = vector.shape_cast %reshape3A_687 : vector<16x1xi32> to vector<16xi32>
        %gather3A_689 = tpu.dynamic_gather %get3A_59[%gather3A_688] in [0] : vector<16xf32>, vector<16xi32> -> vector<16xf32>
        %add3A_690 = arith.constant 768 : i32
        %add3A_691 = arith.addi %add3A_560, %add3A_690 : i32
        %swap3A_692 = arith.constant 1 : i32
        %swap3A_693 = arith.index_cast %swap3A_692 : i32 to index
        %swap3A_694 = arith.index_cast %add3A_691 : i32 to index
        %swap3A_695 = tpu.vector_load %arg8[%swap3A_693, %swap3A_694] {strides = array<i32>} : memref<2x16384xf32, #tpu.memory_space<vmem>>, vector<16xf32>,
        tpu.vector_store %arg8[%swap3A_693, %swap3A_694], %gather3A_689 {strides = array<i32>} : memref<2x16384xf32, #tpu.memory_space<vmem>>, vector<16xf32>,
        %reshape3A_696 = vector.shape_cast %get3A_556 : vector<16xi32> to vector<16x1xi32>
        %gather3A_697 = vector.shape_cast %reshape3A_696 : vector<16x1xi32> to vector<16xi32>
        %gather3A_698 = tpu.dynamic_gather %get3A_63[%gather3A_697] in [0] : vector<16xf32>, vector<16xi32> -> vector<16xf32>
        %add3A_699 = arith.constant 896 : i32
        %add3A_700 = arith.addi %add3A_560, %add3A_699 : i32
        %swap3A_701 = arith.constant 1 : i32
        %swap3A_702 = arith.index_cast %swap3A_701 : i32 to index
        %swap3A_703 = arith.index_cast %add3A_700 : i32 to index
        %swap3A_704 = tpu.vector_load %arg8[%swap3A_702, %swap3A_703] {strides = array<i32>} : memref<2x16384xf32, #tpu.memory_space<vmem>>, vector<16xf32>,
        tpu.vector_store %arg8[%swap3A_702, %swap3A_703], %gather3A_698 {strides = array<i32>} : memref<2x16384xf32, #tpu.memory_space<vmem>>, vector<16xf32>,
        %mul3A_705 = arith.constant 128 : i32
        %mul3A_706 = arith.muli %scan3A_245, %mul3A_705 : i32
        %add3A_707 = arith.constant 48 : i32
        %add3A_708 = arith.addi %mul3A_706, %add3A_707 : i32
        %get3A_709 = arith.index_cast %add3A_708 : i32 to index
        %get3A_710 = tpu.vector_load %arg6[%get3A_709] {strides = array<i32>} : memref<2048xi32, #tpu.memory_space<vmem>>, vector<16xi32>,
        %mul3A_711 = arith.constant 1024 : i32
        %mul3A_712 = arith.muli %scan3A_245, %mul3A_711 : i32
        %add3A_713 = arith.constant 48 : i32
        %add3A_714 = arith.addi %mul3A_712, %add3A_713 : i32
        %reshape3A_715 = vector.shape_cast %get3A_710 : vector<16xi32> to vector<16x1xi32>
        %gather3A_716 = vector.shape_cast %reshape3A_715 : vector<16x1xi32> to vector<16xi32>
        %gather3A_717 = tpu.dynamic_gather %get3A_3[%gather3A_716] in [0] : vector<16xf32>, vector<16xi32> -> vector<16xf32>
        %add3A_718 = arith.constant 0 : i32
        %add3A_719 = arith.addi %add3A_714, %add3A_718 : i32
        %swap3A_720 = arith.constant 0 : i32
        %swap3A_721 = arith.index_cast %swap3A_720 : i32 to index
        %swap3A_722 = arith.index_cast %add3A_719 : i32 to index
        %swap3A_723 = tpu.vector_load %arg8[%swap3A_721, %swap3A_722] {strides = array<i32>} : memref<2x16384xf32, #tpu.memory_space<vmem>>, vector<16xf32>,
        tpu.vector_store %arg8[%swap3A_721, %swap3A_722], %gather3A_717 {strides = array<i32>} : memref<2x16384xf32, #tpu.memory_space<vmem>>, vector<16xf32>,
        %reshape3A_724 = vector.shape_cast %get3A_710 : vector<16xi32> to vector<16x1xi32>
        %gather3A_725 = vector.shape_cast %reshape3A_724 : vector<16x1xi32> to vector<16xi32>
        %gather3A_726 = tpu.dynamic_gather %get3A_7[%gather3A_725] in [0] : vector<16xf32>, vector<16xi32> -> vector<16xf32>
        %add3A_727 = arith.constant 128 : i32
        %add3A_728 = arith.addi %add3A_714, %add3A_727 : i32
        %swap3A_729 = arith.constant 0 : i32
        %swap3A_730 = arith.index_cast %swap3A_729 : i32 to index
        %swap3A_731 = arith.index_cast %add3A_728 : i32 to index
        %swap3A_732 = tpu.vector_load %arg8[%swap3A_730, %swap3A_731] {strides = array<i32>} : memref<2x16384xf32, #tpu.memory_space<vmem>>, vector<16xf32>,
        tpu.vector_store %arg8[%swap3A_730, %swap3A_731], %gather3A_726 {strides = array<i32>} : memref<2x16384xf32, #tpu.memory_space<vmem>>, vector<16xf32>,
        %reshape3A_733 = vector.shape_cast %get3A_710 : vector<16xi32> to vector<16x1xi32>
        %gather3A_734 = vector.shape_cast %reshape3A_733 : vector<16x1xi32> to vector<16xi32>
        %gather3A_735 = tpu.dynamic_gather %get3A_11[%gather3A_734] in [0] : vector<16xf32>, vector<16xi32> -> vector<16xf32>
        %add3A_736 = arith.constant 256 : i32
        %add3A_737 = arith.addi %add3A_714, %add3A_736 : i32
        %swap3A_738 = arith.constant 0 : i32
        %swap3A_739 = arith.index_cast %swap3A_738 : i32 to index
        %swap3A_740 = arith.index_cast %add3A_737 : i32 to index
        %swap3A_741 = tpu.vector_load %arg8[%swap3A_739, %swap3A_740] {strides = array<i32>} : memref<2x16384xf32, #tpu.memory_space<vmem>>, vector<16xf32>,
        tpu.vector_store %arg8[%swap3A_739, %swap3A_740], %gather3A_735 {strides = array<i32>} : memref<2x16384xf32, #tpu.memory_space<vmem>>, vector<16xf32>,
        %reshape3A_742 = vector.shape_cast %get3A_710 : vector<16xi32> to vector<16x1xi32>
        %gather3A_743 = vector.shape_cast %reshape3A_742 : vector<16x1xi32> to vector<16xi32>
        %gather3A_744 = tpu.dynamic_gather %get3A_15[%gather3A_743] in [0] : vector<16xf32>, vector<16xi32> -> vector<16xf32>
        %add3A_745 = arith.constant 384 : i32
        %add3A_746 = arith.addi %add3A_714, %add3A_745 : i32
        %swap3A_747 = arith.constant 0 : i32
        %swap3A_748 = arith.index_cast %swap3A_747 : i32 to index
        %swap3A_749 = arith.index_cast %add3A_746 : i32 to index
        %swap3A_750 = tpu.vector_load %arg8[%swap3A_748, %swap3A_749] {strides = array<i32>} : memref<2x16384xf32, #tpu.memory_space<vmem>>, vector<16xf32>,
        tpu.vector_store %arg8[%swap3A_748, %swap3A_749], %gather3A_744 {strides = array<i32>} : memref<2x16384xf32, #tpu.memory_space<vmem>>, vector<16xf32>,
        %reshape3A_751 = vector.shape_cast %get3A_710 : vector<16xi32> to vector<16x1xi32>
        %gather3A_752 = vector.shape_cast %reshape3A_751 : vector<16x1xi32> to vector<16xi32>
        %gather3A_753 = tpu.dynamic_gather %get3A_19[%gather3A_752] in [0] : vector<16xf32>, vector<16xi32> -> vector<16xf32>
        %add3A_754 = arith.constant 512 : i32
        %add3A_755 = arith.addi %add3A_714, %add3A_754 : i32
        %swap3A_756 = arith.constant 0 : i32
        %swap3A_757 = arith.index_cast %swap3A_756 : i32 to index
        %swap3A_758 = arith.index_cast %add3A_755 : i32 to index
        %swap3A_759 = tpu.vector_load %arg8[%swap3A_757, %swap3A_758] {strides = array<i32>} : memref<2x16384xf32, #tpu.memory_space<vmem>>, vector<16xf32>,
        tpu.vector_store %arg8[%swap3A_757, %swap3A_758], %gather3A_753 {strides = array<i32>} : memref<2x16384xf32, #tpu.memory_space<vmem>>, vector<16xf32>,
        %reshape3A_760 = vector.shape_cast %get3A_710 : vector<16xi32> to vector<16x1xi32>
        %gather3A_761 = vector.shape_cast %reshape3A_760 : vector<16x1xi32> to vector<16xi32>
        %gather3A_762 = tpu.dynamic_gather %get3A_23[%gather3A_761] in [0] : vector<16xf32>, vector<16xi32> -> vector<16xf32>
        %add3A_763 = arith.constant 640 : i32
        %add3A_764 = arith.addi %add3A_714, %add3A_763 : i32
        %swap3A_765 = arith.constant 0 : i32
        %swap3A_766 = arith.index_cast %swap3A_765 : i32 to index
        %swap3A_767 = arith.index_cast %add3A_764 : i32 to index
        %swap3A_768 = tpu.vector_load %arg8[%swap3A_766, %swap3A_767] {strides = array<i32>} : memref<2x16384xf32, #tpu.memory_space<vmem>>, vector<16xf32>,
        tpu.vector_store %arg8[%swap3A_766, %swap3A_767], %gather3A_762 {strides = array<i32>} : memref<2x16384xf32, #tpu.memory_space<vmem>>, vector<16xf32>,
        %reshape3A_769 = vector.shape_cast %get3A_710 : vector<16xi32> to vector<16x1xi32>
        %gather3A_770 = vector.shape_cast %reshape3A_769 : vector<16x1xi32> to vector<16xi32>
        %gather3A_771 = tpu.dynamic_gather %get3A_27[%gather3A_770] in [0] : vector<16xf32>, vector<16xi32> -> vector<16xf32>
        %add3A_772 = arith.constant 768 : i32
        %add3A_773 = arith.addi %add3A_714, %add3A_772 : i32
        %swap3A_774 = arith.constant 0 : i32
        %swap3A_775 = arith.index_cast %swap3A_774 : i32 to index
        %swap3A_776 = arith.index_cast %add3A_773 : i32 to index
        %swap3A_777 = tpu.vector_load %arg8[%swap3A_775, %swap3A_776] {strides = array<i32>} : memref<2x16384xf32, #tpu.memory_space<vmem>>, vector<16xf32>,
        tpu.vector_store %arg8[%swap3A_775, %swap3A_776], %gather3A_771 {strides = array<i32>} : memref<2x16384xf32, #tpu.memory_space<vmem>>, vector<16xf32>,
        %reshape3A_778 = vector.shape_cast %get3A_710 : vector<16xi32> to vector<16x1xi32>
        %gather3A_779 = vector.shape_cast %reshape3A_778 : vector<16x1xi32> to vector<16xi32>
        %gather3A_780 = tpu.dynamic_gather %get3A_31[%gather3A_779] in [0] : vector<16xf32>, vector<16xi32> -> vector<16xf32>
        %add3A_781 = arith.constant 896 : i32
        %add3A_782 = arith.addi %add3A_714, %add3A_781 : i32
        %swap3A_783 = arith.constant 0 : i32
        %swap3A_784 = arith.index_cast %swap3A_783 : i32 to index
        %swap3A_785 = arith.index_cast %add3A_782 : i32 to index
        %swap3A_786 = tpu.vector_load %arg8[%swap3A_784, %swap3A_785] {strides = array<i32>} : memref<2x16384xf32, #tpu.memory_space<vmem>>, vector<16xf32>,
        tpu.vector_store %arg8[%swap3A_784, %swap3A_785], %gather3A_780 {strides = array<i32>} : memref<2x16384xf32, #tpu.memory_space<vmem>>, vector<16xf32>,
        %reshape3A_787 = vector.shape_cast %get3A_710 : vector<16xi32> to vector<16x1xi32>
        %gather3A_788 = vector.shape_cast %reshape3A_787 : vector<16x1xi32> to vector<16xi32>
        %gather3A_789 = tpu.dynamic_gather %get3A_35[%gather3A_788] in [0] : vector<16xf32>, vector<16xi32> -> vector<16xf32>
        %add3A_790 = arith.constant 0 : i32
        %add3A_791 = arith.addi %add3A_714, %add3A_790 : i32
        %swap3A_792 = arith.constant 1 : i32
        %swap3A_793 = arith.index_cast %swap3A_792 : i32 to index
        %swap3A_794 = arith.index_cast %add3A_791 : i32 to index
        %swap3A_795 = tpu.vector_load %arg8[%swap3A_793, %swap3A_794] {strides = array<i32>} : memref<2x16384xf32, #tpu.memory_space<vmem>>, vector<16xf32>,
        tpu.vector_store %arg8[%swap3A_793, %swap3A_794], %gather3A_789 {strides = array<i32>} : memref<2x16384xf32, #tpu.memory_space<vmem>>, vector<16xf32>,
        %reshape3A_796 = vector.shape_cast %get3A_710 : vector<16xi32> to vector<16x1xi32>
        %gather3A_797 = vector.shape_cast %reshape3A_796 : vector<16x1xi32> to vector<16xi32>
        %gather3A_798 = tpu.dynamic_gather %get3A_39[%gather3A_797] in [0] : vector<16xf32>, vector<16xi32> -> vector<16xf32>
        %add3A_799 = arith.constant 128 : i32
        %add3A_800 = arith.addi %add3A_714, %add3A_799 : i32
        %swap3A_801 = arith.constant 1 : i32
        %swap3A_802 = arith.index_cast %swap3A_801 : i32 to index
        %swap3A_803 = arith.index_cast %add3A_800 : i32 to index
        %swap3A_804 = tpu.vector_load %arg8[%swap3A_802, %swap3A_803] {strides = array<i32>} : memref<2x16384xf32, #tpu.memory_space<vmem>>, vector<16xf32>,
        tpu.vector_store %arg8[%swap3A_802, %swap3A_803], %gather3A_798 {strides = array<i32>} : memref<2x16384xf32, #tpu.memory_space<vmem>>, vector<16xf32>,
        %reshape3A_805 = vector.shape_cast %get3A_710 : vector<16xi32> to vector<16x1xi32>
        %gather3A_806 = vector.shape_cast %reshape3A_805 : vector<16x1xi32> to vector<16xi32>
        %gather3A_807 = tpu.dynamic_gather %get3A_43[%gather3A_806] in [0] : vector<16xf32>, vector<16xi32> -> vector<16xf32>
        %add3A_808 = arith.constant 256 : i32
        %add3A_809 = arith.addi %add3A_714, %add3A_808 : i32
        %swap3A_810 = arith.constant 1 : i32
        %swap3A_811 = arith.index_cast %swap3A_810 : i32 to index
        %swap3A_812 = arith.index_cast %add3A_809 : i32 to index
        %swap3A_813 = tpu.vector_load %arg8[%swap3A_811, %swap3A_812] {strides = array<i32>} : memref<2x16384xf32, #tpu.memory_space<vmem>>, vector<16xf32>,
        tpu.vector_store %arg8[%swap3A_811, %swap3A_812], %gather3A_807 {strides = array<i32>} : memref<2x16384xf32, #tpu.memory_space<vmem>>, vector<16xf32>,
        %reshape3A_814 = vector.shape_cast %get3A_710 : vector<16xi32> to vector<16x1xi32>
        %gather3A_815 = vector.shape_cast %reshape3A_814 : vector<16x1xi32> to vector<16xi32>
        %gather3A_816 = tpu.dynamic_gather %get3A_47[%gather3A_815] in [0] : vector<16xf32>, vector<16xi32> -> vector<16xf32>
        %add3A_817 = arith.constant 384 : i32
        %add3A_818 = arith.addi %add3A_714, %add3A_817 : i32
        %swap3A_819 = arith.constant 1 : i32
        %swap3A_820 = arith.index_cast %swap3A_819 : i32 to index
        %swap3A_821 = arith.index_cast %add3A_818 : i32 to index
        %swap3A_822 = tpu.vector_load %arg8[%swap3A_820, %swap3A_821] {strides = array<i32>} : memref<2x16384xf32, #tpu.memory_space<vmem>>, vector<16xf32>,
        tpu.vector_store %arg8[%swap3A_820, %swap3A_821], %gather3A_816 {strides = array<i32>} : memref<2x16384xf32, #tpu.memory_space<vmem>>, vector<16xf32>,
        %reshape3A_823 = vector.shape_cast %get3A_710 : vector<16xi32> to vector<16x1xi32>
        %gather3A_824 = vector.shape_cast %reshape3A_823 : vector<16x1xi32> to vector<16xi32>
        %gather3A_825 = tpu.dynamic_gather %get3A_51[%gather3A_824] in [0] : vector<16xf32>, vector<16xi32> -> vector<16xf32>
        %add3A_826 = arith.constant 512 : i32
        %add3A_827 = arith.addi %add3A_714, %add3A_826 : i32
        %swap3A_828 = arith.constant 1 : i32
        %swap3A_829 = arith.index_cast %swap3A_828 : i32 to index
        %swap3A_830 = arith.index_cast %add3A_827 : i32 to index
        %swap3A_831 = tpu.vector_load %arg8[%swap3A_829, %swap3A_830] {strides = array<i32>} : memref<2x16384xf32, #tpu.memory_space<vmem>>, vector<16xf32>,
        tpu.vector_store %arg8[%swap3A_829, %swap3A_830], %gather3A_825 {strides = array<i32>} : memref<2x16384xf32, #tpu.memory_space<vmem>>, vector<16xf32>,
        %reshape3A_832 = vector.shape_cast %get3A_710 : vector<16xi32> to vector<16x1xi32>
        %gather3A_833 = vector.shape_cast %reshape3A_832 : vector<16x1xi32> to vector<16xi32>
        %gather3A_834 = tpu.dynamic_gather %get3A_55[%gather3A_833] in [0] : vector<16xf32>, vector<16xi32> -> vector<16xf32>
        %add3A_835 = arith.constant 640 : i32
        %add3A_836 = arith.addi %add3A_714, %add3A_835 : i32
        %swap3A_837 = arith.constant 1 : i32
        %swap3A_838 = arith.index_cast %swap3A_837 : i32 to index
        %swap3A_839 = arith.index_cast %add3A_836 : i32 to index
        %swap3A_840 = tpu.vector_load %arg8[%swap3A_838, %swap3A_839] {strides = array<i32>} : memref<2x16384xf32, #tpu.memory_space<vmem>>, vector<16xf32>,
        tpu.vector_store %arg8[%swap3A_838, %swap3A_839], %gather3A_834 {strides = array<i32>} : memref<2x16384xf32, #tpu.memory_space<vmem>>, vector<16xf32>,
        %reshape3A_841 = vector.shape_cast %get3A_710 : vector<16xi32> to vector<16x1xi32>
        %gather3A_842 = vector.shape_cast %reshape3A_841 : vector<16x1xi32> to vector<16xi32>
        %gather3A_843 = tpu.dynamic_gather %get3A_59[%gather3A_842] in [0] : vector<16xf32>, vector<16xi32> -> vector<16xf32>
        %add3A_844 = arith.constant 768 : i32
        %add3A_845 = arith.addi %add3A_714, %add3A_844 : i32
        %swap3A_846 = arith.constant 1 : i32
        %swap3A_847 = arith.index_cast %swap3A_846 : i32 to index
        %swap3A_848 = arith.index_cast %add3A_845 : i32 to index
        %swap3A_849 = tpu.vector_load %arg8[%swap3A_847, %swap3A_848] {strides = array<i32>} : memref<2x16384xf32, #tpu.memory_space<vmem>>, vector<16xf32>,
        tpu.vector_store %arg8[%swap3A_847, %swap3A_848], %gather3A_843 {strides = array<i32>} : memref<2x16384xf32, #tpu.memory_space<vmem>>, vector<16xf32>,
        %reshape3A_850 = vector.shape_cast %get3A_710 : vector<16xi32> to vector<16x1xi32>
        %gather3A_851 = vector.shape_cast %reshape3A_850 : vector<16x1xi32> to vector<16xi32>
        %gather3A_852 = tpu.dynamic_gather %get3A_63[%gather3A_851] in [0] : vector<16xf32>, vector<16xi32> -> vector<16xf32>
        %add3A_853 = arith.constant 896 : i32
        %add3A_854 = arith.addi %add3A_714, %add3A_853 : i32
        %swap3A_855 = arith.constant 1 : i32
        %swap3A_856 = arith.index_cast %swap3A_855 : i32 to index
        %swap3A_857 = arith.index_cast %add3A_854 : i32 to index
        %swap3A_858 = tpu.vector_load %arg8[%swap3A_856, %swap3A_857] {strides = array<i32>} : memref<2x16384xf32, #tpu.memory_space<vmem>>, vector<16xf32>,
        tpu.vector_store %arg8[%swap3A_856, %swap3A_857], %gather3A_852 {strides = array<i32>} : memref<2x16384xf32, #tpu.memory_space<vmem>>, vector<16xf32>,
        %mul3A_859 = arith.constant 128 : i32
        %mul3A_860 = arith.muli %scan3A_245, %mul3A_859 : i32
        %add3A_861 = arith.constant 64 : i32
        %add3A_862 = arith.addi %mul3A_860, %add3A_861 : i32
        %get3A_863 = arith.index_cast %add3A_862 : i32 to index
        %get3A_864 = tpu.vector_load %arg6[%get3A_863] {strides = array<i32>} : memref<2048xi32, #tpu.memory_space<vmem>>, vector<16xi32>,
        %mul3A_865 = arith.constant 1024 : i32
        %mul3A_866 = arith.muli %scan3A_245, %mul3A_865 : i32
        %add3A_867 = arith.constant 64 : i32
        %add3A_868 = arith.addi %mul3A_866, %add3A_867 : i32
        %reshape3A_869 = vector.shape_cast %get3A_864 : vector<16xi32> to vector<16x1xi32>
        %gather3A_870 = vector.shape_cast %reshape3A_869 : vector<16x1xi32> to vector<16xi32>
        %gather3A_871 = tpu.dynamic_gather %get3A_3[%gather3A_870] in [0] : vector<16xf32>, vector<16xi32> -> vector<16xf32>
        %add3A_872 = arith.constant 0 : i32
        %add3A_873 = arith.addi %add3A_868, %add3A_872 : i32
        %swap3A_874 = arith.constant 0 : i32
        %swap3A_875 = arith.index_cast %swap3A_874 : i32 to index
        %swap3A_876 = arith.index_cast %add3A_873 : i32 to index
        %swap3A_877 = tpu.vector_load %arg8[%swap3A_875, %swap3A_876] {strides = array<i32>} : memref<2x16384xf32, #tpu.memory_space<vmem>>, vector<16xf32>,
        tpu.vector_store %arg8[%swap3A_875, %swap3A_876], %gather3A_871 {strides = array<i32>} : memref<2x16384xf32, #tpu.memory_space<vmem>>, vector<16xf32>,
        %reshape3A_878 = vector.shape_cast %get3A_864 : vector<16xi32> to vector<16x1xi32>
        %gather3A_879 = vector.shape_cast %reshape3A_878 : vector<16x1xi32> to vector<16xi32>
        %gather3A_880 = tpu.dynamic_gather %get3A_7[%gather3A_879] in [0] : vector<16xf32>, vector<16xi32> -> vector<16xf32>
        %add3A_881 = arith.constant 128 : i32
        %add3A_882 = arith.addi %add3A_868, %add3A_881 : i32
        %swap3A_883 = arith.constant 0 : i32
        %swap3A_884 = arith.index_cast %swap3A_883 : i32 to index
        %swap3A_885 = arith.index_cast %add3A_882 : i32 to index
        %swap3A_886 = tpu.vector_load %arg8[%swap3A_884, %swap3A_885] {strides = array<i32>} : memref<2x16384xf32, #tpu.memory_space<vmem>>, vector<16xf32>,
        tpu.vector_store %arg8[%swap3A_884, %swap3A_885], %gather3A_880 {strides = array<i32>} : memref<2x16384xf32, #tpu.memory_space<vmem>>, vector<16xf32>,
        %reshape3A_887 = vector.shape_cast %get3A_864 : vector<16xi32> to vector<16x1xi32>
        %gather3A_888 = vector.shape_cast %reshape3A_887 : vector<16x1xi32> to vector<16xi32>
        %gather3A_889 = tpu.dynamic_gather %get3A_11[%gather3A_888] in [0] : vector<16xf32>, vector<16xi32> -> vector<16xf32>
        %add3A_890 = arith.constant 256 : i32
        %add3A_891 = arith.addi %add3A_868, %add3A_890 : i32
        %swap3A_892 = arith.constant 0 : i32
        %swap3A_893 = arith.index_cast %swap3A_892 : i32 to index
        %swap3A_894 = arith.index_cast %add3A_891 : i32 to index
        %swap3A_895 = tpu.vector_load %arg8[%swap3A_893, %swap3A_894] {strides = array<i32>} : memref<2x16384xf32, #tpu.memory_space<vmem>>, vector<16xf32>,
        tpu.vector_store %arg8[%swap3A_893, %swap3A_894], %gather3A_889 {strides = array<i32>} : memref<2x16384xf32, #tpu.memory_space<vmem>>, vector<16xf32>,
        %reshape3A_896 = vector.shape_cast %get3A_864 : vector<16xi32> to vector<16x1xi32>
        %gather3A_897 = vector.shape_cast %reshape3A_896 : vector<16x1xi32> to vector<16xi32>
        %gather3A_898 = tpu.dynamic_gather %get3A_15[%gather3A_897] in [0] : vector<16xf32>, vector<16xi32> -> vector<16xf32>
        %add3A_899 = arith.constant 384 : i32
        %add3A_900 = arith.addi %add3A_868, %add3A_899 : i32
        %swap3A_901 = arith.constant 0 : i32
        %swap3A_902 = arith.index_cast %swap3A_901 : i32 to index
        %swap3A_903 = arith.index_cast %add3A_900 : i32 to index
        %swap3A_904 = tpu.vector_load %arg8[%swap3A_902, %swap3A_903] {strides = array<i32>} : memref<2x16384xf32, #tpu.memory_space<vmem>>, vector<16xf32>,
        tpu.vector_store %arg8[%swap3A_902, %swap3A_903], %gather3A_898 {strides = array<i32>} : memref<2x16384xf32, #tpu.memory_space<vmem>>, vector<16xf32>,
        %reshape3A_905 = vector.shape_cast %get3A_864 : vector<16xi32> to vector<16x1xi32>
        %gather3A_906 = vector.shape_cast %reshape3A_905 : vector<16x1xi32> to vector<16xi32>
        %gather3A_907 = tpu.dynamic_gather %get3A_19[%gather3A_906] in [0] : vector<16xf32>, vector<16xi32> -> vector<16xf32>
        %add3A_908 = arith.constant 512 : i32
        %add3A_909 = arith.addi %add3A_868, %add3A_908 : i32
        %swap3A_910 = arith.constant 0 : i32
        %swap3A_911 = arith.index_cast %swap3A_910 : i32 to index
        %swap3A_912 = arith.index_cast %add3A_909 : i32 to index
        %swap3A_913 = tpu.vector_load %arg8[%swap3A_911, %swap3A_912] {strides = array<i32>} : memref<2x16384xf32, #tpu.memory_space<vmem>>, vector<16xf32>,
        tpu.vector_store %arg8[%swap3A_911, %swap3A_912], %gather3A_907 {strides = array<i32>} : memref<2x16384xf32, #tpu.memory_space<vmem>>, vector<16xf32>,
        %reshape3A_914 = vector.shape_cast %get3A_864 : vector<16xi32> to vector<16x1xi32>
        %gather3A_915 = vector.shape_cast %reshape3A_914 : vector<16x1xi32> to vector<16xi32>
        %gather3A_916 = tpu.dynamic_gather %get3A_23[%gather3A_915] in [0] : vector<16xf32>, vector<16xi32> -> vector<16xf32>
        %add3A_917 = arith.constant 640 : i32
        %add3A_918 = arith.addi %add3A_868, %add3A_917 : i32
        %swap3A_919 = arith.constant 0 : i32
        %swap3A_920 = arith.index_cast %swap3A_919 : i32 to index
        %swap3A_921 = arith.index_cast %add3A_918 : i32 to index
        %swap3A_922 = tpu.vector_load %arg8[%swap3A_920, %swap3A_921] {strides = array<i32>} : memref<2x16384xf32, #tpu.memory_space<vmem>>, vector<16xf32>,
        tpu.vector_store %arg8[%swap3A_920, %swap3A_921], %gather3A_916 {strides = array<i32>} : memref<2x16384xf32, #tpu.memory_space<vmem>>, vector<16xf32>,
        %reshape3A_923 = vector.shape_cast %get3A_864 : vector<16xi32> to vector<16x1xi32>
        %gather3A_924 = vector.shape_cast %reshape3A_923 : vector<16x1xi32> to vector<16xi32>
        %gather3A_925 = tpu.dynamic_gather %get3A_27[%gather3A_924] in [0] : vector<16xf32>, vector<16xi32> -> vector<16xf32>
        %add3A_926 = arith.constant 768 : i32
        %add3A_927 = arith.addi %add3A_868, %add3A_926 : i32
        %swap3A_928 = arith.constant 0 : i32
        %swap3A_929 = arith.index_cast %swap3A_928 : i32 to index
        %swap3A_930 = arith.index_cast %add3A_927 : i32 to index
        %swap3A_931 = tpu.vector_load %arg8[%swap3A_929, %swap3A_930] {strides = array<i32>} : memref<2x16384xf32, #tpu.memory_space<vmem>>, vector<16xf32>,
        tpu.vector_store %arg8[%swap3A_929, %swap3A_930], %gather3A_925 {strides = array<i32>} : memref<2x16384xf32, #tpu.memory_space<vmem>>, vector<16xf32>,
        %reshape3A_932 = vector.shape_cast %get3A_864 : vector<16xi32> to vector<16x1xi32>
        %gather3A_933 = vector.shape_cast %reshape3A_932 : vector<16x1xi32> to vector<16xi32>
        %gather3A_934 = tpu.dynamic_gather %get3A_31[%gather3A_933] in [0] : vector<16xf32>, vector<16xi32> -> vector<16xf32>
        %add3A_935 = arith.constant 896 : i32
        %add3A_936 = arith.addi %add3A_868, %add3A_935 : i32
        %swap3A_937 = arith.constant 0 : i32
        %swap3A_938 = arith.index_cast %swap3A_937 : i32 to index
        %swap3A_939 = arith.index_cast %add3A_936 : i32 to index
        %swap3A_940 = tpu.vector_load %arg8[%swap3A_938, %swap3A_939] {strides = array<i32>} : memref<2x16384xf32, #tpu.memory_space<vmem>>, vector<16xf32>,
        tpu.vector_store %arg8[%swap3A_938, %swap3A_939], %gather3A_934 {strides = array<i32>} : memref<2x16384xf32, #tpu.memory_space<vmem>>, vector<16xf32>,
        %reshape3A_941 = vector.shape_cast %get3A_864 : vector<16xi32> to vector<16x1xi32>
        %gather3A_942 = vector.shape_cast %reshape3A_941 : vector<16x1xi32> to vector<16xi32>
        %gather3A_943 = tpu.dynamic_gather %get3A_35[%gather3A_942] in [0] : vector<16xf32>, vector<16xi32> -> vector<16xf32>
        %add3A_944 = arith.constant 0 : i32
        %add3A_945 = arith.addi %add3A_868, %add3A_944 : i32
        %swap3A_946 = arith.constant 1 : i32
        %swap3A_947 = arith.index_cast %swap3A_946 : i32 to index
        %swap3A_948 = arith.index_cast %add3A_945 : i32 to index
        %swap3A_949 = tpu.vector_load %arg8[%swap3A_947, %swap3A_948] {strides = array<i32>} : memref<2x16384xf32, #tpu.memory_space<vmem>>, vector<16xf32>,
        tpu.vector_store %arg8[%swap3A_947, %swap3A_948], %gather3A_943 {strides = array<i32>} : memref<2x16384xf32, #tpu.memory_space<vmem>>, vector<16xf32>,
        %reshape3A_950 = vector.shape_cast %get3A_864 : vector<16xi32> to vector<16x1xi32>
        %gather3A_951 = vector.shape_cast %reshape3A_950 : vector<16x1xi32> to vector<16xi32>
        %gather3A_952 = tpu.dynamic_gather %get3A_39[%gather3A_951] in [0] : vector<16xf32>, vector<16xi32> -> vector<16xf32>
        %add3A_953 = arith.constant 128 : i32
        %add3A_954 = arith.addi %add3A_868, %add3A_953 : i32
        %swap3A_955 = arith.constant 1 : i32
        %swap3A_956 = arith.index_cast %swap3A_955 : i32 to index
        %swap3A_957 = arith.index_cast %add3A_954 : i32 to index
        %swap3A_958 = tpu.vector_load %arg8[%swap3A_956, %swap3A_957] {strides = array<i32>} : memref<2x16384xf32, #tpu.memory_space<vmem>>, vector<16xf32>,
        tpu.vector_store %arg8[%swap3A_956, %swap3A_957], %gather3A_952 {strides = array<i32>} : memref<2x16384xf32, #tpu.memory_space<vmem>>, vector<16xf32>,
        %reshape3A_959 = vector.shape_cast %get3A_864 : vector<16xi32> to vector<16x1xi32>
        %gather3A_960 = vector.shape_cast %reshape3A_959 : vector<16x1xi32> to vector<16xi32>
        %gather3A_961 = tpu.dynamic_gather %get3A_43[%gather3A_960] in [0] : vector<16xf32>, vector<16xi32> -> vector<16xf32>
        %add3A_962 = arith.constant 256 : i32
        %add3A_963 = arith.addi %add3A_868, %add3A_962 : i32
        %swap3A_964 = arith.constant 1 : i32
        %swap3A_965 = arith.index_cast %swap3A_964 : i32 to index
        %swap3A_966 = arith.index_cast %add3A_963 : i32 to index
        %swap3A_967 = tpu.vector_load %arg8[%swap3A_965, %swap3A_966] {strides = array<i32>} : memref<2x16384xf32, #tpu.memory_space<vmem>>, vector<16xf32>,
        tpu.vector_store %arg8[%swap3A_965, %swap3A_966], %gather3A_961 {strides = array<i32>} : memref<2x16384xf32, #tpu.memory_space<vmem>>, vector<16xf32>,
        %reshape3A_968 = vector.shape_cast %get3A_864 : vector<16xi32> to vector<16x1xi32>
        %gather3A_969 = vector.shape_cast %reshape3A_968 : vector<16x1xi32> to vector<16xi32>
        %gather3A_970 = tpu.dynamic_gather %get3A_47[%gather3A_969] in [0] : vector<16xf32>, vector<16xi32> -> vector<16xf32>
        %add3A_971 = arith.constant 384 : i32
        %add3A_972 = arith.addi %add3A_868, %add3A_971 : i32
        %swap3A_973 = arith.constant 1 : i32
        %swap3A_974 = arith.index_cast %swap3A_973 : i32 to index
        %swap3A_975 = arith.index_cast %add3A_972 : i32 to index
        %swap3A_976 = tpu.vector_load %arg8[%swap3A_974, %swap3A_975] {strides = array<i32>} : memref<2x16384xf32, #tpu.memory_space<vmem>>, vector<16xf32>,
        tpu.vector_store %arg8[%swap3A_974, %swap3A_975], %gather3A_970 {strides = array<i32>} : memref<2x16384xf32, #tpu.memory_space<vmem>>, vector<16xf32>,
        %reshape3A_977 = vector.shape_cast %get3A_864 : vector<16xi32> to vector<16x1xi32>
        %gather3A_978 = vector.shape_cast %reshape3A_977 : vector<16x1xi32> to vector<16xi32>
        %gather3A_979 = tpu.dynamic_gather %get3A_51[%gather3A_978] in [0] : vector<16xf32>, vector<16xi32> -> vector<16xf32>
        %add3A_980 = arith.constant 512 : i32
        %add3A_981 = arith.addi %add3A_868, %add3A_980 : i32
        %swap3A_982 = arith.constant 1 : i32
        %swap3A_983 = arith.index_cast %swap3A_982 : i32 to index
        %swap3A_984 = arith.index_cast %add3A_981 : i32 to index
        %swap3A_985 = tpu.vector_load %arg8[%swap3A_983, %swap3A_984] {strides = array<i32>} : memref<2x16384xf32, #tpu.memory_space<vmem>>, vector<16xf32>,
        tpu.vector_store %arg8[%swap3A_983, %swap3A_984], %gather3A_979 {strides = array<i32>} : memref<2x16384xf32, #tpu.memory_space<vmem>>, vector<16xf32>,
        %reshape3A_986 = vector.shape_cast %get3A_864 : vector<16xi32> to vector<16x1xi32>
        %gather3A_987 = vector.shape_cast %reshape3A_986 : vector<16x1xi32> to vector<16xi32>
        %gather3A_988 = tpu.dynamic_gather %get3A_55[%gather3A_987] in [0] : vector<16xf32>, vector<16xi32> -> vector<16xf32>
        %add3A_989 = arith.constant 640 : i32
        %add3A_990 = arith.addi %add3A_868, %add3A_989 : i32
        %swap3A_991 = arith.constant 1 : i32
        %swap3A_992 = arith.index_cast %swap3A_991 : i32 to index
        %swap3A_993 = arith.index_cast %add3A_990 : i32 to index
        %swap3A_994 = tpu.vector_load %arg8[%swap3A_992, %swap3A_993] {strides = array<i32>} : memref<2x16384xf32, #tpu.memory_space<vmem>>, vector<16xf32>,
        tpu.vector_store %arg8[%swap3A_992, %swap3A_993], %gather3A_988 {strides = array<i32>} : memref<2x16384xf32, #tpu.memory_space<vmem>>, vector<16xf32>,
        %reshape3A_995 = vector.shape_cast %get3A_864 : vector<16xi32> to vector<16x1xi32>
        %gather3A_996 = vector.shape_cast %reshape3A_995 : vector<16x1xi32> to vector<16xi32>
        %gather3A_997 = tpu.dynamic_gather %get3A_59[%gather3A_996] in [0] : vector<16xf32>, vector<16xi32> -> vector<16xf32>
        %add3A_998 = arith.constant 768 : i32
        %add3A_999 = arith.addi %add3A_868, %add3A_998 : i32
        %swap3A_1000 = arith.constant 1 : i32
        %swap3A_1001 = arith.index_cast %swap3A_1000 : i32 to index
        %swap3A_1002 = arith.index_cast %add3A_999 : i32 to index
        %swap3A_1003 = tpu.vector_load %arg8[%swap3A_1001, %swap3A_1002] {strides = array<i32>} : memref<2x16384xf32, #tpu.memory_space<vmem>>, vector<16xf32>,
        tpu.vector_store %arg8[%swap3A_1001, %swap3A_1002], %gather3A_997 {strides = array<i32>} : memref<2x16384xf32, #tpu.memory_space<vmem>>, vector<16xf32>,
        %reshape3A_1004 = vector.shape_cast %get3A_864 : vector<16xi32> to vector<16x1xi32>
        %gather3A_1005 = vector.shape_cast %reshape3A_1004 : vector<16x1xi32> to vector<16xi32>
        %gather3A_1006 = tpu.dynamic_gather %get3A_63[%gather3A_1005] in [0] : vector<16xf32>, vector<16xi32> -> vector<16xf32>
        %add3A_1007 = arith.constant 896 : i32
        %add3A_1008 = arith.addi %add3A_868, %add3A_1007 : i32
        %swap3A_1009 = arith.constant 1 : i32
        %swap3A_1010 = arith.index_cast %swap3A_1009 : i32 to index
        %swap3A_1011 = arith.index_cast %add3A_1008 : i32 to index
        %swap3A_1012 = tpu.vector_load %arg8[%swap3A_1010, %swap3A_1011] {strides = array<i32>} : memref<2x16384xf32, #tpu.memory_space<vmem>>, vector<16xf32>,
        tpu.vector_store %arg8[%swap3A_1010, %swap3A_1011], %gather3A_1006 {strides = array<i32>} : memref<2x16384xf32, #tpu.memory_space<vmem>>, vector<16xf32>,
        %mul3A_1013 = arith.constant 128 : i32
        %mul3A_1014 = arith.muli %scan3A_245, %mul3A_1013 : i32
        %add3A_1015 = arith.constant 80 : i32
        %add3A_1016 = arith.addi %mul3A_1014, %add3A_1015 : i32
        %get3A_1017 = arith.index_cast %add3A_1016 : i32 to index
        %get3A_1018 = tpu.vector_load %arg6[%get3A_1017] {strides = array<i32>} : memref<2048xi32, #tpu.memory_space<vmem>>, vector<16xi32>,
        %mul3A_1019 = arith.constant 1024 : i32
        %mul3A_1020 = arith.muli %scan3A_245, %mul3A_1019 : i32
        %add3A_1021 = arith.constant 80 : i32
        %add3A_1022 = arith.addi %mul3A_1020, %add3A_1021 : i32
        %reshape3A_1023 = vector.shape_cast %get3A_1018 : vector<16xi32> to vector<16x1xi32>
        %gather3A_1024 = vector.shape_cast %reshape3A_1023 : vector<16x1xi32> to vector<16xi32>
        %gather3A_1025 = tpu.dynamic_gather %get3A_3[%gather3A_1024] in [0] : vector<16xf32>, vector<16xi32> -> vector<16xf32>
        %add3A_1026 = arith.constant 0 : i32
        %add3A_1027 = arith.addi %add3A_1022, %add3A_1026 : i32
        %swap3A_1028 = arith.constant 0 : i32
        %swap3A_1029 = arith.index_cast %swap3A_1028 : i32 to index
        %swap3A_1030 = arith.index_cast %add3A_1027 : i32 to index
        %swap3A_1031 = tpu.vector_load %arg8[%swap3A_1029, %swap3A_1030] {strides = array<i32>} : memref<2x16384xf32, #tpu.memory_space<vmem>>, vector<16xf32>,
        tpu.vector_store %arg8[%swap3A_1029, %swap3A_1030], %gather3A_1025 {strides = array<i32>} : memref<2x16384xf32, #tpu.memory_space<vmem>>, vector<16xf32>,
        %reshape3A_1032 = vector.shape_cast %get3A_1018 : vector<16xi32> to vector<16x1xi32>
        %gather3A_1033 = vector.shape_cast %reshape3A_1032 : vector<16x1xi32> to vector<16xi32>
        %gather3A_1034 = tpu.dynamic_gather %get3A_7[%gather3A_1033] in [0] : vector<16xf32>, vector<16xi32> -> vector<16xf32>
        %add3A_1035 = arith.constant 128 : i32
        %add3A_1036 = arith.addi %add3A_1022, %add3A_1035 : i32
        %swap3A_1037 = arith.constant 0 : i32
        %swap3A_1038 = arith.index_cast %swap3A_1037 : i32 to index
        %swap3A_1039 = arith.index_cast %add3A_1036 : i32 to index
        %swap3A_1040 = tpu.vector_load %arg8[%swap3A_1038, %swap3A_1039] {strides = array<i32>} : memref<2x16384xf32, #tpu.memory_space<vmem>>, vector<16xf32>,
        tpu.vector_store %arg8[%swap3A_1038, %swap3A_1039], %gather3A_1034 {strides = array<i32>} : memref<2x16384xf32, #tpu.memory_space<vmem>>, vector<16xf32>,
        %reshape3A_1041 = vector.shape_cast %get3A_1018 : vector<16xi32> to vector<16x1xi32>
        %gather3A_1042 = vector.shape_cast %reshape3A_1041 : vector<16x1xi32> to vector<16xi32>
        %gather3A_1043 = tpu.dynamic_gather %get3A_11[%gather3A_1042] in [0] : vector<16xf32>, vector<16xi32> -> vector<16xf32>
        %add3A_1044 = arith.constant 256 : i32
        %add3A_1045 = arith.addi %add3A_1022, %add3A_1044 : i32
        %swap3A_1046 = arith.constant 0 : i32
        %swap3A_1047 = arith.index_cast %swap3A_1046 : i32 to index
        %swap3A_1048 = arith.index_cast %add3A_1045 : i32 to index
        %swap3A_1049 = tpu.vector_load %arg8[%swap3A_1047, %swap3A_1048] {strides = array<i32>} : memref<2x16384xf32, #tpu.memory_space<vmem>>, vector<16xf32>,
        tpu.vector_store %arg8[%swap3A_1047, %swap3A_1048], %gather3A_1043 {strides = array<i32>} : memref<2x16384xf32, #tpu.memory_space<vmem>>, vector<16xf32>,
        %reshape3A_1050 = vector.shape_cast %get3A_1018 : vector<16xi32> to vector<16x1xi32>
        %gather3A_1051 = vector.shape_cast %reshape3A_1050 : vector<16x1xi32> to vector<16xi32>
        %gather3A_1052 = tpu.dynamic_gather %get3A_15[%gather3A_1051] in [0] : vector<16xf32>, vector<16xi32> -> vector<16xf32>
        %add3A_1053 = arith.constant 384 : i32
        %add3A_1054 = arith.addi %add3A_1022, %add3A_1053 : i32
        %swap3A_1055 = arith.constant 0 : i32
        %swap3A_1056 = arith.index_cast %swap3A_1055 : i32 to index
        %swap3A_1057 = arith.index_cast %add3A_1054 : i32 to index
        %swap3A_1058 = tpu.vector_load %arg8[%swap3A_1056, %swap3A_1057] {strides = array<i32>} : memref<2x16384xf32, #tpu.memory_space<vmem>>, vector<16xf32>,
        tpu.vector_store %arg8[%swap3A_1056, %swap3A_1057], %gather3A_1052 {strides = array<i32>} : memref<2x16384xf32, #tpu.memory_space<vmem>>, vector<16xf32>,
        %reshape3A_1059 = vector.shape_cast %get3A_1018 : vector<16xi32> to vector<16x1xi32>
        %gather3A_1060 = vector.shape_cast %reshape3A_1059 : vector<16x1xi32> to vector<16xi32>
        %gather3A_1061 = tpu.dynamic_gather %get3A_19[%gather3A_1060] in [0] : vector<16xf32>, vector<16xi32> -> vector<16xf32>
        %add3A_1062 = arith.constant 512 : i32
        %add3A_1063 = arith.addi %add3A_1022, %add3A_1062 : i32
        %swap3A_1064 = arith.constant 0 : i32
        %swap3A_1065 = arith.index_cast %swap3A_1064 : i32 to index
        %swap3A_1066 = arith.index_cast %add3A_1063 : i32 to index
        %swap3A_1067 = tpu.vector_load %arg8[%swap3A_1065, %swap3A_1066] {strides = array<i32>} : memref<2x16384xf32, #tpu.memory_space<vmem>>, vector<16xf32>,
        tpu.vector_store %arg8[%swap3A_1065, %swap3A_1066], %gather3A_1061 {strides = array<i32>} : memref<2x16384xf32, #tpu.memory_space<vmem>>, vector<16xf32>,
        %reshape3A_1068 = vector.shape_cast %get3A_1018 : vector<16xi32> to vector<16x1xi32>
        %gather3A_1069 = vector.shape_cast %reshape3A_1068 : vector<16x1xi32> to vector<16xi32>
        %gather3A_1070 = tpu.dynamic_gather %get3A_23[%gather3A_1069] in [0] : vector<16xf32>, vector<16xi32> -> vector<16xf32>
        %add3A_1071 = arith.constant 640 : i32
        %add3A_1072 = arith.addi %add3A_1022, %add3A_1071 : i32
        %swap3A_1073 = arith.constant 0 : i32
        %swap3A_1074 = arith.index_cast %swap3A_1073 : i32 to index
        %swap3A_1075 = arith.index_cast %add3A_1072 : i32 to index
        %swap3A_1076 = tpu.vector_load %arg8[%swap3A_1074, %swap3A_1075] {strides = array<i32>} : memref<2x16384xf32, #tpu.memory_space<vmem>>, vector<16xf32>,
        tpu.vector_store %arg8[%swap3A_1074, %swap3A_1075], %gather3A_1070 {strides = array<i32>} : memref<2x16384xf32, #tpu.memory_space<vmem>>, vector<16xf32>,
        %reshape3A_1077 = vector.shape_cast %get3A_1018 : vector<16xi32> to vector<16x1xi32>
        %gather3A_1078 = vector.shape_cast %reshape3A_1077 : vector<16x1xi32> to vector<16xi32>
        %gather3A_1079 = tpu.dynamic_gather %get3A_27[%gather3A_1078] in [0] : vector<16xf32>, vector<16xi32> -> vector<16xf32>
        %add3A_1080 = arith.constant 768 : i32
        %add3A_1081 = arith.addi %add3A_1022, %add3A_1080 : i32
        %swap3A_1082 = arith.constant 0 : i32
        %swap3A_1083 = arith.index_cast %swap3A_1082 : i32 to index
        %swap3A_1084 = arith.index_cast %add3A_1081 : i32 to index
        %swap3A_1085 = tpu.vector_load %arg8[%swap3A_1083, %swap3A_1084] {strides = array<i32>} : memref<2x16384xf32, #tpu.memory_space<vmem>>, vector<16xf32>,
        tpu.vector_store %arg8[%swap3A_1083, %swap3A_1084], %gather3A_1079 {strides = array<i32>} : memref<2x16384xf32, #tpu.memory_space<vmem>>, vector<16xf32>,
        %reshape3A_1086 = vector.shape_cast %get3A_1018 : vector<16xi32> to vector<16x1xi32>
        %gather3A_1087 = vector.shape_cast %reshape3A_1086 : vector<16x1xi32> to vector<16xi32>
        %gather3A_1088 = tpu.dynamic_gather %get3A_31[%gather3A_1087] in [0] : vector<16xf32>, vector<16xi32> -> vector<16xf32>
        %add3A_1089 = arith.constant 896 : i32
        %add3A_1090 = arith.addi %add3A_1022, %add3A_1089 : i32
        %swap3A_1091 = arith.constant 0 : i32
        %swap3A_1092 = arith.index_cast %swap3A_1091 : i32 to index
        %swap3A_1093 = arith.index_cast %add3A_1090 : i32 to index
        %swap3A_1094 = tpu.vector_load %arg8[%swap3A_1092, %swap3A_1093] {strides = array<i32>} : memref<2x16384xf32, #tpu.memory_space<vmem>>, vector<16xf32>,
        tpu.vector_store %arg8[%swap3A_1092, %swap3A_1093], %gather3A_1088 {strides = array<i32>} : memref<2x16384xf32, #tpu.memory_space<vmem>>, vector<16xf32>,
        %reshape3A_1095 = vector.shape_cast %get3A_1018 : vector<16xi32> to vector<16x1xi32>
        %gather3A_1096 = vector.shape_cast %reshape3A_1095 : vector<16x1xi32> to vector<16xi32>
        %gather3A_1097 = tpu.dynamic_gather %get3A_35[%gather3A_1096] in [0] : vector<16xf32>, vector<16xi32> -> vector<16xf32>
        %add3A_1098 = arith.constant 0 : i32
        %add3A_1099 = arith.addi %add3A_1022, %add3A_1098 : i32
        %swap3A_1100 = arith.constant 1 : i32
        %swap3A_1101 = arith.index_cast %swap3A_1100 : i32 to index
        %swap3A_1102 = arith.index_cast %add3A_1099 : i32 to index
        %swap3A_1103 = tpu.vector_load %arg8[%swap3A_1101, %swap3A_1102] {strides = array<i32>} : memref<2x16384xf32, #tpu.memory_space<vmem>>, vector<16xf32>,
        tpu.vector_store %arg8[%swap3A_1101, %swap3A_1102], %gather3A_1097 {strides = array<i32>} : memref<2x16384xf32, #tpu.memory_space<vmem>>, vector<16xf32>,
        %reshape3A_1104 = vector.shape_cast %get3A_1018 : vector<16xi32> to vector<16x1xi32>
        %gather3A_1105 = vector.shape_cast %reshape3A_1104 : vector<16x1xi32> to vector<16xi32>
        %gather3A_1106 = tpu.dynamic_gather %get3A_39[%gather3A_1105] in [0] : vector<16xf32>, vector<16xi32> -> vector<16xf32>
        %add3A_1107 = arith.constant 128 : i32
        %add3A_1108 = arith.addi %add3A_1022, %add3A_1107 : i32
        %swap3A_1109 = arith.constant 1 : i32
        %swap3A_1110 = arith.index_cast %swap3A_1109 : i32 to index
        %swap3A_1111 = arith.index_cast %add3A_1108 : i32 to index
        %swap3A_1112 = tpu.vector_load %arg8[%swap3A_1110, %swap3A_1111] {strides = array<i32>} : memref<2x16384xf32, #tpu.memory_space<vmem>>, vector<16xf32>,
        tpu.vector_store %arg8[%swap3A_1110, %swap3A_1111], %gather3A_1106 {strides = array<i32>} : memref<2x16384xf32, #tpu.memory_space<vmem>>, vector<16xf32>,
        %reshape3A_1113 = vector.shape_cast %get3A_1018 : vector<16xi32> to vector<16x1xi32>
        %gather3A_1114 = vector.shape_cast %reshape3A_1113 : vector<16x1xi32> to vector<16xi32>
        %gather3A_1115 = tpu.dynamic_gather %get3A_43[%gather3A_1114] in [0] : vector<16xf32>, vector<16xi32> -> vector<16xf32>
        %add3A_1116 = arith.constant 256 : i32
        %add3A_1117 = arith.addi %add3A_1022, %add3A_1116 : i32
        %swap3A_1118 = arith.constant 1 : i32
        %swap3A_1119 = arith.index_cast %swap3A_1118 : i32 to index
        %swap3A_1120 = arith.index_cast %add3A_1117 : i32 to index
        %swap3A_1121 = tpu.vector_load %arg8[%swap3A_1119, %swap3A_1120] {strides = array<i32>} : memref<2x16384xf32, #tpu.memory_space<vmem>>, vector<16xf32>,
        tpu.vector_store %arg8[%swap3A_1119, %swap3A_1120], %gather3A_1115 {strides = array<i32>} : memref<2x16384xf32, #tpu.memory_space<vmem>>, vector<16xf32>,
        %reshape3A_1122 = vector.shape_cast %get3A_1018 : vector<16xi32> to vector<16x1xi32>
        %gather3A_1123 = vector.shape_cast %reshape3A_1122 : vector<16x1xi32> to vector<16xi32>
        %gather3A_1124 = tpu.dynamic_gather %get3A_47[%gather3A_1123] in [0] : vector<16xf32>, vector<16xi32> -> vector<16xf32>
        %add3A_1125 = arith.constant 384 : i32
        %add3A_1126 = arith.addi %add3A_1022, %add3A_1125 : i32
        %swap3A_1127 = arith.constant 1 : i32
        %swap3A_1128 = arith.index_cast %swap3A_1127 : i32 to index
        %swap3A_1129 = arith.index_cast %add3A_1126 : i32 to index
        %swap3A_1130 = tpu.vector_load %arg8[%swap3A_1128, %swap3A_1129] {strides = array<i32>} : memref<2x16384xf32, #tpu.memory_space<vmem>>, vector<16xf32>,
        tpu.vector_store %arg8[%swap3A_1128, %swap3A_1129], %gather3A_1124 {strides = array<i32>} : memref<2x16384xf32, #tpu.memory_space<vmem>>, vector<16xf32>,
        %reshape3A_1131 = vector.shape_cast %get3A_1018 : vector<16xi32> to vector<16x1xi32>
        %gather3A_1132 = vector.shape_cast %reshape3A_1131 : vector<16x1xi32> to vector<16xi32>
        %gather3A_1133 = tpu.dynamic_gather %get3A_51[%gather3A_1132] in [0] : vector<16xf32>, vector<16xi32> -> vector<16xf32>
        %add3A_1134 = arith.constant 512 : i32
        %add3A_1135 = arith.addi %add3A_1022, %add3A_1134 : i32
        %swap3A_1136 = arith.constant 1 : i32
        %swap3A_1137 = arith.index_cast %swap3A_1136 : i32 to index
        %swap3A_1138 = arith.index_cast %add3A_1135 : i32 to index
        %swap3A_1139 = tpu.vector_load %arg8[%swap3A_1137, %swap3A_1138] {strides = array<i32>} : memref<2x16384xf32, #tpu.memory_space<vmem>>, vector<16xf32>,
        tpu.vector_store %arg8[%swap3A_1137, %swap3A_1138], %gather3A_1133 {strides = array<i32>} : memref<2x16384xf32, #tpu.memory_space<vmem>>, vector<16xf32>,
        %reshape3A_1140 = vector.shape_cast %get3A_1018 : vector<16xi32> to vector<16x1xi32>
        %gather3A_1141 = vector.shape_cast %reshape3A_1140 : vector<16x1xi32> to vector<16xi32>
        %gather3A_1142 = tpu.dynamic_gather %get3A_55[%gather3A_1141] in [0] : vector<16xf32>, vector<16xi32> -> vector<16xf32>
        %add3A_1143 = arith.constant 640 : i32
        %add3A_1144 = arith.addi %add3A_1022, %add3A_1143 : i32
        %swap3A_1145 = arith.constant 1 : i32
        %swap3A_1146 = arith.index_cast %swap3A_1145 : i32 to index
        %swap3A_1147 = arith.index_cast %add3A_1144 : i32 to index
        %swap3A_1148 = tpu.vector_load %arg8[%swap3A_1146, %swap3A_1147] {strides = array<i32>} : memref<2x16384xf32, #tpu.memory_space<vmem>>, vector<16xf32>,
        tpu.vector_store %arg8[%swap3A_1146, %swap3A_1147], %gather3A_1142 {strides = array<i32>} : memref<2x16384xf32, #tpu.memory_space<vmem>>, vector<16xf32>,
        %reshape3A_1149 = vector.shape_cast %get3A_1018 : vector<16xi32> to vector<16x1xi32>
        %gather3A_1150 = vector.shape_cast %reshape3A_1149 : vector<16x1xi32> to vector<16xi32>
        %gather3A_1151 = tpu.dynamic_gather %get3A_59[%gather3A_1150] in [0] : vector<16xf32>, vector<16xi32> -> vector<16xf32>
        %add3A_1152 = arith.constant 768 : i32
        %add3A_1153 = arith.addi %add3A_1022, %add3A_1152 : i32
        %swap3A_1154 = arith.constant 1 : i32
        %swap3A_1155 = arith.index_cast %swap3A_1154 : i32 to index
        %swap3A_1156 = arith.index_cast %add3A_1153 : i32 to index
        %swap3A_1157 = tpu.vector_load %arg8[%swap3A_1155, %swap3A_1156] {strides = array<i32>} : memref<2x16384xf32, #tpu.memory_space<vmem>>, vector<16xf32>,
        tpu.vector_store %arg8[%swap3A_1155, %swap3A_1156], %gather3A_1151 {strides = array<i32>} : memref<2x16384xf32, #tpu.memory_space<vmem>>, vector<16xf32>,
        %reshape3A_1158 = vector.shape_cast %get3A_1018 : vector<16xi32> to vector<16x1xi32>
        %gather3A_1159 = vector.shape_cast %reshape3A_1158 : vector<16x1xi32> to vector<16xi32>
        %gather3A_1160 = tpu.dynamic_gather %get3A_63[%gather3A_1159] in [0] : vector<16xf32>, vector<16xi32> -> vector<16xf32>
        %add3A_1161 = arith.constant 896 : i32
        %add3A_1162 = arith.addi %add3A_1022, %add3A_1161 : i32
        %swap3A_1163 = arith.constant 1 : i32
        %swap3A_1164 = arith.index_cast %swap3A_1163 : i32 to index
        %swap3A_1165 = arith.index_cast %add3A_1162 : i32 to index
        %swap3A_1166 = tpu.vector_load %arg8[%swap3A_1164, %swap3A_1165] {strides = array<i32>} : memref<2x16384xf32, #tpu.memory_space<vmem>>, vector<16xf32>,
        tpu.vector_store %arg8[%swap3A_1164, %swap3A_1165], %gather3A_1160 {strides = array<i32>} : memref<2x16384xf32, #tpu.memory_space<vmem>>, vector<16xf32>,
        %mul3A_1167 = arith.constant 128 : i32
        %mul3A_1168 = arith.muli %scan3A_245, %mul3A_1167 : i32
        %add3A_1169 = arith.constant 96 : i32
        %add3A_1170 = arith.addi %mul3A_1168, %add3A_1169 : i32
        %get3A_1171 = arith.index_cast %add3A_1170 : i32 to index
        %get3A_1172 = tpu.vector_load %arg6[%get3A_1171] {strides = array<i32>} : memref<2048xi32, #tpu.memory_space<vmem>>, vector<16xi32>,
        %mul3A_1173 = arith.constant 1024 : i32
        %mul3A_1174 = arith.muli %scan3A_245, %mul3A_1173 : i32
        %add3A_1175 = arith.constant 96 : i32
        %add3A_1176 = arith.addi %mul3A_1174, %add3A_1175 : i32
        %reshape3A_1177 = vector.shape_cast %get3A_1172 : vector<16xi32> to vector<16x1xi32>
        %gather3A_1178 = vector.shape_cast %reshape3A_1177 : vector<16x1xi32> to vector<16xi32>
        %gather3A_1179 = tpu.dynamic_gather %get3A_3[%gather3A_1178] in [0] : vector<16xf32>, vector<16xi32> -> vector<16xf32>
        %add3A_1180 = arith.constant 0 : i32
        %add3A_1181 = arith.addi %add3A_1176, %add3A_1180 : i32
        %swap3A_1182 = arith.constant 0 : i32
        %swap3A_1183 = arith.index_cast %swap3A_1182 : i32 to index
        %swap3A_1184 = arith.index_cast %add3A_1181 : i32 to index
        %swap3A_1185 = tpu.vector_load %arg8[%swap3A_1183, %swap3A_1184] {strides = array<i32>} : memref<2x16384xf32, #tpu.memory_space<vmem>>, vector<16xf32>,
        tpu.vector_store %arg8[%swap3A_1183, %swap3A_1184], %gather3A_1179 {strides = array<i32>} : memref<2x16384xf32, #tpu.memory_space<vmem>>, vector<16xf32>,
        %reshape3A_1186 = vector.shape_cast %get3A_1172 : vector<16xi32> to vector<16x1xi32>
        %gather3A_1187 = vector.shape_cast %reshape3A_1186 : vector<16x1xi32> to vector<16xi32>
        %gather3A_1188 = tpu.dynamic_gather %get3A_7[%gather3A_1187] in [0] : vector<16xf32>, vector<16xi32> -> vector<16xf32>
        %add3A_1189 = arith.constant 128 : i32
        %add3A_1190 = arith.addi %add3A_1176, %add3A_1189 : i32
        %swap3A_1191 = arith.constant 0 : i32
        %swap3A_1192 = arith.index_cast %swap3A_1191 : i32 to index
        %swap3A_1193 = arith.index_cast %add3A_1190 : i32 to index
        %swap3A_1194 = tpu.vector_load %arg8[%swap3A_1192, %swap3A_1193] {strides = array<i32>} : memref<2x16384xf32, #tpu.memory_space<vmem>>, vector<16xf32>,
        tpu.vector_store %arg8[%swap3A_1192, %swap3A_1193], %gather3A_1188 {strides = array<i32>} : memref<2x16384xf32, #tpu.memory_space<vmem>>, vector<16xf32>,
        %reshape3A_1195 = vector.shape_cast %get3A_1172 : vector<16xi32> to vector<16x1xi32>
        %gather3A_1196 = vector.shape_cast %reshape3A_1195 : vector<16x1xi32> to vector<16xi32>
        %gather3A_1197 = tpu.dynamic_gather %get3A_11[%gather3A_1196] in [0] : vector<16xf32>, vector<16xi32> -> vector<16xf32>
        %add3A_1198 = arith.constant 256 : i32
        %add3A_1199 = arith.addi %add3A_1176, %add3A_1198 : i32
        %swap3A_1200 = arith.constant 0 : i32
        %swap3A_1201 = arith.index_cast %swap3A_1200 : i32 to index
        %swap3A_1202 = arith.index_cast %add3A_1199 : i32 to index
        %swap3A_1203 = tpu.vector_load %arg8[%swap3A_1201, %swap3A_1202] {strides = array<i32>} : memref<2x16384xf32, #tpu.memory_space<vmem>>, vector<16xf32>,
        tpu.vector_store %arg8[%swap3A_1201, %swap3A_1202], %gather3A_1197 {strides = array<i32>} : memref<2x16384xf32, #tpu.memory_space<vmem>>, vector<16xf32>,
        %reshape3A_1204 = vector.shape_cast %get3A_1172 : vector<16xi32> to vector<16x1xi32>
        %gather3A_1205 = vector.shape_cast %reshape3A_1204 : vector<16x1xi32> to vector<16xi32>
        %gather3A_1206 = tpu.dynamic_gather %get3A_15[%gather3A_1205] in [0] : vector<16xf32>, vector<16xi32> -> vector<16xf32>
        %add3A_1207 = arith.constant 384 : i32
        %add3A_1208 = arith.addi %add3A_1176, %add3A_1207 : i32
        %swap3A_1209 = arith.constant 0 : i32
        %swap3A_1210 = arith.index_cast %swap3A_1209 : i32 to index
        %swap3A_1211 = arith.index_cast %add3A_1208 : i32 to index
        %swap3A_1212 = tpu.vector_load %arg8[%swap3A_1210, %swap3A_1211] {strides = array<i32>} : memref<2x16384xf32, #tpu.memory_space<vmem>>, vector<16xf32>,
        tpu.vector_store %arg8[%swap3A_1210, %swap3A_1211], %gather3A_1206 {strides = array<i32>} : memref<2x16384xf32, #tpu.memory_space<vmem>>, vector<16xf32>,
        %reshape3A_1213 = vector.shape_cast %get3A_1172 : vector<16xi32> to vector<16x1xi32>
        %gather3A_1214 = vector.shape_cast %reshape3A_1213 : vector<16x1xi32> to vector<16xi32>
        %gather3A_1215 = tpu.dynamic_gather %get3A_19[%gather3A_1214] in [0] : vector<16xf32>, vector<16xi32> -> vector<16xf32>
        %add3A_1216 = arith.constant 512 : i32
        %add3A_1217 = arith.addi %add3A_1176, %add3A_1216 : i32
        %swap3A_1218 = arith.constant 0 : i32
        %swap3A_1219 = arith.index_cast %swap3A_1218 : i32 to index
        %swap3A_1220 = arith.index_cast %add3A_1217 : i32 to index
        %swap3A_1221 = tpu.vector_load %arg8[%swap3A_1219, %swap3A_1220] {strides = array<i32>} : memref<2x16384xf32, #tpu.memory_space<vmem>>, vector<16xf32>,
        tpu.vector_store %arg8[%swap3A_1219, %swap3A_1220], %gather3A_1215 {strides = array<i32>} : memref<2x16384xf32, #tpu.memory_space<vmem>>, vector<16xf32>,
        %reshape3A_1222 = vector.shape_cast %get3A_1172 : vector<16xi32> to vector<16x1xi32>
        %gather3A_1223 = vector.shape_cast %reshape3A_1222 : vector<16x1xi32> to vector<16xi32>
        %gather3A_1224 = tpu.dynamic_gather %get3A_23[%gather3A_1223] in [0] : vector<16xf32>, vector<16xi32> -> vector<16xf32>
        %add3A_1225 = arith.constant 640 : i32
        %add3A_1226 = arith.addi %add3A_1176, %add3A_1225 : i32
        %swap3A_1227 = arith.constant 0 : i32
        %swap3A_1228 = arith.index_cast %swap3A_1227 : i32 to index
        %swap3A_1229 = arith.index_cast %add3A_1226 : i32 to index
        %swap3A_1230 = tpu.vector_load %arg8[%swap3A_1228, %swap3A_1229] {strides = array<i32>} : memref<2x16384xf32, #tpu.memory_space<vmem>>, vector<16xf32>,
        tpu.vector_store %arg8[%swap3A_1228, %swap3A_1229], %gather3A_1224 {strides = array<i32>} : memref<2x16384xf32, #tpu.memory_space<vmem>>, vector<16xf32>,
        %reshape3A_1231 = vector.shape_cast %get3A_1172 : vector<16xi32> to vector<16x1xi32>
        %gather3A_1232 = vector.shape_cast %reshape3A_1231 : vector<16x1xi32> to vector<16xi32>
        %gather3A_1233 = tpu.dynamic_gather %get3A_27[%gather3A_1232] in [0] : vector<16xf32>, vector<16xi32> -> vector<16xf32>
        %add3A_1234 = arith.constant 768 : i32
        %add3A_1235 = arith.addi %add3A_1176, %add3A_1234 : i32
        %swap3A_1236 = arith.constant 0 : i32
        %swap3A_1237 = arith.index_cast %swap3A_1236 : i32 to index
        %swap3A_1238 = arith.index_cast %add3A_1235 : i32 to index
        %swap3A_1239 = tpu.vector_load %arg8[%swap3A_1237, %swap3A_1238] {strides = array<i32>} : memref<2x16384xf32, #tpu.memory_space<vmem>>, vector<16xf32>,
        tpu.vector_store %arg8[%swap3A_1237, %swap3A_1238], %gather3A_1233 {strides = array<i32>} : memref<2x16384xf32, #tpu.memory_space<vmem>>, vector<16xf32>,
        %reshape3A_1240 = vector.shape_cast %get3A_1172 : vector<16xi32> to vector<16x1xi32>
        %gather3A_1241 = vector.shape_cast %reshape3A_1240 : vector<16x1xi32> to vector<16xi32>
        %gather3A_1242 = tpu.dynamic_gather %get3A_31[%gather3A_1241] in [0] : vector<16xf32>, vector<16xi32> -> vector<16xf32>
        %add3A_1243 = arith.constant 896 : i32
        %add3A_1244 = arith.addi %add3A_1176, %add3A_1243 : i32
        %swap3A_1245 = arith.constant 0 : i32
        %swap3A_1246 = arith.index_cast %swap3A_1245 : i32 to index
        %swap3A_1247 = arith.index_cast %add3A_1244 : i32 to index
        %swap3A_1248 = tpu.vector_load %arg8[%swap3A_1246, %swap3A_1247] {strides = array<i32>} : memref<2x16384xf32, #tpu.memory_space<vmem>>, vector<16xf32>,
        tpu.vector_store %arg8[%swap3A_1246, %swap3A_1247], %gather3A_1242 {strides = array<i32>} : memref<2x16384xf32, #tpu.memory_space<vmem>>, vector<16xf32>,
        %reshape3A_1249 = vector.shape_cast %get3A_1172 : vector<16xi32> to vector<16x1xi32>
        %gather3A_1250 = vector.shape_cast %reshape3A_1249 : vector<16x1xi32> to vector<16xi32>
        %gather3A_1251 = tpu.dynamic_gather %get3A_35[%gather3A_1250] in [0] : vector<16xf32>, vector<16xi32> -> vector<16xf32>
        %add3A_1252 = arith.constant 0 : i32
        %add3A_1253 = arith.addi %add3A_1176, %add3A_1252 : i32
        %swap3A_1254 = arith.constant 1 : i32
        %swap3A_1255 = arith.index_cast %swap3A_1254 : i32 to index
        %swap3A_1256 = arith.index_cast %add3A_1253 : i32 to index
        %swap3A_1257 = tpu.vector_load %arg8[%swap3A_1255, %swap3A_1256] {strides = array<i32>} : memref<2x16384xf32, #tpu.memory_space<vmem>>, vector<16xf32>,
        tpu.vector_store %arg8[%swap3A_1255, %swap3A_1256], %gather3A_1251 {strides = array<i32>} : memref<2x16384xf32, #tpu.memory_space<vmem>>, vector<16xf32>,
        %reshape3A_1258 = vector.shape_cast %get3A_1172 : vector<16xi32> to vector<16x1xi32>
        %gather3A_1259 = vector.shape_cast %reshape3A_1258 : vector<16x1xi32> to vector<16xi32>
        %gather3A_1260 = tpu.dynamic_gather %get3A_39[%gather3A_1259] in [0] : vector<16xf32>, vector<16xi32> -> vector<16xf32>
        %add3A_1261 = arith.constant 128 : i32
        %add3A_1262 = arith.addi %add3A_1176, %add3A_1261 : i32
        %swap3A_1263 = arith.constant 1 : i32
        %swap3A_1264 = arith.index_cast %swap3A_1263 : i32 to index
        %swap3A_1265 = arith.index_cast %add3A_1262 : i32 to index
        %swap3A_1266 = tpu.vector_load %arg8[%swap3A_1264, %swap3A_1265] {strides = array<i32>} : memref<2x16384xf32, #tpu.memory_space<vmem>>, vector<16xf32>,
        tpu.vector_store %arg8[%swap3A_1264, %swap3A_1265], %gather3A_1260 {strides = array<i32>} : memref<2x16384xf32, #tpu.memory_space<vmem>>, vector<16xf32>,
        %reshape3A_1267 = vector.shape_cast %get3A_1172 : vector<16xi32> to vector<16x1xi32>
        %gather3A_1268 = vector.shape_cast %reshape3A_1267 : vector<16x1xi32> to vector<16xi32>
        %gather3A_1269 = tpu.dynamic_gather %get3A_43[%gather3A_1268] in [0] : vector<16xf32>, vector<16xi32> -> vector<16xf32>
        %add3A_1270 = arith.constant 256 : i32
        %add3A_1271 = arith.addi %add3A_1176, %add3A_1270 : i32
        %swap3A_1272 = arith.constant 1 : i32
        %swap3A_1273 = arith.index_cast %swap3A_1272 : i32 to index
        %swap3A_1274 = arith.index_cast %add3A_1271 : i32 to index
        %swap3A_1275 = tpu.vector_load %arg8[%swap3A_1273, %swap3A_1274] {strides = array<i32>} : memref<2x16384xf32, #tpu.memory_space<vmem>>, vector<16xf32>,
        tpu.vector_store %arg8[%swap3A_1273, %swap3A_1274], %gather3A_1269 {strides = array<i32>} : memref<2x16384xf32, #tpu.memory_space<vmem>>, vector<16xf32>,
        %reshape3A_1276 = vector.shape_cast %get3A_1172 : vector<16xi32> to vector<16x1xi32>
        %gather3A_1277 = vector.shape_cast %reshape3A_1276 : vector<16x1xi32> to vector<16xi32>
        %gather3A_1278 = tpu.dynamic_gather %get3A_47[%gather3A_1277] in [0] : vector<16xf32>, vector<16xi32> -> vector<16xf32>
        %add3A_1279 = arith.constant 384 : i32
        %add3A_1280 = arith.addi %add3A_1176, %add3A_1279 : i32
        %swap3A_1281 = arith.constant 1 : i32
        %swap3A_1282 = arith.index_cast %swap3A_1281 : i32 to index
        %swap3A_1283 = arith.index_cast %add3A_1280 : i32 to index
        %swap3A_1284 = tpu.vector_load %arg8[%swap3A_1282, %swap3A_1283] {strides = array<i32>} : memref<2x16384xf32, #tpu.memory_space<vmem>>, vector<16xf32>,
        tpu.vector_store %arg8[%swap3A_1282, %swap3A_1283], %gather3A_1278 {strides = array<i32>} : memref<2x16384xf32, #tpu.memory_space<vmem>>, vector<16xf32>,
        %reshape3A_1285 = vector.shape_cast %get3A_1172 : vector<16xi32> to vector<16x1xi32>
        %gather3A_1286 = vector.shape_cast %reshape3A_1285 : vector<16x1xi32> to vector<16xi32>
        %gather3A_1287 = tpu.dynamic_gather %get3A_51[%gather3A_1286] in [0] : vector<16xf32>, vector<16xi32> -> vector<16xf32>
        %add3A_1288 = arith.constant 512 : i32
        %add3A_1289 = arith.addi %add3A_1176, %add3A_1288 : i32
        %swap3A_1290 = arith.constant 1 : i32
        %swap3A_1291 = arith.index_cast %swap3A_1290 : i32 to index
        %swap3A_1292 = arith.index_cast %add3A_1289 : i32 to index
        %swap3A_1293 = tpu.vector_load %arg8[%swap3A_1291, %swap3A_1292] {strides = array<i32>} : memref<2x16384xf32, #tpu.memory_space<vmem>>, vector<16xf32>,
        tpu.vector_store %arg8[%swap3A_1291, %swap3A_1292], %gather3A_1287 {strides = array<i32>} : memref<2x16384xf32, #tpu.memory_space<vmem>>, vector<16xf32>,
        %reshape3A_1294 = vector.shape_cast %get3A_1172 : vector<16xi32> to vector<16x1xi32>
        %gather3A_1295 = vector.shape_cast %reshape3A_1294 : vector<16x1xi32> to vector<16xi32>
        %gather3A_1296 = tpu.dynamic_gather %get3A_55[%gather3A_1295] in [0] : vector<16xf32>, vector<16xi32> -> vector<16xf32>
        %add3A_1297 = arith.constant 640 : i32
        %add3A_1298 = arith.addi %add3A_1176, %add3A_1297 : i32
        %swap3A_1299 = arith.constant 1 : i32
        %swap3A_1300 = arith.index_cast %swap3A_1299 : i32 to index
        %swap3A_1301 = arith.index_cast %add3A_1298 : i32 to index
        %swap3A_1302 = tpu.vector_load %arg8[%swap3A_1300, %swap3A_1301] {strides = array<i32>} : memref<2x16384xf32, #tpu.memory_space<vmem>>, vector<16xf32>,
        tpu.vector_store %arg8[%swap3A_1300, %swap3A_1301], %gather3A_1296 {strides = array<i32>} : memref<2x16384xf32, #tpu.memory_space<vmem>>, vector<16xf32>,
        %reshape3A_1303 = vector.shape_cast %get3A_1172 : vector<16xi32> to vector<16x1xi32>
        %gather3A_1304 = vector.shape_cast %reshape3A_1303 : vector<16x1xi32> to vector<16xi32>
        %gather3A_1305 = tpu.dynamic_gather %get3A_59[%gather3A_1304] in [0] : vector<16xf32>, vector<16xi32> -> vector<16xf32>
        %add3A_1306 = arith.constant 768 : i32
        %add3A_1307 = arith.addi %add3A_1176, %add3A_1306 : i32
        %swap3A_1308 = arith.constant 1 : i32
        %swap3A_1309 = arith.index_cast %swap3A_1308 : i32 to index
        %swap3A_1310 = arith.index_cast %add3A_1307 : i32 to index
        %swap3A_1311 = tpu.vector_load %arg8[%swap3A_1309, %swap3A_1310] {strides = array<i32>} : memref<2x16384xf32, #tpu.memory_space<vmem>>, vector<16xf32>,
        tpu.vector_store %arg8[%swap3A_1309, %swap3A_1310], %gather3A_1305 {strides = array<i32>} : memref<2x16384xf32, #tpu.memory_space<vmem>>, vector<16xf32>,
        %reshape3A_1312 = vector.shape_cast %get3A_1172 : vector<16xi32> to vector<16x1xi32>
        %gather3A_1313 = vector.shape_cast %reshape3A_1312 : vector<16x1xi32> to vector<16xi32>
        %gather3A_1314 = tpu.dynamic_gather %get3A_63[%gather3A_1313] in [0] : vector<16xf32>, vector<16xi32> -> vector<16xf32>
        %add3A_1315 = arith.constant 896 : i32
        %add3A_1316 = arith.addi %add3A_1176, %add3A_1315 : i32
        %swap3A_1317 = arith.constant 1 : i32
        %swap3A_1318 = arith.index_cast %swap3A_1317 : i32 to index
        %swap3A_1319 = arith.index_cast %add3A_1316 : i32 to index
        %swap3A_1320 = tpu.vector_load %arg8[%swap3A_1318, %swap3A_1319] {strides = array<i32>} : memref<2x16384xf32, #tpu.memory_space<vmem>>, vector<16xf32>,
        tpu.vector_store %arg8[%swap3A_1318, %swap3A_1319], %gather3A_1314 {strides = array<i32>} : memref<2x16384xf32, #tpu.memory_space<vmem>>, vector<16xf32>,
        %mul3A_1321 = arith.constant 128 : i32
        %mul3A_1322 = arith.muli %scan3A_245, %mul3A_1321 : i32
        %add3A_1323 = arith.constant 112 : i32
        %add3A_1324 = arith.addi %mul3A_1322, %add3A_1323 : i32
        %get3A_1325 = arith.index_cast %add3A_1324 : i32 to index
        %get3A_1326 = tpu.vector_load %arg6[%get3A_1325] {strides = array<i32>} : memref<2048xi32, #tpu.memory_space<vmem>>, vector<16xi32>,
        %mul3A_1327 = arith.constant 1024 : i32
        %mul3A_1328 = arith.muli %scan3A_245, %mul3A_1327 : i32
        %add3A_1329 = arith.constant 112 : i32
        %add3A_1330 = arith.addi %mul3A_1328, %add3A_1329 : i32
        %reshape3A_1331 = vector.shape_cast %get3A_1326 : vector<16xi32> to vector<16x1xi32>
        %gather3A_1332 = vector.shape_cast %reshape3A_1331 : vector<16x1xi32> to vector<16xi32>
        %gather3A_1333 = tpu.dynamic_gather %get3A_3[%gather3A_1332] in [0] : vector<16xf32>, vector<16xi32> -> vector<16xf32>
        %add3A_1334 = arith.constant 0 : i32
        %add3A_1335 = arith.addi %add3A_1330, %add3A_1334 : i32
        %swap3A_1336 = arith.constant 0 : i32
        %swap3A_1337 = arith.index_cast %swap3A_1336 : i32 to index
        %swap3A_1338 = arith.index_cast %add3A_1335 : i32 to index
        %swap3A_1339 = tpu.vector_load %arg8[%swap3A_1337, %swap3A_1338] {strides = array<i32>} : memref<2x16384xf32, #tpu.memory_space<vmem>>, vector<16xf32>,
        tpu.vector_store %arg8[%swap3A_1337, %swap3A_1338], %gather3A_1333 {strides = array<i32>} : memref<2x16384xf32, #tpu.memory_space<vmem>>, vector<16xf32>,
        %reshape3A_1340 = vector.shape_cast %get3A_1326 : vector<16xi32> to vector<16x1xi32>
        %gather3A_1341 = vector.shape_cast %reshape3A_1340 : vector<16x1xi32> to vector<16xi32>
        %gather3A_1342 = tpu.dynamic_gather %get3A_7[%gather3A_1341] in [0] : vector<16xf32>, vector<16xi32> -> vector<16xf32>
        %add3A_1343 = arith.constant 128 : i32
        %add3A_1344 = arith.addi %add3A_1330, %add3A_1343 : i32
        %swap3A_1345 = arith.constant 0 : i32
        %swap3A_1346 = arith.index_cast %swap3A_1345 : i32 to index
        %swap3A_1347 = arith.index_cast %add3A_1344 : i32 to index
        %swap3A_1348 = tpu.vector_load %arg8[%swap3A_1346, %swap3A_1347] {strides = array<i32>} : memref<2x16384xf32, #tpu.memory_space<vmem>>, vector<16xf32>,
        tpu.vector_store %arg8[%swap3A_1346, %swap3A_1347], %gather3A_1342 {strides = array<i32>} : memref<2x16384xf32, #tpu.memory_space<vmem>>, vector<16xf32>,
        %reshape3A_1349 = vector.shape_cast %get3A_1326 : vector<16xi32> to vector<16x1xi32>
        %gather3A_1350 = vector.shape_cast %reshape3A_1349 : vector<16x1xi32> to vector<16xi32>
        %gather3A_1351 = tpu.dynamic_gather %get3A_11[%gather3A_1350] in [0] : vector<16xf32>, vector<16xi32> -> vector<16xf32>
        %add3A_1352 = arith.constant 256 : i32
        %add3A_1353 = arith.addi %add3A_1330, %add3A_1352 : i32
        %swap3A_1354 = arith.constant 0 : i32
        %swap3A_1355 = arith.index_cast %swap3A_1354 : i32 to index
        %swap3A_1356 = arith.index_cast %add3A_1353 : i32 to index
        %swap3A_1357 = tpu.vector_load %arg8[%swap3A_1355, %swap3A_1356] {strides = array<i32>} : memref<2x16384xf32, #tpu.memory_space<vmem>>, vector<16xf32>,
        tpu.vector_store %arg8[%swap3A_1355, %swap3A_1356], %gather3A_1351 {strides = array<i32>} : memref<2x16384xf32, #tpu.memory_space<vmem>>, vector<16xf32>,
        %reshape3A_1358 = vector.shape_cast %get3A_1326 : vector<16xi32> to vector<16x1xi32>
        %gather3A_1359 = vector.shape_cast %reshape3A_1358 : vector<16x1xi32> to vector<16xi32>
        %gather3A_1360 = tpu.dynamic_gather %get3A_15[%gather3A_1359] in [0] : vector<16xf32>, vector<16xi32> -> vector<16xf32>
        %add3A_1361 = arith.constant 384 : i32
        %add3A_1362 = arith.addi %add3A_1330, %add3A_1361 : i32
        %swap3A_1363 = arith.constant 0 : i32
        %swap3A_1364 = arith.index_cast %swap3A_1363 : i32 to index
        %swap3A_1365 = arith.index_cast %add3A_1362 : i32 to index
        %swap3A_1366 = tpu.vector_load %arg8[%swap3A_1364, %swap3A_1365] {strides = array<i32>} : memref<2x16384xf32, #tpu.memory_space<vmem>>, vector<16xf32>,
        tpu.vector_store %arg8[%swap3A_1364, %swap3A_1365], %gather3A_1360 {strides = array<i32>} : memref<2x16384xf32, #tpu.memory_space<vmem>>, vector<16xf32>,
        %reshape3A_1367 = vector.shape_cast %get3A_1326 : vector<16xi32> to vector<16x1xi32>
        %gather3A_1368 = vector.shape_cast %reshape3A_1367 : vector<16x1xi32> to vector<16xi32>
        %gather3A_1369 = tpu.dynamic_gather %get3A_19[%gather3A_1368] in [0] : vector<16xf32>, vector<16xi32> -> vector<16xf32>
        %add3A_1370 = arith.constant 512 : i32
        %add3A_1371 = arith.addi %add3A_1330, %add3A_1370 : i32
        %swap3A_1372 = arith.constant 0 : i32
        %swap3A_1373 = arith.index_cast %swap3A_1372 : i32 to index
        %swap3A_1374 = arith.index_cast %add3A_1371 : i32 to index
        %swap3A_1375 = tpu.vector_load %arg8[%swap3A_1373, %swap3A_1374] {strides = array<i32>} : memref<2x16384xf32, #tpu.memory_space<vmem>>, vector<16xf32>,
        tpu.vector_store %arg8[%swap3A_1373, %swap3A_1374], %gather3A_1369 {strides = array<i32>} : memref<2x16384xf32, #tpu.memory_space<vmem>>, vector<16xf32>,
        %reshape3A_1376 = vector.shape_cast %get3A_1326 : vector<16xi32> to vector<16x1xi32>
        %gather3A_1377 = vector.shape_cast %reshape3A_1376 : vector<16x1xi32> to vector<16xi32>
        %gather3A_1378 = tpu.dynamic_gather %get3A_23[%gather3A_1377] in [0] : vector<16xf32>, vector<16xi32> -> vector<16xf32>
        %add3A_1379 = arith.constant 640 : i32
        %add3A_1380 = arith.addi %add3A_1330, %add3A_1379 : i32
        %swap3A_1381 = arith.constant 0 : i32
        %swap3A_1382 = arith.index_cast %swap3A_1381 : i32 to index
        %swap3A_1383 = arith.index_cast %add3A_1380 : i32 to index
        %swap3A_1384 = tpu.vector_load %arg8[%swap3A_1382, %swap3A_1383] {strides = array<i32>} : memref<2x16384xf32, #tpu.memory_space<vmem>>, vector<16xf32>,
        tpu.vector_store %arg8[%swap3A_1382, %swap3A_1383], %gather3A_1378 {strides = array<i32>} : memref<2x16384xf32, #tpu.memory_space<vmem>>, vector<16xf32>,
        %reshape3A_1385 = vector.shape_cast %get3A_1326 : vector<16xi32> to vector<16x1xi32>
        %gather3A_1386 = vector.shape_cast %reshape3A_1385 : vector<16x1xi32> to vector<16xi32>
        %gather3A_1387 = tpu.dynamic_gather %get3A_27[%gather3A_1386] in [0] : vector<16xf32>, vector<16xi32> -> vector<16xf32>
        %add3A_1388 = arith.constant 768 : i32
        %add3A_1389 = arith.addi %add3A_1330, %add3A_1388 : i32
        %swap3A_1390 = arith.constant 0 : i32
        %swap3A_1391 = arith.index_cast %swap3A_1390 : i32 to index
        %swap3A_1392 = arith.index_cast %add3A_1389 : i32 to index
        %swap3A_1393 = tpu.vector_load %arg8[%swap3A_1391, %swap3A_1392] {strides = array<i32>} : memref<2x16384xf32, #tpu.memory_space<vmem>>, vector<16xf32>,
        tpu.vector_store %arg8[%swap3A_1391, %swap3A_1392], %gather3A_1387 {strides = array<i32>} : memref<2x16384xf32, #tpu.memory_space<vmem>>, vector<16xf32>,
        %reshape3A_1394 = vector.shape_cast %get3A_1326 : vector<16xi32> to vector<16x1xi32>
        %gather3A_1395 = vector.shape_cast %reshape3A_1394 : vector<16x1xi32> to vector<16xi32>
        %gather3A_1396 = tpu.dynamic_gather %get3A_31[%gather3A_1395] in [0] : vector<16xf32>, vector<16xi32> -> vector<16xf32>
        %add3A_1397 = arith.constant 896 : i32
        %add3A_1398 = arith.addi %add3A_1330, %add3A_1397 : i32
        %swap3A_1399 = arith.constant 0 : i32
        %swap3A_1400 = arith.index_cast %swap3A_1399 : i32 to index
        %swap3A_1401 = arith.index_cast %add3A_1398 : i32 to index
        %swap3A_1402 = tpu.vector_load %arg8[%swap3A_1400, %swap3A_1401] {strides = array<i32>} : memref<2x16384xf32, #tpu.memory_space<vmem>>, vector<16xf32>,
        tpu.vector_store %arg8[%swap3A_1400, %swap3A_1401], %gather3A_1396 {strides = array<i32>} : memref<2x16384xf32, #tpu.memory_space<vmem>>, vector<16xf32>,
        %reshape3A_1403 = vector.shape_cast %get3A_1326 : vector<16xi32> to vector<16x1xi32>
        %gather3A_1404 = vector.shape_cast %reshape3A_1403 : vector<16x1xi32> to vector<16xi32>
        %gather3A_1405 = tpu.dynamic_gather %get3A_35[%gather3A_1404] in [0] : vector<16xf32>, vector<16xi32> -> vector<16xf32>
        %add3A_1406 = arith.constant 0 : i32
        %add3A_1407 = arith.addi %add3A_1330, %add3A_1406 : i32
        %swap3A_1408 = arith.constant 1 : i32
        %swap3A_1409 = arith.index_cast %swap3A_1408 : i32 to index
        %swap3A_1410 = arith.index_cast %add3A_1407 : i32 to index
        %swap3A_1411 = tpu.vector_load %arg8[%swap3A_1409, %swap3A_1410] {strides = array<i32>} : memref<2x16384xf32, #tpu.memory_space<vmem>>, vector<16xf32>,
        tpu.vector_store %arg8[%swap3A_1409, %swap3A_1410], %gather3A_1405 {strides = array<i32>} : memref<2x16384xf32, #tpu.memory_space<vmem>>, vector<16xf32>,
        %reshape3A_1412 = vector.shape_cast %get3A_1326 : vector<16xi32> to vector<16x1xi32>
        %gather3A_1413 = vector.shape_cast %reshape3A_1412 : vector<16x1xi32> to vector<16xi32>
        %gather3A_1414 = tpu.dynamic_gather %get3A_39[%gather3A_1413] in [0] : vector<16xf32>, vector<16xi32> -> vector<16xf32>
        %add3A_1415 = arith.constant 128 : i32
        %add3A_1416 = arith.addi %add3A_1330, %add3A_1415 : i32
        %swap3A_1417 = arith.constant 1 : i32
        %swap3A_1418 = arith.index_cast %swap3A_1417 : i32 to index
        %swap3A_1419 = arith.index_cast %add3A_1416 : i32 to index
        %swap3A_1420 = tpu.vector_load %arg8[%swap3A_1418, %swap3A_1419] {strides = array<i32>} : memref<2x16384xf32, #tpu.memory_space<vmem>>, vector<16xf32>,
        tpu.vector_store %arg8[%swap3A_1418, %swap3A_1419], %gather3A_1414 {strides = array<i32>} : memref<2x16384xf32, #tpu.memory_space<vmem>>, vector<16xf32>,
        %reshape3A_1421 = vector.shape_cast %get3A_1326 : vector<16xi32> to vector<16x1xi32>
        %gather3A_1422 = vector.shape_cast %reshape3A_1421 : vector<16x1xi32> to vector<16xi32>
        %gather3A_1423 = tpu.dynamic_gather %get3A_43[%gather3A_1422] in [0] : vector<16xf32>, vector<16xi32> -> vector<16xf32>
        %add3A_1424 = arith.constant 256 : i32
        %add3A_1425 = arith.addi %add3A_1330, %add3A_1424 : i32
        %swap3A_1426 = arith.constant 1 : i32
        %swap3A_1427 = arith.index_cast %swap3A_1426 : i32 to index
        %swap3A_1428 = arith.index_cast %add3A_1425 : i32 to index
        %swap3A_1429 = tpu.vector_load %arg8[%swap3A_1427, %swap3A_1428] {strides = array<i32>} : memref<2x16384xf32, #tpu.memory_space<vmem>>, vector<16xf32>,
        tpu.vector_store %arg8[%swap3A_1427, %swap3A_1428], %gather3A_1423 {strides = array<i32>} : memref<2x16384xf32, #tpu.memory_space<vmem>>, vector<16xf32>,
        %reshape3A_1430 = vector.shape_cast %get3A_1326 : vector<16xi32> to vector<16x1xi32>
        %gather3A_1431 = vector.shape_cast %reshape3A_1430 : vector<16x1xi32> to vector<16xi32>
        %gather3A_1432 = tpu.dynamic_gather %get3A_47[%gather3A_1431] in [0] : vector<16xf32>, vector<16xi32> -> vector<16xf32>
        %add3A_1433 = arith.constant 384 : i32
        %add3A_1434 = arith.addi %add3A_1330, %add3A_1433 : i32
        %swap3A_1435 = arith.constant 1 : i32
        %swap3A_1436 = arith.index_cast %swap3A_1435 : i32 to index
        %swap3A_1437 = arith.index_cast %add3A_1434 : i32 to index
        %swap3A_1438 = tpu.vector_load %arg8[%swap3A_1436, %swap3A_1437] {strides = array<i32>} : memref<2x16384xf32, #tpu.memory_space<vmem>>, vector<16xf32>,
        tpu.vector_store %arg8[%swap3A_1436, %swap3A_1437], %gather3A_1432 {strides = array<i32>} : memref<2x16384xf32, #tpu.memory_space<vmem>>, vector<16xf32>,
        %reshape3A_1439 = vector.shape_cast %get3A_1326 : vector<16xi32> to vector<16x1xi32>
        %gather3A_1440 = vector.shape_cast %reshape3A_1439 : vector<16x1xi32> to vector<16xi32>
        %gather3A_1441 = tpu.dynamic_gather %get3A_51[%gather3A_1440] in [0] : vector<16xf32>, vector<16xi32> -> vector<16xf32>
        %add3A_1442 = arith.constant 512 : i32
        %add3A_1443 = arith.addi %add3A_1330, %add3A_1442 : i32
        %swap3A_1444 = arith.constant 1 : i32
        %swap3A_1445 = arith.index_cast %swap3A_1444 : i32 to index
        %swap3A_1446 = arith.index_cast %add3A_1443 : i32 to index
        %swap3A_1447 = tpu.vector_load %arg8[%swap3A_1445, %swap3A_1446] {strides = array<i32>} : memref<2x16384xf32, #tpu.memory_space<vmem>>, vector<16xf32>,
        tpu.vector_store %arg8[%swap3A_1445, %swap3A_1446], %gather3A_1441 {strides = array<i32>} : memref<2x16384xf32, #tpu.memory_space<vmem>>, vector<16xf32>,
        %reshape3A_1448 = vector.shape_cast %get3A_1326 : vector<16xi32> to vector<16x1xi32>
        %gather3A_1449 = vector.shape_cast %reshape3A_1448 : vector<16x1xi32> to vector<16xi32>
        %gather3A_1450 = tpu.dynamic_gather %get3A_55[%gather3A_1449] in [0] : vector<16xf32>, vector<16xi32> -> vector<16xf32>
        %add3A_1451 = arith.constant 640 : i32
        %add3A_1452 = arith.addi %add3A_1330, %add3A_1451 : i32
        %swap3A_1453 = arith.constant 1 : i32
        %swap3A_1454 = arith.index_cast %swap3A_1453 : i32 to index
        %swap3A_1455 = arith.index_cast %add3A_1452 : i32 to index
        %swap3A_1456 = tpu.vector_load %arg8[%swap3A_1454, %swap3A_1455] {strides = array<i32>} : memref<2x16384xf32, #tpu.memory_space<vmem>>, vector<16xf32>,
        tpu.vector_store %arg8[%swap3A_1454, %swap3A_1455], %gather3A_1450 {strides = array<i32>} : memref<2x16384xf32, #tpu.memory_space<vmem>>, vector<16xf32>,
        %reshape3A_1457 = vector.shape_cast %get3A_1326 : vector<16xi32> to vector<16x1xi32>
        %gather3A_1458 = vector.shape_cast %reshape3A_1457 : vector<16x1xi32> to vector<16xi32>
        %gather3A_1459 = tpu.dynamic_gather %get3A_59[%gather3A_1458] in [0] : vector<16xf32>, vector<16xi32> -> vector<16xf32>
        %add3A_1460 = arith.constant 768 : i32
        %add3A_1461 = arith.addi %add3A_1330, %add3A_1460 : i32
        %swap3A_1462 = arith.constant 1 : i32
        %swap3A_1463 = arith.index_cast %swap3A_1462 : i32 to index
        %swap3A_1464 = arith.index_cast %add3A_1461 : i32 to index
        %swap3A_1465 = tpu.vector_load %arg8[%swap3A_1463, %swap3A_1464] {strides = array<i32>} : memref<2x16384xf32, #tpu.memory_space<vmem>>, vector<16xf32>,
        tpu.vector_store %arg8[%swap3A_1463, %swap3A_1464], %gather3A_1459 {strides = array<i32>} : memref<2x16384xf32, #tpu.memory_space<vmem>>, vector<16xf32>,
        %reshape3A_1466 = vector.shape_cast %get3A_1326 : vector<16xi32> to vector<16x1xi32>
        %gather3A_1467 = vector.shape_cast %reshape3A_1466 : vector<16x1xi32> to vector<16xi32>
        %gather3A_1468 = tpu.dynamic_gather %get3A_63[%gather3A_1467] in [0] : vector<16xf32>, vector<16xi32> -> vector<16xf32>
        %add3A_1469 = arith.constant 896 : i32
        %add3A_1470 = arith.addi %add3A_1330, %add3A_1469 : i32
        %swap3A_1471 = arith.constant 1 : i32
        %swap3A_1472 = arith.index_cast %swap3A_1471 : i32 to index
        %swap3A_1473 = arith.index_cast %add3A_1470 : i32 to index
        %swap3A_1474 = tpu.vector_load %arg8[%swap3A_1472, %swap3A_1473] {strides = array<i32>} : memref<2x16384xf32, #tpu.memory_space<vmem>>, vector<16xf32>,
        tpu.vector_store %arg8[%swap3A_1472, %swap3A_1473], %gather3A_1468 {strides = array<i32>} : memref<2x16384xf32, #tpu.memory_space<vmem>>, vector<16xf32>,
      }
      %scan3A_147 = arith.constant 16 : i32
      %mul3A_148 = arith.constant 16 : i32
      %mul3A_149 = arith.muli %min3A_135, %mul3A_148 : i32
      %add3A_150 = arith.constant 0 : i32
      %add3A_151 = arith.addi %add3A_150, %mul3A_149 : i32
      %mul3A_152 = arith.constant 1024 : i32
      %mul3A_153 = arith.muli %add3A_151, %mul3A_152 : i32
      %dma_start3A_154 = arith.constant 0 : i32
      %dma_start3A_155 = arith.constant 0 : i32
      %dma_start3A_156 = tpu.memref_slice %arg8[%dma_start3A_154, %dma_start3A_155] : memref<2x16384xf32, #tpu.memory_space<vmem>> -> memref<1x16384xf32, #tpu.memory_space<vmem>>
      %dma_start3A_157 = tpu.memref_squeeze %dma_start3A_156 : memref<1x16384xf32, #tpu.memory_space<vmem>> -> memref<16384xf32, #tpu.memory_space<vmem>>
      %dma_start3A_158 = tpu.memref_slice %arg4[%mul3A_153] : memref<102400000xf32, #tpu.memory_space<hbm>> -> memref<16384xf32, #tpu.memory_space<hbm>>
      %dma_start3A_159 = tpu.memref_slice %arg4[%mul3A_153] : memref<102400000xf32, #tpu.memory_space<hbm>> -> memref<16384xf32, #tpu.memory_space<hbm>>
      %dma_start3A_160 = arith.constant 0 : i32
      %dma_start3A_161 = tpu.memref_slice %arg8[%dma_start3A_154, %dma_start3A_160] : memref<2x16384xf32, #tpu.memory_space<vmem>> -> memref<1x16384xf32, #tpu.memory_space<vmem>>
      %dma_start3A_162 = tpu.memref_squeeze %dma_start3A_161 : memref<1x16384xf32, #tpu.memory_space<vmem>> -> memref<16384xf32, #tpu.memory_space<vmem>>
      tpu.enqueue_dma source(%dma_start3A_162 : memref<16384xf32, #tpu.memory_space<vmem>>) target(%dma_start3A_159 : memref<16384xf32, #tpu.memory_space<hbm>>) target_semaphore(%arg12 : memref<!tpu.dma_semaphore, #tpu.memory_space<semaphore_mem>>)
      %mul3A_163 = arith.constant 16 : i32
      %mul3A_164 = arith.muli %min3A_135, %mul3A_163 : i32
      %add3A_165 = arith.constant 50000 : i32
      %add3A_166 = arith.addi %add3A_165, %mul3A_164 : i32
      %mul3A_167 = arith.constant 1024 : i32
      %mul3A_168 = arith.muli %add3A_166, %mul3A_167 : i32
      %dma_start3A_169 = arith.constant 1 : i32
      %dma_start3A_170 = arith.constant 0 : i32
      %dma_start3A_171 = tpu.memref_slice %arg8[%dma_start3A_169, %dma_start3A_170] : memref<2x16384xf32, #tpu.memory_space<vmem>> -> memref<1x16384xf32, #tpu.memory_space<vmem>>
      %dma_start3A_172 = tpu.memref_squeeze %dma_start3A_171 : memref<1x16384xf32, #tpu.memory_space<vmem>> -> memref<16384xf32, #tpu.memory_space<vmem>>
      %dma_start3A_173 = tpu.memref_slice %arg4[%mul3A_168] : memref<102400000xf32, #tpu.memory_space<hbm>> -> memref<16384xf32, #tpu.memory_space<hbm>>
      %dma_start3A_174 = tpu.memref_slice %arg4[%mul3A_168] : memref<102400000xf32, #tpu.memory_space<hbm>> -> memref<16384xf32, #tpu.memory_space<hbm>>
      %dma_start3A_175 = arith.constant 0 : i32
      %dma_start3A_176 = tpu.memref_slice %arg8[%dma_start3A_169, %dma_start3A_175] : memref<2x16384xf32, #tpu.memory_space<vmem>> -> memref<1x16384xf32, #tpu.memory_space<vmem>>
      %dma_start3A_177 = tpu.memref_squeeze %dma_start3A_176 : memref<1x16384xf32, #tpu.memory_space<vmem>> -> memref<16384xf32, #tpu.memory_space<vmem>>
      tpu.enqueue_dma source(%dma_start3A_177 : memref<16384xf32, #tpu.memory_space<vmem>>) target(%dma_start3A_174 : memref<16384xf32, #tpu.memory_space<hbm>>) target_semaphore(%arg12 : memref<!tpu.dma_semaphore, #tpu.memory_space<semaphore_mem>>)
      %add3A_178 = arith.constant 2 : i32
      %add3A_179 = arith.addi %add3A_130, %add3A_178 : i32
      %lt3A = arith.constant 98 : i32
      %lt3A_180 = arith.cmpi slt, %add3A_179, %lt3A : i32
      %convert_element_type3A_181 = arith.extui %lt3A_180 : i1 to i32
      %cond3A_182 = arith.constant 0 : i32
      %cond3A_183 = arith.cmpi ne, %convert_element_type3A_181, %cond3A_182 : i32
      scf.if %cond3A_183 {
        %add3A_245 = arith.constant 2 : i32
        %add3A_246 = arith.addi %add3A_130, %add3A_245 : i32
        %mul3A_247 = arith.constant 32 : i32
        %mul3A_248 = arith.muli %mul3A_247, %add3A_246 : i32
        %add3A_249 = arith.addi %add3A, %mul3A_248 : i32
        %min3A_250 = arith.constant 3124 : i32
        %min3A_251 = arith.minsi %add3A_249, %min3A_250 : i32
        %mul3A_252 = arith.constant 2048 : i32
        %mul3A_253 = arith.muli %min3A_251, %mul3A_252 : i32
        %dma_start3A_254 = tpu.memref_slice %arg3[%mul3A_253] : memref<6400000xi32, #tpu.memory_space<hbm>> -> memref<2048xi32, #tpu.memory_space<hbm>>
        %dma_start3A_255 = tpu.memref_slice %arg3[%mul3A_253] : memref<6400000xi32, #tpu.memory_space<hbm>> -> memref<2048xi32, #tpu.memory_space<hbm>>
        tpu.enqueue_dma source(%dma_start3A_255 : memref<2048xi32, #tpu.memory_space<hbm>>) target(%arg6 : memref<2048xi32, #tpu.memory_space<vmem>>) target_semaphore(%arg10 : memref<!tpu.dma_semaphore, #tpu.memory_space<semaphore_mem>>)
      } else {
      }
      %mul3A_184 = arith.constant 2 : i32
      %mul3A_185 = arith.muli %scan3A_126, %mul3A_184 : i32
      %add3A_186 = arith.constant 1 : i32
      %add3A_187 = arith.addi %mul3A_185, %add3A_186 : i32
      %mul3A_188 = arith.constant 32 : i32
      %mul3A_189 = arith.muli %mul3A_188, %add3A_187 : i32
      %add3A_190 = arith.addi %add3A, %mul3A_189 : i32
      %min3A_191 = arith.constant 3124 : i32
      %min3A_192 = arith.minsi %add3A_190, %min3A_191 : i32
      %ge3A_193 = arith.constant 2 : i32
      %ge3A_194 = arith.cmpi sge, %add3A_187, %ge3A_193 : i32
      %convert_element_type3A_195 = arith.extui %ge3A_194 : i1 to i32
      %cond3A_196 = arith.constant 0 : i32
      %cond3A_197 = arith.cmpi ne, %convert_element_type3A_195, %cond3A_196 : i32
      scf.if %cond3A_197 {
        %dma_wait3A_245 = arith.constant 0 : i32
        %dma_wait3A_246 = arith.constant 0 : i32
        %dma_wait3A_247 = tpu.memref_slice %arg9[%dma_wait3A_245, %dma_wait3A_246] : memref<2x16384xf32, #tpu.memory_space<vmem>> -> memref<1x16384xf32, #tpu.memory_space<vmem>>
        %dma_wait3A_248 = tpu.memref_squeeze %dma_wait3A_247 : memref<1x16384xf32, #tpu.memory_space<vmem>> -> memref<16384xf32, #tpu.memory_space<vmem>>
        %dma_wait3A_249 = arith.constant 0 : i32
        %dma_wait3A_250 = tpu.memref_slice %arg4[%dma_wait3A_249] : memref<102400000xf32, #tpu.memory_space<hbm>> -> memref<16384xf32, #tpu.memory_space<hbm>>
        %dma_wait3A_251 = arith.constant 0 : i32
        %dma_wait3A_252 = tpu.memref_slice %arg4[%dma_wait3A_251] : memref<102400000xf32, #tpu.memory_space<hbm>> -> memref<16384xf32, #tpu.memory_space<hbm>>
        %dma_wait3A_253 = arith.constant 0 : i32
        %dma_wait3A_254 = tpu.memref_slice %arg9[%dma_wait3A_245, %dma_wait3A_253] : memref<2x16384xf32, #tpu.memory_space<vmem>> -> memref<1x16384xf32, #tpu.memory_space<vmem>>
        %dma_wait3A_255 = tpu.memref_squeeze %dma_wait3A_254 : memref<1x16384xf32, #tpu.memory_space<vmem>> -> memref<16384xf32, #tpu.memory_space<vmem>>
        tpu.wait_dma2 semaphore(%arg13 : memref<!tpu.dma_semaphore, #tpu.memory_space<semaphore_mem>>) src(%dma_wait3A_255 : memref<16384xf32, #tpu.memory_space<vmem>>) dst(%dma_wait3A_252 : memref<16384xf32, #tpu.memory_space<hbm>>)
        %dma_wait3A_256 = arith.constant 1 : i32
        %dma_wait3A_257 = arith.constant 0 : i32
        %dma_wait3A_258 = tpu.memref_slice %arg9[%dma_wait3A_256, %dma_wait3A_257] : memref<2x16384xf32, #tpu.memory_space<vmem>> -> memref<1x16384xf32, #tpu.memory_space<vmem>>
        %dma_wait3A_259 = tpu.memref_squeeze %dma_wait3A_258 : memref<1x16384xf32, #tpu.memory_space<vmem>> -> memref<16384xf32, #tpu.memory_space<vmem>>
        %dma_wait3A_260 = arith.constant 51200000 : i32
        %dma_wait3A_261 = tpu.memref_slice %arg4[%dma_wait3A_260] : memref<102400000xf32, #tpu.memory_space<hbm>> -> memref<16384xf32, #tpu.memory_space<hbm>>
        %dma_wait3A_262 = arith.constant 51200000 : i32
        %dma_wait3A_263 = tpu.memref_slice %arg4[%dma_wait3A_262] : memref<102400000xf32, #tpu.memory_space<hbm>> -> memref<16384xf32, #tpu.memory_space<hbm>>
        %dma_wait3A_264 = arith.constant 0 : i32
        %dma_wait3A_265 = tpu.memref_slice %arg9[%dma_wait3A_256, %dma_wait3A_264] : memref<2x16384xf32, #tpu.memory_space<vmem>> -> memref<1x16384xf32, #tpu.memory_space<vmem>>
        %dma_wait3A_266 = tpu.memref_squeeze %dma_wait3A_265 : memref<1x16384xf32, #tpu.memory_space<vmem>> -> memref<16384xf32, #tpu.memory_space<vmem>>
        tpu.wait_dma2 semaphore(%arg13 : memref<!tpu.dma_semaphore, #tpu.memory_space<semaphore_mem>>) src(%dma_wait3A_266 : memref<16384xf32, #tpu.memory_space<vmem>>) dst(%dma_wait3A_263 : memref<16384xf32, #tpu.memory_space<hbm>>)
      } else {
      }
      %dma_wait3A_198 = arith.constant 0 : i32
      %dma_wait3A_199 = tpu.memref_slice %arg3[%dma_wait3A_198] : memref<6400000xi32, #tpu.memory_space<hbm>> -> memref<2048xi32, #tpu.memory_space<hbm>>
      %dma_wait3A_200 = arith.constant 0 : i32
      %dma_wait3A_201 = tpu.memref_slice %arg3[%dma_wait3A_200] : memref<6400000xi32, #tpu.memory_space<hbm>> -> memref<2048xi32, #tpu.memory_space<hbm>>
      tpu.wait_dma2 semaphore(%arg11 : memref<!tpu.dma_semaphore, #tpu.memory_space<semaphore_mem>>) src(%dma_wait3A_201 : memref<2048xi32, #tpu.memory_space<hbm>>) dst(%arg7 : memref<2048xi32, #tpu.memory_space<vmem>>)
      %scan3A_202 = arith.constant 0 : i32
      %scan3A_203 = arith.constant 0 : i32
      %scan3A_204 = arith.constant 16 : i32
      %scan3A_205 = arith.addi %scan3A_203, %scan3A_204 : i32
      %scan3A_206 = arith.constant 1 : i32
      scf.for %scan3A_245 = %scan3A_203 to %scan3A_205 step %scan3A_206  : i32 {
        %mul3A_246 = arith.constant 128 : i32
        %mul3A_247 = arith.muli %scan3A_245, %mul3A_246 : i32
        %add3A_248 = arith.constant 0 : i32
        %add3A_249 = arith.addi %mul3A_247, %add3A_248 : i32
        %get3A_250 = arith.index_cast %add3A_249 : i32 to index
        %get3A_251 = tpu.vector_load %arg7[%get3A_250] {strides = array<i32>} : memref<2048xi32, #tpu.memory_space<vmem>>, vector<16xi32>,
        %mul3A_252 = arith.constant 1024 : i32
        %mul3A_253 = arith.muli %scan3A_245, %mul3A_252 : i32
        %add3A_254 = arith.constant 0 : i32
        %add3A_255 = arith.addi %mul3A_253, %add3A_254 : i32
        %reshape3A = vector.shape_cast %get3A_251 : vector<16xi32> to vector<16x1xi32>
        %gather3A = vector.shape_cast %reshape3A : vector<16x1xi32> to vector<16xi32>
        %gather3A_256 = tpu.dynamic_gather %get3A_3[%gather3A] in [0] : vector<16xf32>, vector<16xi32> -> vector<16xf32>
        %add3A_257 = arith.constant 0 : i32
        %add3A_258 = arith.addi %add3A_255, %add3A_257 : i32
        %swap3A = arith.constant 0 : i32
        %swap3A_259 = arith.index_cast %swap3A : i32 to index
        %swap3A_260 = arith.index_cast %add3A_258 : i32 to index
        %swap3A_261 = tpu.vector_load %arg9[%swap3A_259, %swap3A_260] {strides = array<i32>} : memref<2x16384xf32, #tpu.memory_space<vmem>>, vector<16xf32>,
        tpu.vector_store %arg9[%swap3A_259, %swap3A_260], %gather3A_256 {strides = array<i32>} : memref<2x16384xf32, #tpu.memory_space<vmem>>, vector<16xf32>,
        %reshape3A_262 = vector.shape_cast %get3A_251 : vector<16xi32> to vector<16x1xi32>
        %gather3A_263 = vector.shape_cast %reshape3A_262 : vector<16x1xi32> to vector<16xi32>
        %gather3A_264 = tpu.dynamic_gather %get3A_7[%gather3A_263] in [0] : vector<16xf32>, vector<16xi32> -> vector<16xf32>
        %add3A_265 = arith.constant 128 : i32
        %add3A_266 = arith.addi %add3A_255, %add3A_265 : i32
        %swap3A_267 = arith.constant 0 : i32
        %swap3A_268 = arith.index_cast %swap3A_267 : i32 to index
        %swap3A_269 = arith.index_cast %add3A_266 : i32 to index
        %swap3A_270 = tpu.vector_load %arg9[%swap3A_268, %swap3A_269] {strides = array<i32>} : memref<2x16384xf32, #tpu.memory_space<vmem>>, vector<16xf32>,
        tpu.vector_store %arg9[%swap3A_268, %swap3A_269], %gather3A_264 {strides = array<i32>} : memref<2x16384xf32, #tpu.memory_space<vmem>>, vector<16xf32>,
        %reshape3A_271 = vector.shape_cast %get3A_251 : vector<16xi32> to vector<16x1xi32>
        %gather3A_272 = vector.shape_cast %reshape3A_271 : vector<16x1xi32> to vector<16xi32>
        %gather3A_273 = tpu.dynamic_gather %get3A_11[%gather3A_272] in [0] : vector<16xf32>, vector<16xi32> -> vector<16xf32>
        %add3A_274 = arith.constant 256 : i32
        %add3A_275 = arith.addi %add3A_255, %add3A_274 : i32
        %swap3A_276 = arith.constant 0 : i32
        %swap3A_277 = arith.index_cast %swap3A_276 : i32 to index
        %swap3A_278 = arith.index_cast %add3A_275 : i32 to index
        %swap3A_279 = tpu.vector_load %arg9[%swap3A_277, %swap3A_278] {strides = array<i32>} : memref<2x16384xf32, #tpu.memory_space<vmem>>, vector<16xf32>,
        tpu.vector_store %arg9[%swap3A_277, %swap3A_278], %gather3A_273 {strides = array<i32>} : memref<2x16384xf32, #tpu.memory_space<vmem>>, vector<16xf32>,
        %reshape3A_280 = vector.shape_cast %get3A_251 : vector<16xi32> to vector<16x1xi32>
        %gather3A_281 = vector.shape_cast %reshape3A_280 : vector<16x1xi32> to vector<16xi32>
        %gather3A_282 = tpu.dynamic_gather %get3A_15[%gather3A_281] in [0] : vector<16xf32>, vector<16xi32> -> vector<16xf32>
        %add3A_283 = arith.constant 384 : i32
        %add3A_284 = arith.addi %add3A_255, %add3A_283 : i32
        %swap3A_285 = arith.constant 0 : i32
        %swap3A_286 = arith.index_cast %swap3A_285 : i32 to index
        %swap3A_287 = arith.index_cast %add3A_284 : i32 to index
        %swap3A_288 = tpu.vector_load %arg9[%swap3A_286, %swap3A_287] {strides = array<i32>} : memref<2x16384xf32, #tpu.memory_space<vmem>>, vector<16xf32>,
        tpu.vector_store %arg9[%swap3A_286, %swap3A_287], %gather3A_282 {strides = array<i32>} : memref<2x16384xf32, #tpu.memory_space<vmem>>, vector<16xf32>,
        %reshape3A_289 = vector.shape_cast %get3A_251 : vector<16xi32> to vector<16x1xi32>
        %gather3A_290 = vector.shape_cast %reshape3A_289 : vector<16x1xi32> to vector<16xi32>
        %gather3A_291 = tpu.dynamic_gather %get3A_19[%gather3A_290] in [0] : vector<16xf32>, vector<16xi32> -> vector<16xf32>
        %add3A_292 = arith.constant 512 : i32
        %add3A_293 = arith.addi %add3A_255, %add3A_292 : i32
        %swap3A_294 = arith.constant 0 : i32
        %swap3A_295 = arith.index_cast %swap3A_294 : i32 to index
        %swap3A_296 = arith.index_cast %add3A_293 : i32 to index
        %swap3A_297 = tpu.vector_load %arg9[%swap3A_295, %swap3A_296] {strides = array<i32>} : memref<2x16384xf32, #tpu.memory_space<vmem>>, vector<16xf32>,
        tpu.vector_store %arg9[%swap3A_295, %swap3A_296], %gather3A_291 {strides = array<i32>} : memref<2x16384xf32, #tpu.memory_space<vmem>>, vector<16xf32>,
        %reshape3A_298 = vector.shape_cast %get3A_251 : vector<16xi32> to vector<16x1xi32>
        %gather3A_299 = vector.shape_cast %reshape3A_298 : vector<16x1xi32> to vector<16xi32>
        %gather3A_300 = tpu.dynamic_gather %get3A_23[%gather3A_299] in [0] : vector<16xf32>, vector<16xi32> -> vector<16xf32>
        %add3A_301 = arith.constant 640 : i32
        %add3A_302 = arith.addi %add3A_255, %add3A_301 : i32
        %swap3A_303 = arith.constant 0 : i32
        %swap3A_304 = arith.index_cast %swap3A_303 : i32 to index
        %swap3A_305 = arith.index_cast %add3A_302 : i32 to index
        %swap3A_306 = tpu.vector_load %arg9[%swap3A_304, %swap3A_305] {strides = array<i32>} : memref<2x16384xf32, #tpu.memory_space<vmem>>, vector<16xf32>,
        tpu.vector_store %arg9[%swap3A_304, %swap3A_305], %gather3A_300 {strides = array<i32>} : memref<2x16384xf32, #tpu.memory_space<vmem>>, vector<16xf32>,
        %reshape3A_307 = vector.shape_cast %get3A_251 : vector<16xi32> to vector<16x1xi32>
        %gather3A_308 = vector.shape_cast %reshape3A_307 : vector<16x1xi32> to vector<16xi32>
        %gather3A_309 = tpu.dynamic_gather %get3A_27[%gather3A_308] in [0] : vector<16xf32>, vector<16xi32> -> vector<16xf32>
        %add3A_310 = arith.constant 768 : i32
        %add3A_311 = arith.addi %add3A_255, %add3A_310 : i32
        %swap3A_312 = arith.constant 0 : i32
        %swap3A_313 = arith.index_cast %swap3A_312 : i32 to index
        %swap3A_314 = arith.index_cast %add3A_311 : i32 to index
        %swap3A_315 = tpu.vector_load %arg9[%swap3A_313, %swap3A_314] {strides = array<i32>} : memref<2x16384xf32, #tpu.memory_space<vmem>>, vector<16xf32>,
        tpu.vector_store %arg9[%swap3A_313, %swap3A_314], %gather3A_309 {strides = array<i32>} : memref<2x16384xf32, #tpu.memory_space<vmem>>, vector<16xf32>,
        %reshape3A_316 = vector.shape_cast %get3A_251 : vector<16xi32> to vector<16x1xi32>
        %gather3A_317 = vector.shape_cast %reshape3A_316 : vector<16x1xi32> to vector<16xi32>
        %gather3A_318 = tpu.dynamic_gather %get3A_31[%gather3A_317] in [0] : vector<16xf32>, vector<16xi32> -> vector<16xf32>
        %add3A_319 = arith.constant 896 : i32
        %add3A_320 = arith.addi %add3A_255, %add3A_319 : i32
        %swap3A_321 = arith.constant 0 : i32
        %swap3A_322 = arith.index_cast %swap3A_321 : i32 to index
        %swap3A_323 = arith.index_cast %add3A_320 : i32 to index
        %swap3A_324 = tpu.vector_load %arg9[%swap3A_322, %swap3A_323] {strides = array<i32>} : memref<2x16384xf32, #tpu.memory_space<vmem>>, vector<16xf32>,
        tpu.vector_store %arg9[%swap3A_322, %swap3A_323], %gather3A_318 {strides = array<i32>} : memref<2x16384xf32, #tpu.memory_space<vmem>>, vector<16xf32>,
        %reshape3A_325 = vector.shape_cast %get3A_251 : vector<16xi32> to vector<16x1xi32>
        %gather3A_326 = vector.shape_cast %reshape3A_325 : vector<16x1xi32> to vector<16xi32>
        %gather3A_327 = tpu.dynamic_gather %get3A_35[%gather3A_326] in [0] : vector<16xf32>, vector<16xi32> -> vector<16xf32>
        %add3A_328 = arith.constant 0 : i32
        %add3A_329 = arith.addi %add3A_255, %add3A_328 : i32
        %swap3A_330 = arith.constant 1 : i32
        %swap3A_331 = arith.index_cast %swap3A_330 : i32 to index
        %swap3A_332 = arith.index_cast %add3A_329 : i32 to index
        %swap3A_333 = tpu.vector_load %arg9[%swap3A_331, %swap3A_332] {strides = array<i32>} : memref<2x16384xf32, #tpu.memory_space<vmem>>, vector<16xf32>,
        tpu.vector_store %arg9[%swap3A_331, %swap3A_332], %gather3A_327 {strides = array<i32>} : memref<2x16384xf32, #tpu.memory_space<vmem>>, vector<16xf32>,
        %reshape3A_334 = vector.shape_cast %get3A_251 : vector<16xi32> to vector<16x1xi32>
        %gather3A_335 = vector.shape_cast %reshape3A_334 : vector<16x1xi32> to vector<16xi32>
        %gather3A_336 = tpu.dynamic_gather %get3A_39[%gather3A_335] in [0] : vector<16xf32>, vector<16xi32> -> vector<16xf32>
        %add3A_337 = arith.constant 128 : i32
        %add3A_338 = arith.addi %add3A_255, %add3A_337 : i32
        %swap3A_339 = arith.constant 1 : i32
        %swap3A_340 = arith.index_cast %swap3A_339 : i32 to index
        %swap3A_341 = arith.index_cast %add3A_338 : i32 to index
        %swap3A_342 = tpu.vector_load %arg9[%swap3A_340, %swap3A_341] {strides = array<i32>} : memref<2x16384xf32, #tpu.memory_space<vmem>>, vector<16xf32>,
        tpu.vector_store %arg9[%swap3A_340, %swap3A_341], %gather3A_336 {strides = array<i32>} : memref<2x16384xf32, #tpu.memory_space<vmem>>, vector<16xf32>,
        %reshape3A_343 = vector.shape_cast %get3A_251 : vector<16xi32> to vector<16x1xi32>
        %gather3A_344 = vector.shape_cast %reshape3A_343 : vector<16x1xi32> to vector<16xi32>
        %gather3A_345 = tpu.dynamic_gather %get3A_43[%gather3A_344] in [0] : vector<16xf32>, vector<16xi32> -> vector<16xf32>
        %add3A_346 = arith.constant 256 : i32
        %add3A_347 = arith.addi %add3A_255, %add3A_346 : i32
        %swap3A_348 = arith.constant 1 : i32
        %swap3A_349 = arith.index_cast %swap3A_348 : i32 to index
        %swap3A_350 = arith.index_cast %add3A_347 : i32 to index
        %swap3A_351 = tpu.vector_load %arg9[%swap3A_349, %swap3A_350] {strides = array<i32>} : memref<2x16384xf32, #tpu.memory_space<vmem>>, vector<16xf32>,
        tpu.vector_store %arg9[%swap3A_349, %swap3A_350], %gather3A_345 {strides = array<i32>} : memref<2x16384xf32, #tpu.memory_space<vmem>>, vector<16xf32>,
        %reshape3A_352 = vector.shape_cast %get3A_251 : vector<16xi32> to vector<16x1xi32>
        %gather3A_353 = vector.shape_cast %reshape3A_352 : vector<16x1xi32> to vector<16xi32>
        %gather3A_354 = tpu.dynamic_gather %get3A_47[%gather3A_353] in [0] : vector<16xf32>, vector<16xi32> -> vector<16xf32>
        %add3A_355 = arith.constant 384 : i32
        %add3A_356 = arith.addi %add3A_255, %add3A_355 : i32
        %swap3A_357 = arith.constant 1 : i32
        %swap3A_358 = arith.index_cast %swap3A_357 : i32 to index
        %swap3A_359 = arith.index_cast %add3A_356 : i32 to index
        %swap3A_360 = tpu.vector_load %arg9[%swap3A_358, %swap3A_359] {strides = array<i32>} : memref<2x16384xf32, #tpu.memory_space<vmem>>, vector<16xf32>,
        tpu.vector_store %arg9[%swap3A_358, %swap3A_359], %gather3A_354 {strides = array<i32>} : memref<2x16384xf32, #tpu.memory_space<vmem>>, vector<16xf32>,
        %reshape3A_361 = vector.shape_cast %get3A_251 : vector<16xi32> to vector<16x1xi32>
        %gather3A_362 = vector.shape_cast %reshape3A_361 : vector<16x1xi32> to vector<16xi32>
        %gather3A_363 = tpu.dynamic_gather %get3A_51[%gather3A_362] in [0] : vector<16xf32>, vector<16xi32> -> vector<16xf32>
        %add3A_364 = arith.constant 512 : i32
        %add3A_365 = arith.addi %add3A_255, %add3A_364 : i32
        %swap3A_366 = arith.constant 1 : i32
        %swap3A_367 = arith.index_cast %swap3A_366 : i32 to index
        %swap3A_368 = arith.index_cast %add3A_365 : i32 to index
        %swap3A_369 = tpu.vector_load %arg9[%swap3A_367, %swap3A_368] {strides = array<i32>} : memref<2x16384xf32, #tpu.memory_space<vmem>>, vector<16xf32>,
        tpu.vector_store %arg9[%swap3A_367, %swap3A_368], %gather3A_363 {strides = array<i32>} : memref<2x16384xf32, #tpu.memory_space<vmem>>, vector<16xf32>,
        %reshape3A_370 = vector.shape_cast %get3A_251 : vector<16xi32> to vector<16x1xi32>
        %gather3A_371 = vector.shape_cast %reshape3A_370 : vector<16x1xi32> to vector<16xi32>
        %gather3A_372 = tpu.dynamic_gather %get3A_55[%gather3A_371] in [0] : vector<16xf32>, vector<16xi32> -> vector<16xf32>
        %add3A_373 = arith.constant 640 : i32
        %add3A_374 = arith.addi %add3A_255, %add3A_373 : i32
        %swap3A_375 = arith.constant 1 : i32
        %swap3A_376 = arith.index_cast %swap3A_375 : i32 to index
        %swap3A_377 = arith.index_cast %add3A_374 : i32 to index
        %swap3A_378 = tpu.vector_load %arg9[%swap3A_376, %swap3A_377] {strides = array<i32>} : memref<2x16384xf32, #tpu.memory_space<vmem>>, vector<16xf32>,
        tpu.vector_store %arg9[%swap3A_376, %swap3A_377], %gather3A_372 {strides = array<i32>} : memref<2x16384xf32, #tpu.memory_space<vmem>>, vector<16xf32>,
        %reshape3A_379 = vector.shape_cast %get3A_251 : vector<16xi32> to vector<16x1xi32>
        %gather3A_380 = vector.shape_cast %reshape3A_379 : vector<16x1xi32> to vector<16xi32>
        %gather3A_381 = tpu.dynamic_gather %get3A_59[%gather3A_380] in [0] : vector<16xf32>, vector<16xi32> -> vector<16xf32>
        %add3A_382 = arith.constant 768 : i32
        %add3A_383 = arith.addi %add3A_255, %add3A_382 : i32
        %swap3A_384 = arith.constant 1 : i32
        %swap3A_385 = arith.index_cast %swap3A_384 : i32 to index
        %swap3A_386 = arith.index_cast %add3A_383 : i32 to index
        %swap3A_387 = tpu.vector_load %arg9[%swap3A_385, %swap3A_386] {strides = array<i32>} : memref<2x16384xf32, #tpu.memory_space<vmem>>, vector<16xf32>,
        tpu.vector_store %arg9[%swap3A_385, %swap3A_386], %gather3A_381 {strides = array<i32>} : memref<2x16384xf32, #tpu.memory_space<vmem>>, vector<16xf32>,
        %reshape3A_388 = vector.shape_cast %get3A_251 : vector<16xi32> to vector<16x1xi32>
        %gather3A_389 = vector.shape_cast %reshape3A_388 : vector<16x1xi32> to vector<16xi32>
        %gather3A_390 = tpu.dynamic_gather %get3A_63[%gather3A_389] in [0] : vector<16xf32>, vector<16xi32> -> vector<16xf32>
        %add3A_391 = arith.constant 896 : i32
        %add3A_392 = arith.addi %add3A_255, %add3A_391 : i32
        %swap3A_393 = arith.constant 1 : i32
        %swap3A_394 = arith.index_cast %swap3A_393 : i32 to index
        %swap3A_395 = arith.index_cast %add3A_392 : i32 to index
        %swap3A_396 = tpu.vector_load %arg9[%swap3A_394, %swap3A_395] {strides = array<i32>} : memref<2x16384xf32, #tpu.memory_space<vmem>>, vector<16xf32>,
        tpu.vector_store %arg9[%swap3A_394, %swap3A_395], %gather3A_390 {strides = array<i32>} : memref<2x16384xf32, #tpu.memory_space<vmem>>, vector<16xf32>,
        %mul3A_397 = arith.constant 128 : i32
        %mul3A_398 = arith.muli %scan3A_245, %mul3A_397 : i32
        %add3A_399 = arith.constant 16 : i32
        %add3A_400 = arith.addi %mul3A_398, %add3A_399 : i32
        %get3A_401 = arith.index_cast %add3A_400 : i32 to index
        %get3A_402 = tpu.vector_load %arg7[%get3A_401] {strides = array<i32>} : memref<2048xi32, #tpu.memory_space<vmem>>, vector<16xi32>,
        %mul3A_403 = arith.constant 1024 : i32
        %mul3A_404 = arith.muli %scan3A_245, %mul3A_403 : i32
        %add3A_405 = arith.constant 16 : i32
        %add3A_406 = arith.addi %mul3A_404, %add3A_405 : i32
        %reshape3A_407 = vector.shape_cast %get3A_402 : vector<16xi32> to vector<16x1xi32>
        %gather3A_408 = vector.shape_cast %reshape3A_407 : vector<16x1xi32> to vector<16xi32>
        %gather3A_409 = tpu.dynamic_gather %get3A_3[%gather3A_408] in [0] : vector<16xf32>, vector<16xi32> -> vector<16xf32>
        %add3A_410 = arith.constant 0 : i32
        %add3A_411 = arith.addi %add3A_406, %add3A_410 : i32
        %swap3A_412 = arith.constant 0 : i32
        %swap3A_413 = arith.index_cast %swap3A_412 : i32 to index
        %swap3A_414 = arith.index_cast %add3A_411 : i32 to index
        %swap3A_415 = tpu.vector_load %arg9[%swap3A_413, %swap3A_414] {strides = array<i32>} : memref<2x16384xf32, #tpu.memory_space<vmem>>, vector<16xf32>,
        tpu.vector_store %arg9[%swap3A_413, %swap3A_414], %gather3A_409 {strides = array<i32>} : memref<2x16384xf32, #tpu.memory_space<vmem>>, vector<16xf32>,
        %reshape3A_416 = vector.shape_cast %get3A_402 : vector<16xi32> to vector<16x1xi32>
        %gather3A_417 = vector.shape_cast %reshape3A_416 : vector<16x1xi32> to vector<16xi32>
        %gather3A_418 = tpu.dynamic_gather %get3A_7[%gather3A_417] in [0] : vector<16xf32>, vector<16xi32> -> vector<16xf32>
        %add3A_419 = arith.constant 128 : i32
        %add3A_420 = arith.addi %add3A_406, %add3A_419 : i32
        %swap3A_421 = arith.constant 0 : i32
        %swap3A_422 = arith.index_cast %swap3A_421 : i32 to index
        %swap3A_423 = arith.index_cast %add3A_420 : i32 to index
        %swap3A_424 = tpu.vector_load %arg9[%swap3A_422, %swap3A_423] {strides = array<i32>} : memref<2x16384xf32, #tpu.memory_space<vmem>>, vector<16xf32>,
        tpu.vector_store %arg9[%swap3A_422, %swap3A_423], %gather3A_418 {strides = array<i32>} : memref<2x16384xf32, #tpu.memory_space<vmem>>, vector<16xf32>,
        %reshape3A_425 = vector.shape_cast %get3A_402 : vector<16xi32> to vector<16x1xi32>
        %gather3A_426 = vector.shape_cast %reshape3A_425 : vector<16x1xi32> to vector<16xi32>
        %gather3A_427 = tpu.dynamic_gather %get3A_11[%gather3A_426] in [0] : vector<16xf32>, vector<16xi32> -> vector<16xf32>
        %add3A_428 = arith.constant 256 : i32
        %add3A_429 = arith.addi %add3A_406, %add3A_428 : i32
        %swap3A_430 = arith.constant 0 : i32
        %swap3A_431 = arith.index_cast %swap3A_430 : i32 to index
        %swap3A_432 = arith.index_cast %add3A_429 : i32 to index
        %swap3A_433 = tpu.vector_load %arg9[%swap3A_431, %swap3A_432] {strides = array<i32>} : memref<2x16384xf32, #tpu.memory_space<vmem>>, vector<16xf32>,
        tpu.vector_store %arg9[%swap3A_431, %swap3A_432], %gather3A_427 {strides = array<i32>} : memref<2x16384xf32, #tpu.memory_space<vmem>>, vector<16xf32>,
        %reshape3A_434 = vector.shape_cast %get3A_402 : vector<16xi32> to vector<16x1xi32>
        %gather3A_435 = vector.shape_cast %reshape3A_434 : vector<16x1xi32> to vector<16xi32>
        %gather3A_436 = tpu.dynamic_gather %get3A_15[%gather3A_435] in [0] : vector<16xf32>, vector<16xi32> -> vector<16xf32>
        %add3A_437 = arith.constant 384 : i32
        %add3A_438 = arith.addi %add3A_406, %add3A_437 : i32
        %swap3A_439 = arith.constant 0 : i32
        %swap3A_440 = arith.index_cast %swap3A_439 : i32 to index
        %swap3A_441 = arith.index_cast %add3A_438 : i32 to index
        %swap3A_442 = tpu.vector_load %arg9[%swap3A_440, %swap3A_441] {strides = array<i32>} : memref<2x16384xf32, #tpu.memory_space<vmem>>, vector<16xf32>,
        tpu.vector_store %arg9[%swap3A_440, %swap3A_441], %gather3A_436 {strides = array<i32>} : memref<2x16384xf32, #tpu.memory_space<vmem>>, vector<16xf32>,
        %reshape3A_443 = vector.shape_cast %get3A_402 : vector<16xi32> to vector<16x1xi32>
        %gather3A_444 = vector.shape_cast %reshape3A_443 : vector<16x1xi32> to vector<16xi32>
        %gather3A_445 = tpu.dynamic_gather %get3A_19[%gather3A_444] in [0] : vector<16xf32>, vector<16xi32> -> vector<16xf32>
        %add3A_446 = arith.constant 512 : i32
        %add3A_447 = arith.addi %add3A_406, %add3A_446 : i32
        %swap3A_448 = arith.constant 0 : i32
        %swap3A_449 = arith.index_cast %swap3A_448 : i32 to index
        %swap3A_450 = arith.index_cast %add3A_447 : i32 to index
        %swap3A_451 = tpu.vector_load %arg9[%swap3A_449, %swap3A_450] {strides = array<i32>} : memref<2x16384xf32, #tpu.memory_space<vmem>>, vector<16xf32>,
        tpu.vector_store %arg9[%swap3A_449, %swap3A_450], %gather3A_445 {strides = array<i32>} : memref<2x16384xf32, #tpu.memory_space<vmem>>, vector<16xf32>,
        %reshape3A_452 = vector.shape_cast %get3A_402 : vector<16xi32> to vector<16x1xi32>
        %gather3A_453 = vector.shape_cast %reshape3A_452 : vector<16x1xi32> to vector<16xi32>
        %gather3A_454 = tpu.dynamic_gather %get3A_23[%gather3A_453] in [0] : vector<16xf32>, vector<16xi32> -> vector<16xf32>
        %add3A_455 = arith.constant 640 : i32
        %add3A_456 = arith.addi %add3A_406, %add3A_455 : i32
        %swap3A_457 = arith.constant 0 : i32
        %swap3A_458 = arith.index_cast %swap3A_457 : i32 to index
        %swap3A_459 = arith.index_cast %add3A_456 : i32 to index
        %swap3A_460 = tpu.vector_load %arg9[%swap3A_458, %swap3A_459] {strides = array<i32>} : memref<2x16384xf32, #tpu.memory_space<vmem>>, vector<16xf32>,
        tpu.vector_store %arg9[%swap3A_458, %swap3A_459], %gather3A_454 {strides = array<i32>} : memref<2x16384xf32, #tpu.memory_space<vmem>>, vector<16xf32>,
        %reshape3A_461 = vector.shape_cast %get3A_402 : vector<16xi32> to vector<16x1xi32>
        %gather3A_462 = vector.shape_cast %reshape3A_461 : vector<16x1xi32> to vector<16xi32>
        %gather3A_463 = tpu.dynamic_gather %get3A_27[%gather3A_462] in [0] : vector<16xf32>, vector<16xi32> -> vector<16xf32>
        %add3A_464 = arith.constant 768 : i32
        %add3A_465 = arith.addi %add3A_406, %add3A_464 : i32
        %swap3A_466 = arith.constant 0 : i32
        %swap3A_467 = arith.index_cast %swap3A_466 : i32 to index
        %swap3A_468 = arith.index_cast %add3A_465 : i32 to index
        %swap3A_469 = tpu.vector_load %arg9[%swap3A_467, %swap3A_468] {strides = array<i32>} : memref<2x16384xf32, #tpu.memory_space<vmem>>, vector<16xf32>,
        tpu.vector_store %arg9[%swap3A_467, %swap3A_468], %gather3A_463 {strides = array<i32>} : memref<2x16384xf32, #tpu.memory_space<vmem>>, vector<16xf32>,
        %reshape3A_470 = vector.shape_cast %get3A_402 : vector<16xi32> to vector<16x1xi32>
        %gather3A_471 = vector.shape_cast %reshape3A_470 : vector<16x1xi32> to vector<16xi32>
        %gather3A_472 = tpu.dynamic_gather %get3A_31[%gather3A_471] in [0] : vector<16xf32>, vector<16xi32> -> vector<16xf32>
        %add3A_473 = arith.constant 896 : i32
        %add3A_474 = arith.addi %add3A_406, %add3A_473 : i32
        %swap3A_475 = arith.constant 0 : i32
        %swap3A_476 = arith.index_cast %swap3A_475 : i32 to index
        %swap3A_477 = arith.index_cast %add3A_474 : i32 to index
        %swap3A_478 = tpu.vector_load %arg9[%swap3A_476, %swap3A_477] {strides = array<i32>} : memref<2x16384xf32, #tpu.memory_space<vmem>>, vector<16xf32>,
        tpu.vector_store %arg9[%swap3A_476, %swap3A_477], %gather3A_472 {strides = array<i32>} : memref<2x16384xf32, #tpu.memory_space<vmem>>, vector<16xf32>,
        %reshape3A_479 = vector.shape_cast %get3A_402 : vector<16xi32> to vector<16x1xi32>
        %gather3A_480 = vector.shape_cast %reshape3A_479 : vector<16x1xi32> to vector<16xi32>
        %gather3A_481 = tpu.dynamic_gather %get3A_35[%gather3A_480] in [0] : vector<16xf32>, vector<16xi32> -> vector<16xf32>
        %add3A_482 = arith.constant 0 : i32
        %add3A_483 = arith.addi %add3A_406, %add3A_482 : i32
        %swap3A_484 = arith.constant 1 : i32
        %swap3A_485 = arith.index_cast %swap3A_484 : i32 to index
        %swap3A_486 = arith.index_cast %add3A_483 : i32 to index
        %swap3A_487 = tpu.vector_load %arg9[%swap3A_485, %swap3A_486] {strides = array<i32>} : memref<2x16384xf32, #tpu.memory_space<vmem>>, vector<16xf32>,
        tpu.vector_store %arg9[%swap3A_485, %swap3A_486], %gather3A_481 {strides = array<i32>} : memref<2x16384xf32, #tpu.memory_space<vmem>>, vector<16xf32>,
        %reshape3A_488 = vector.shape_cast %get3A_402 : vector<16xi32> to vector<16x1xi32>
        %gather3A_489 = vector.shape_cast %reshape3A_488 : vector<16x1xi32> to vector<16xi32>
        %gather3A_490 = tpu.dynamic_gather %get3A_39[%gather3A_489] in [0] : vector<16xf32>, vector<16xi32> -> vector<16xf32>
        %add3A_491 = arith.constant 128 : i32
        %add3A_492 = arith.addi %add3A_406, %add3A_491 : i32
        %swap3A_493 = arith.constant 1 : i32
        %swap3A_494 = arith.index_cast %swap3A_493 : i32 to index
        %swap3A_495 = arith.index_cast %add3A_492 : i32 to index
        %swap3A_496 = tpu.vector_load %arg9[%swap3A_494, %swap3A_495] {strides = array<i32>} : memref<2x16384xf32, #tpu.memory_space<vmem>>, vector<16xf32>,
        tpu.vector_store %arg9[%swap3A_494, %swap3A_495], %gather3A_490 {strides = array<i32>} : memref<2x16384xf32, #tpu.memory_space<vmem>>, vector<16xf32>,
        %reshape3A_497 = vector.shape_cast %get3A_402 : vector<16xi32> to vector<16x1xi32>
        %gather3A_498 = vector.shape_cast %reshape3A_497 : vector<16x1xi32> to vector<16xi32>
        %gather3A_499 = tpu.dynamic_gather %get3A_43[%gather3A_498] in [0] : vector<16xf32>, vector<16xi32> -> vector<16xf32>
        %add3A_500 = arith.constant 256 : i32
        %add3A_501 = arith.addi %add3A_406, %add3A_500 : i32
        %swap3A_502 = arith.constant 1 : i32
        %swap3A_503 = arith.index_cast %swap3A_502 : i32 to index
        %swap3A_504 = arith.index_cast %add3A_501 : i32 to index
        %swap3A_505 = tpu.vector_load %arg9[%swap3A_503, %swap3A_504] {strides = array<i32>} : memref<2x16384xf32, #tpu.memory_space<vmem>>, vector<16xf32>,
        tpu.vector_store %arg9[%swap3A_503, %swap3A_504], %gather3A_499 {strides = array<i32>} : memref<2x16384xf32, #tpu.memory_space<vmem>>, vector<16xf32>,
        %reshape3A_506 = vector.shape_cast %get3A_402 : vector<16xi32> to vector<16x1xi32>
        %gather3A_507 = vector.shape_cast %reshape3A_506 : vector<16x1xi32> to vector<16xi32>
        %gather3A_508 = tpu.dynamic_gather %get3A_47[%gather3A_507] in [0] : vector<16xf32>, vector<16xi32> -> vector<16xf32>
        %add3A_509 = arith.constant 384 : i32
        %add3A_510 = arith.addi %add3A_406, %add3A_509 : i32
        %swap3A_511 = arith.constant 1 : i32
        %swap3A_512 = arith.index_cast %swap3A_511 : i32 to index
        %swap3A_513 = arith.index_cast %add3A_510 : i32 to index
        %swap3A_514 = tpu.vector_load %arg9[%swap3A_512, %swap3A_513] {strides = array<i32>} : memref<2x16384xf32, #tpu.memory_space<vmem>>, vector<16xf32>,
        tpu.vector_store %arg9[%swap3A_512, %swap3A_513], %gather3A_508 {strides = array<i32>} : memref<2x16384xf32, #tpu.memory_space<vmem>>, vector<16xf32>,
        %reshape3A_515 = vector.shape_cast %get3A_402 : vector<16xi32> to vector<16x1xi32>
        %gather3A_516 = vector.shape_cast %reshape3A_515 : vector<16x1xi32> to vector<16xi32>
        %gather3A_517 = tpu.dynamic_gather %get3A_51[%gather3A_516] in [0] : vector<16xf32>, vector<16xi32> -> vector<16xf32>
        %add3A_518 = arith.constant 512 : i32
        %add3A_519 = arith.addi %add3A_406, %add3A_518 : i32
        %swap3A_520 = arith.constant 1 : i32
        %swap3A_521 = arith.index_cast %swap3A_520 : i32 to index
        %swap3A_522 = arith.index_cast %add3A_519 : i32 to index
        %swap3A_523 = tpu.vector_load %arg9[%swap3A_521, %swap3A_522] {strides = array<i32>} : memref<2x16384xf32, #tpu.memory_space<vmem>>, vector<16xf32>,
        tpu.vector_store %arg9[%swap3A_521, %swap3A_522], %gather3A_517 {strides = array<i32>} : memref<2x16384xf32, #tpu.memory_space<vmem>>, vector<16xf32>,
        %reshape3A_524 = vector.shape_cast %get3A_402 : vector<16xi32> to vector<16x1xi32>
        %gather3A_525 = vector.shape_cast %reshape3A_524 : vector<16x1xi32> to vector<16xi32>
        %gather3A_526 = tpu.dynamic_gather %get3A_55[%gather3A_525] in [0] : vector<16xf32>, vector<16xi32> -> vector<16xf32>
        %add3A_527 = arith.constant 640 : i32
        %add3A_528 = arith.addi %add3A_406, %add3A_527 : i32
        %swap3A_529 = arith.constant 1 : i32
        %swap3A_530 = arith.index_cast %swap3A_529 : i32 to index
        %swap3A_531 = arith.index_cast %add3A_528 : i32 to index
        %swap3A_532 = tpu.vector_load %arg9[%swap3A_530, %swap3A_531] {strides = array<i32>} : memref<2x16384xf32, #tpu.memory_space<vmem>>, vector<16xf32>,
        tpu.vector_store %arg9[%swap3A_530, %swap3A_531], %gather3A_526 {strides = array<i32>} : memref<2x16384xf32, #tpu.memory_space<vmem>>, vector<16xf32>,
        %reshape3A_533 = vector.shape_cast %get3A_402 : vector<16xi32> to vector<16x1xi32>
        %gather3A_534 = vector.shape_cast %reshape3A_533 : vector<16x1xi32> to vector<16xi32>
        %gather3A_535 = tpu.dynamic_gather %get3A_59[%gather3A_534] in [0] : vector<16xf32>, vector<16xi32> -> vector<16xf32>
        %add3A_536 = arith.constant 768 : i32
        %add3A_537 = arith.addi %add3A_406, %add3A_536 : i32
        %swap3A_538 = arith.constant 1 : i32
        %swap3A_539 = arith.index_cast %swap3A_538 : i32 to index
        %swap3A_540 = arith.index_cast %add3A_537 : i32 to index
        %swap3A_541 = tpu.vector_load %arg9[%swap3A_539, %swap3A_540] {strides = array<i32>} : memref<2x16384xf32, #tpu.memory_space<vmem>>, vector<16xf32>,
        tpu.vector_store %arg9[%swap3A_539, %swap3A_540], %gather3A_535 {strides = array<i32>} : memref<2x16384xf32, #tpu.memory_space<vmem>>, vector<16xf32>,
        %reshape3A_542 = vector.shape_cast %get3A_402 : vector<16xi32> to vector<16x1xi32>
        %gather3A_543 = vector.shape_cast %reshape3A_542 : vector<16x1xi32> to vector<16xi32>
        %gather3A_544 = tpu.dynamic_gather %get3A_63[%gather3A_543] in [0] : vector<16xf32>, vector<16xi32> -> vector<16xf32>
        %add3A_545 = arith.constant 896 : i32
        %add3A_546 = arith.addi %add3A_406, %add3A_545 : i32
        %swap3A_547 = arith.constant 1 : i32
        %swap3A_548 = arith.index_cast %swap3A_547 : i32 to index
        %swap3A_549 = arith.index_cast %add3A_546 : i32 to index
        %swap3A_550 = tpu.vector_load %arg9[%swap3A_548, %swap3A_549] {strides = array<i32>} : memref<2x16384xf32, #tpu.memory_space<vmem>>, vector<16xf32>,
        tpu.vector_store %arg9[%swap3A_548, %swap3A_549], %gather3A_544 {strides = array<i32>} : memref<2x16384xf32, #tpu.memory_space<vmem>>, vector<16xf32>,
        %mul3A_551 = arith.constant 128 : i32
        %mul3A_552 = arith.muli %scan3A_245, %mul3A_551 : i32
        %add3A_553 = arith.constant 32 : i32
        %add3A_554 = arith.addi %mul3A_552, %add3A_553 : i32
        %get3A_555 = arith.index_cast %add3A_554 : i32 to index
        %get3A_556 = tpu.vector_load %arg7[%get3A_555] {strides = array<i32>} : memref<2048xi32, #tpu.memory_space<vmem>>, vector<16xi32>,
        %mul3A_557 = arith.constant 1024 : i32
        %mul3A_558 = arith.muli %scan3A_245, %mul3A_557 : i32
        %add3A_559 = arith.constant 32 : i32
        %add3A_560 = arith.addi %mul3A_558, %add3A_559 : i32
        %reshape3A_561 = vector.shape_cast %get3A_556 : vector<16xi32> to vector<16x1xi32>
        %gather3A_562 = vector.shape_cast %reshape3A_561 : vector<16x1xi32> to vector<16xi32>
        %gather3A_563 = tpu.dynamic_gather %get3A_3[%gather3A_562] in [0] : vector<16xf32>, vector<16xi32> -> vector<16xf32>
        %add3A_564 = arith.constant 0 : i32
        %add3A_565 = arith.addi %add3A_560, %add3A_564 : i32
        %swap3A_566 = arith.constant 0 : i32
        %swap3A_567 = arith.index_cast %swap3A_566 : i32 to index
        %swap3A_568 = arith.index_cast %add3A_565 : i32 to index
        %swap3A_569 = tpu.vector_load %arg9[%swap3A_567, %swap3A_568] {strides = array<i32>} : memref<2x16384xf32, #tpu.memory_space<vmem>>, vector<16xf32>,
        tpu.vector_store %arg9[%swap3A_567, %swap3A_568], %gather3A_563 {strides = array<i32>} : memref<2x16384xf32, #tpu.memory_space<vmem>>, vector<16xf32>,
        %reshape3A_570 = vector.shape_cast %get3A_556 : vector<16xi32> to vector<16x1xi32>
        %gather3A_571 = vector.shape_cast %reshape3A_570 : vector<16x1xi32> to vector<16xi32>
        %gather3A_572 = tpu.dynamic_gather %get3A_7[%gather3A_571] in [0] : vector<16xf32>, vector<16xi32> -> vector<16xf32>
        %add3A_573 = arith.constant 128 : i32
        %add3A_574 = arith.addi %add3A_560, %add3A_573 : i32
        %swap3A_575 = arith.constant 0 : i32
        %swap3A_576 = arith.index_cast %swap3A_575 : i32 to index
        %swap3A_577 = arith.index_cast %add3A_574 : i32 to index
        %swap3A_578 = tpu.vector_load %arg9[%swap3A_576, %swap3A_577] {strides = array<i32>} : memref<2x16384xf32, #tpu.memory_space<vmem>>, vector<16xf32>,
        tpu.vector_store %arg9[%swap3A_576, %swap3A_577], %gather3A_572 {strides = array<i32>} : memref<2x16384xf32, #tpu.memory_space<vmem>>, vector<16xf32>,
        %reshape3A_579 = vector.shape_cast %get3A_556 : vector<16xi32> to vector<16x1xi32>
        %gather3A_580 = vector.shape_cast %reshape3A_579 : vector<16x1xi32> to vector<16xi32>
        %gather3A_581 = tpu.dynamic_gather %get3A_11[%gather3A_580] in [0] : vector<16xf32>, vector<16xi32> -> vector<16xf32>
        %add3A_582 = arith.constant 256 : i32
        %add3A_583 = arith.addi %add3A_560, %add3A_582 : i32
        %swap3A_584 = arith.constant 0 : i32
        %swap3A_585 = arith.index_cast %swap3A_584 : i32 to index
        %swap3A_586 = arith.index_cast %add3A_583 : i32 to index
        %swap3A_587 = tpu.vector_load %arg9[%swap3A_585, %swap3A_586] {strides = array<i32>} : memref<2x16384xf32, #tpu.memory_space<vmem>>, vector<16xf32>,
        tpu.vector_store %arg9[%swap3A_585, %swap3A_586], %gather3A_581 {strides = array<i32>} : memref<2x16384xf32, #tpu.memory_space<vmem>>, vector<16xf32>,
        %reshape3A_588 = vector.shape_cast %get3A_556 : vector<16xi32> to vector<16x1xi32>
        %gather3A_589 = vector.shape_cast %reshape3A_588 : vector<16x1xi32> to vector<16xi32>
        %gather3A_590 = tpu.dynamic_gather %get3A_15[%gather3A_589] in [0] : vector<16xf32>, vector<16xi32> -> vector<16xf32>
        %add3A_591 = arith.constant 384 : i32
        %add3A_592 = arith.addi %add3A_560, %add3A_591 : i32
        %swap3A_593 = arith.constant 0 : i32
        %swap3A_594 = arith.index_cast %swap3A_593 : i32 to index
        %swap3A_595 = arith.index_cast %add3A_592 : i32 to index
        %swap3A_596 = tpu.vector_load %arg9[%swap3A_594, %swap3A_595] {strides = array<i32>} : memref<2x16384xf32, #tpu.memory_space<vmem>>, vector<16xf32>,
        tpu.vector_store %arg9[%swap3A_594, %swap3A_595], %gather3A_590 {strides = array<i32>} : memref<2x16384xf32, #tpu.memory_space<vmem>>, vector<16xf32>,
        %reshape3A_597 = vector.shape_cast %get3A_556 : vector<16xi32> to vector<16x1xi32>
        %gather3A_598 = vector.shape_cast %reshape3A_597 : vector<16x1xi32> to vector<16xi32>
        %gather3A_599 = tpu.dynamic_gather %get3A_19[%gather3A_598] in [0] : vector<16xf32>, vector<16xi32> -> vector<16xf32>
        %add3A_600 = arith.constant 512 : i32
        %add3A_601 = arith.addi %add3A_560, %add3A_600 : i32
        %swap3A_602 = arith.constant 0 : i32
        %swap3A_603 = arith.index_cast %swap3A_602 : i32 to index
        %swap3A_604 = arith.index_cast %add3A_601 : i32 to index
        %swap3A_605 = tpu.vector_load %arg9[%swap3A_603, %swap3A_604] {strides = array<i32>} : memref<2x16384xf32, #tpu.memory_space<vmem>>, vector<16xf32>,
        tpu.vector_store %arg9[%swap3A_603, %swap3A_604], %gather3A_599 {strides = array<i32>} : memref<2x16384xf32, #tpu.memory_space<vmem>>, vector<16xf32>,
        %reshape3A_606 = vector.shape_cast %get3A_556 : vector<16xi32> to vector<16x1xi32>
        %gather3A_607 = vector.shape_cast %reshape3A_606 : vector<16x1xi32> to vector<16xi32>
        %gather3A_608 = tpu.dynamic_gather %get3A_23[%gather3A_607] in [0] : vector<16xf32>, vector<16xi32> -> vector<16xf32>
        %add3A_609 = arith.constant 640 : i32
        %add3A_610 = arith.addi %add3A_560, %add3A_609 : i32
        %swap3A_611 = arith.constant 0 : i32
        %swap3A_612 = arith.index_cast %swap3A_611 : i32 to index
        %swap3A_613 = arith.index_cast %add3A_610 : i32 to index
        %swap3A_614 = tpu.vector_load %arg9[%swap3A_612, %swap3A_613] {strides = array<i32>} : memref<2x16384xf32, #tpu.memory_space<vmem>>, vector<16xf32>,
        tpu.vector_store %arg9[%swap3A_612, %swap3A_613], %gather3A_608 {strides = array<i32>} : memref<2x16384xf32, #tpu.memory_space<vmem>>, vector<16xf32>,
        %reshape3A_615 = vector.shape_cast %get3A_556 : vector<16xi32> to vector<16x1xi32>
        %gather3A_616 = vector.shape_cast %reshape3A_615 : vector<16x1xi32> to vector<16xi32>
        %gather3A_617 = tpu.dynamic_gather %get3A_27[%gather3A_616] in [0] : vector<16xf32>, vector<16xi32> -> vector<16xf32>
        %add3A_618 = arith.constant 768 : i32
        %add3A_619 = arith.addi %add3A_560, %add3A_618 : i32
        %swap3A_620 = arith.constant 0 : i32
        %swap3A_621 = arith.index_cast %swap3A_620 : i32 to index
        %swap3A_622 = arith.index_cast %add3A_619 : i32 to index
        %swap3A_623 = tpu.vector_load %arg9[%swap3A_621, %swap3A_622] {strides = array<i32>} : memref<2x16384xf32, #tpu.memory_space<vmem>>, vector<16xf32>,
        tpu.vector_store %arg9[%swap3A_621, %swap3A_622], %gather3A_617 {strides = array<i32>} : memref<2x16384xf32, #tpu.memory_space<vmem>>, vector<16xf32>,
        %reshape3A_624 = vector.shape_cast %get3A_556 : vector<16xi32> to vector<16x1xi32>
        %gather3A_625 = vector.shape_cast %reshape3A_624 : vector<16x1xi32> to vector<16xi32>
        %gather3A_626 = tpu.dynamic_gather %get3A_31[%gather3A_625] in [0] : vector<16xf32>, vector<16xi32> -> vector<16xf32>
        %add3A_627 = arith.constant 896 : i32
        %add3A_628 = arith.addi %add3A_560, %add3A_627 : i32
        %swap3A_629 = arith.constant 0 : i32
        %swap3A_630 = arith.index_cast %swap3A_629 : i32 to index
        %swap3A_631 = arith.index_cast %add3A_628 : i32 to index
        %swap3A_632 = tpu.vector_load %arg9[%swap3A_630, %swap3A_631] {strides = array<i32>} : memref<2x16384xf32, #tpu.memory_space<vmem>>, vector<16xf32>,
        tpu.vector_store %arg9[%swap3A_630, %swap3A_631], %gather3A_626 {strides = array<i32>} : memref<2x16384xf32, #tpu.memory_space<vmem>>, vector<16xf32>,
        %reshape3A_633 = vector.shape_cast %get3A_556 : vector<16xi32> to vector<16x1xi32>
        %gather3A_634 = vector.shape_cast %reshape3A_633 : vector<16x1xi32> to vector<16xi32>
        %gather3A_635 = tpu.dynamic_gather %get3A_35[%gather3A_634] in [0] : vector<16xf32>, vector<16xi32> -> vector<16xf32>
        %add3A_636 = arith.constant 0 : i32
        %add3A_637 = arith.addi %add3A_560, %add3A_636 : i32
        %swap3A_638 = arith.constant 1 : i32
        %swap3A_639 = arith.index_cast %swap3A_638 : i32 to index
        %swap3A_640 = arith.index_cast %add3A_637 : i32 to index
        %swap3A_641 = tpu.vector_load %arg9[%swap3A_639, %swap3A_640] {strides = array<i32>} : memref<2x16384xf32, #tpu.memory_space<vmem>>, vector<16xf32>,
        tpu.vector_store %arg9[%swap3A_639, %swap3A_640], %gather3A_635 {strides = array<i32>} : memref<2x16384xf32, #tpu.memory_space<vmem>>, vector<16xf32>,
        %reshape3A_642 = vector.shape_cast %get3A_556 : vector<16xi32> to vector<16x1xi32>
        %gather3A_643 = vector.shape_cast %reshape3A_642 : vector<16x1xi32> to vector<16xi32>
        %gather3A_644 = tpu.dynamic_gather %get3A_39[%gather3A_643] in [0] : vector<16xf32>, vector<16xi32> -> vector<16xf32>
        %add3A_645 = arith.constant 128 : i32
        %add3A_646 = arith.addi %add3A_560, %add3A_645 : i32
        %swap3A_647 = arith.constant 1 : i32
        %swap3A_648 = arith.index_cast %swap3A_647 : i32 to index
        %swap3A_649 = arith.index_cast %add3A_646 : i32 to index
        %swap3A_650 = tpu.vector_load %arg9[%swap3A_648, %swap3A_649] {strides = array<i32>} : memref<2x16384xf32, #tpu.memory_space<vmem>>, vector<16xf32>,
        tpu.vector_store %arg9[%swap3A_648, %swap3A_649], %gather3A_644 {strides = array<i32>} : memref<2x16384xf32, #tpu.memory_space<vmem>>, vector<16xf32>,
        %reshape3A_651 = vector.shape_cast %get3A_556 : vector<16xi32> to vector<16x1xi32>
        %gather3A_652 = vector.shape_cast %reshape3A_651 : vector<16x1xi32> to vector<16xi32>
        %gather3A_653 = tpu.dynamic_gather %get3A_43[%gather3A_652] in [0] : vector<16xf32>, vector<16xi32> -> vector<16xf32>
        %add3A_654 = arith.constant 256 : i32
        %add3A_655 = arith.addi %add3A_560, %add3A_654 : i32
        %swap3A_656 = arith.constant 1 : i32
        %swap3A_657 = arith.index_cast %swap3A_656 : i32 to index
        %swap3A_658 = arith.index_cast %add3A_655 : i32 to index
        %swap3A_659 = tpu.vector_load %arg9[%swap3A_657, %swap3A_658] {strides = array<i32>} : memref<2x16384xf32, #tpu.memory_space<vmem>>, vector<16xf32>,
        tpu.vector_store %arg9[%swap3A_657, %swap3A_658], %gather3A_653 {strides = array<i32>} : memref<2x16384xf32, #tpu.memory_space<vmem>>, vector<16xf32>,
        %reshape3A_660 = vector.shape_cast %get3A_556 : vector<16xi32> to vector<16x1xi32>
        %gather3A_661 = vector.shape_cast %reshape3A_660 : vector<16x1xi32> to vector<16xi32>
        %gather3A_662 = tpu.dynamic_gather %get3A_47[%gather3A_661] in [0] : vector<16xf32>, vector<16xi32> -> vector<16xf32>
        %add3A_663 = arith.constant 384 : i32
        %add3A_664 = arith.addi %add3A_560, %add3A_663 : i32
        %swap3A_665 = arith.constant 1 : i32
        %swap3A_666 = arith.index_cast %swap3A_665 : i32 to index
        %swap3A_667 = arith.index_cast %add3A_664 : i32 to index
        %swap3A_668 = tpu.vector_load %arg9[%swap3A_666, %swap3A_667] {strides = array<i32>} : memref<2x16384xf32, #tpu.memory_space<vmem>>, vector<16xf32>,
        tpu.vector_store %arg9[%swap3A_666, %swap3A_667], %gather3A_662 {strides = array<i32>} : memref<2x16384xf32, #tpu.memory_space<vmem>>, vector<16xf32>,
        %reshape3A_669 = vector.shape_cast %get3A_556 : vector<16xi32> to vector<16x1xi32>
        %gather3A_670 = vector.shape_cast %reshape3A_669 : vector<16x1xi32> to vector<16xi32>
        %gather3A_671 = tpu.dynamic_gather %get3A_51[%gather3A_670] in [0] : vector<16xf32>, vector<16xi32> -> vector<16xf32>
        %add3A_672 = arith.constant 512 : i32
        %add3A_673 = arith.addi %add3A_560, %add3A_672 : i32
        %swap3A_674 = arith.constant 1 : i32
        %swap3A_675 = arith.index_cast %swap3A_674 : i32 to index
        %swap3A_676 = arith.index_cast %add3A_673 : i32 to index
        %swap3A_677 = tpu.vector_load %arg9[%swap3A_675, %swap3A_676] {strides = array<i32>} : memref<2x16384xf32, #tpu.memory_space<vmem>>, vector<16xf32>,
        tpu.vector_store %arg9[%swap3A_675, %swap3A_676], %gather3A_671 {strides = array<i32>} : memref<2x16384xf32, #tpu.memory_space<vmem>>, vector<16xf32>,
        %reshape3A_678 = vector.shape_cast %get3A_556 : vector<16xi32> to vector<16x1xi32>
        %gather3A_679 = vector.shape_cast %reshape3A_678 : vector<16x1xi32> to vector<16xi32>
        %gather3A_680 = tpu.dynamic_gather %get3A_55[%gather3A_679] in [0] : vector<16xf32>, vector<16xi32> -> vector<16xf32>
        %add3A_681 = arith.constant 640 : i32
        %add3A_682 = arith.addi %add3A_560, %add3A_681 : i32
        %swap3A_683 = arith.constant 1 : i32
        %swap3A_684 = arith.index_cast %swap3A_683 : i32 to index
        %swap3A_685 = arith.index_cast %add3A_682 : i32 to index
        %swap3A_686 = tpu.vector_load %arg9[%swap3A_684, %swap3A_685] {strides = array<i32>} : memref<2x16384xf32, #tpu.memory_space<vmem>>, vector<16xf32>,
        tpu.vector_store %arg9[%swap3A_684, %swap3A_685], %gather3A_680 {strides = array<i32>} : memref<2x16384xf32, #tpu.memory_space<vmem>>, vector<16xf32>,
        %reshape3A_687 = vector.shape_cast %get3A_556 : vector<16xi32> to vector<16x1xi32>
        %gather3A_688 = vector.shape_cast %reshape3A_687 : vector<16x1xi32> to vector<16xi32>
        %gather3A_689 = tpu.dynamic_gather %get3A_59[%gather3A_688] in [0] : vector<16xf32>, vector<16xi32> -> vector<16xf32>
        %add3A_690 = arith.constant 768 : i32
        %add3A_691 = arith.addi %add3A_560, %add3A_690 : i32
        %swap3A_692 = arith.constant 1 : i32
        %swap3A_693 = arith.index_cast %swap3A_692 : i32 to index
        %swap3A_694 = arith.index_cast %add3A_691 : i32 to index
        %swap3A_695 = tpu.vector_load %arg9[%swap3A_693, %swap3A_694] {strides = array<i32>} : memref<2x16384xf32, #tpu.memory_space<vmem>>, vector<16xf32>,
        tpu.vector_store %arg9[%swap3A_693, %swap3A_694], %gather3A_689 {strides = array<i32>} : memref<2x16384xf32, #tpu.memory_space<vmem>>, vector<16xf32>,
        %reshape3A_696 = vector.shape_cast %get3A_556 : vector<16xi32> to vector<16x1xi32>
        %gather3A_697 = vector.shape_cast %reshape3A_696 : vector<16x1xi32> to vector<16xi32>
        %gather3A_698 = tpu.dynamic_gather %get3A_63[%gather3A_697] in [0] : vector<16xf32>, vector<16xi32> -> vector<16xf32>
        %add3A_699 = arith.constant 896 : i32
        %add3A_700 = arith.addi %add3A_560, %add3A_699 : i32
        %swap3A_701 = arith.constant 1 : i32
        %swap3A_702 = arith.index_cast %swap3A_701 : i32 to index
        %swap3A_703 = arith.index_cast %add3A_700 : i32 to index
        %swap3A_704 = tpu.vector_load %arg9[%swap3A_702, %swap3A_703] {strides = array<i32>} : memref<2x16384xf32, #tpu.memory_space<vmem>>, vector<16xf32>,
        tpu.vector_store %arg9[%swap3A_702, %swap3A_703], %gather3A_698 {strides = array<i32>} : memref<2x16384xf32, #tpu.memory_space<vmem>>, vector<16xf32>,
        %mul3A_705 = arith.constant 128 : i32
        %mul3A_706 = arith.muli %scan3A_245, %mul3A_705 : i32
        %add3A_707 = arith.constant 48 : i32
        %add3A_708 = arith.addi %mul3A_706, %add3A_707 : i32
        %get3A_709 = arith.index_cast %add3A_708 : i32 to index
        %get3A_710 = tpu.vector_load %arg7[%get3A_709] {strides = array<i32>} : memref<2048xi32, #tpu.memory_space<vmem>>, vector<16xi32>,
        %mul3A_711 = arith.constant 1024 : i32
        %mul3A_712 = arith.muli %scan3A_245, %mul3A_711 : i32
        %add3A_713 = arith.constant 48 : i32
        %add3A_714 = arith.addi %mul3A_712, %add3A_713 : i32
        %reshape3A_715 = vector.shape_cast %get3A_710 : vector<16xi32> to vector<16x1xi32>
        %gather3A_716 = vector.shape_cast %reshape3A_715 : vector<16x1xi32> to vector<16xi32>
        %gather3A_717 = tpu.dynamic_gather %get3A_3[%gather3A_716] in [0] : vector<16xf32>, vector<16xi32> -> vector<16xf32>
        %add3A_718 = arith.constant 0 : i32
        %add3A_719 = arith.addi %add3A_714, %add3A_718 : i32
        %swap3A_720 = arith.constant 0 : i32
        %swap3A_721 = arith.index_cast %swap3A_720 : i32 to index
        %swap3A_722 = arith.index_cast %add3A_719 : i32 to index
        %swap3A_723 = tpu.vector_load %arg9[%swap3A_721, %swap3A_722] {strides = array<i32>} : memref<2x16384xf32, #tpu.memory_space<vmem>>, vector<16xf32>,
        tpu.vector_store %arg9[%swap3A_721, %swap3A_722], %gather3A_717 {strides = array<i32>} : memref<2x16384xf32, #tpu.memory_space<vmem>>, vector<16xf32>,
        %reshape3A_724 = vector.shape_cast %get3A_710 : vector<16xi32> to vector<16x1xi32>
        %gather3A_725 = vector.shape_cast %reshape3A_724 : vector<16x1xi32> to vector<16xi32>
        %gather3A_726 = tpu.dynamic_gather %get3A_7[%gather3A_725] in [0] : vector<16xf32>, vector<16xi32> -> vector<16xf32>
        %add3A_727 = arith.constant 128 : i32
        %add3A_728 = arith.addi %add3A_714, %add3A_727 : i32
        %swap3A_729 = arith.constant 0 : i32
        %swap3A_730 = arith.index_cast %swap3A_729 : i32 to index
        %swap3A_731 = arith.index_cast %add3A_728 : i32 to index
        %swap3A_732 = tpu.vector_load %arg9[%swap3A_730, %swap3A_731] {strides = array<i32>} : memref<2x16384xf32, #tpu.memory_space<vmem>>, vector<16xf32>,
        tpu.vector_store %arg9[%swap3A_730, %swap3A_731], %gather3A_726 {strides = array<i32>} : memref<2x16384xf32, #tpu.memory_space<vmem>>, vector<16xf32>,
        %reshape3A_733 = vector.shape_cast %get3A_710 : vector<16xi32> to vector<16x1xi32>
        %gather3A_734 = vector.shape_cast %reshape3A_733 : vector<16x1xi32> to vector<16xi32>
        %gather3A_735 = tpu.dynamic_gather %get3A_11[%gather3A_734] in [0] : vector<16xf32>, vector<16xi32> -> vector<16xf32>
        %add3A_736 = arith.constant 256 : i32
        %add3A_737 = arith.addi %add3A_714, %add3A_736 : i32
        %swap3A_738 = arith.constant 0 : i32
        %swap3A_739 = arith.index_cast %swap3A_738 : i32 to index
        %swap3A_740 = arith.index_cast %add3A_737 : i32 to index
        %swap3A_741 = tpu.vector_load %arg9[%swap3A_739, %swap3A_740] {strides = array<i32>} : memref<2x16384xf32, #tpu.memory_space<vmem>>, vector<16xf32>,
        tpu.vector_store %arg9[%swap3A_739, %swap3A_740], %gather3A_735 {strides = array<i32>} : memref<2x16384xf32, #tpu.memory_space<vmem>>, vector<16xf32>,
        %reshape3A_742 = vector.shape_cast %get3A_710 : vector<16xi32> to vector<16x1xi32>
        %gather3A_743 = vector.shape_cast %reshape3A_742 : vector<16x1xi32> to vector<16xi32>
        %gather3A_744 = tpu.dynamic_gather %get3A_15[%gather3A_743] in [0] : vector<16xf32>, vector<16xi32> -> vector<16xf32>
        %add3A_745 = arith.constant 384 : i32
        %add3A_746 = arith.addi %add3A_714, %add3A_745 : i32
        %swap3A_747 = arith.constant 0 : i32
        %swap3A_748 = arith.index_cast %swap3A_747 : i32 to index
        %swap3A_749 = arith.index_cast %add3A_746 : i32 to index
        %swap3A_750 = tpu.vector_load %arg9[%swap3A_748, %swap3A_749] {strides = array<i32>} : memref<2x16384xf32, #tpu.memory_space<vmem>>, vector<16xf32>,
        tpu.vector_store %arg9[%swap3A_748, %swap3A_749], %gather3A_744 {strides = array<i32>} : memref<2x16384xf32, #tpu.memory_space<vmem>>, vector<16xf32>,
        %reshape3A_751 = vector.shape_cast %get3A_710 : vector<16xi32> to vector<16x1xi32>
        %gather3A_752 = vector.shape_cast %reshape3A_751 : vector<16x1xi32> to vector<16xi32>
        %gather3A_753 = tpu.dynamic_gather %get3A_19[%gather3A_752] in [0] : vector<16xf32>, vector<16xi32> -> vector<16xf32>
        %add3A_754 = arith.constant 512 : i32
        %add3A_755 = arith.addi %add3A_714, %add3A_754 : i32
        %swap3A_756 = arith.constant 0 : i32
        %swap3A_757 = arith.index_cast %swap3A_756 : i32 to index
        %swap3A_758 = arith.index_cast %add3A_755 : i32 to index
        %swap3A_759 = tpu.vector_load %arg9[%swap3A_757, %swap3A_758] {strides = array<i32>} : memref<2x16384xf32, #tpu.memory_space<vmem>>, vector<16xf32>,
        tpu.vector_store %arg9[%swap3A_757, %swap3A_758], %gather3A_753 {strides = array<i32>} : memref<2x16384xf32, #tpu.memory_space<vmem>>, vector<16xf32>,
        %reshape3A_760 = vector.shape_cast %get3A_710 : vector<16xi32> to vector<16x1xi32>
        %gather3A_761 = vector.shape_cast %reshape3A_760 : vector<16x1xi32> to vector<16xi32>
        %gather3A_762 = tpu.dynamic_gather %get3A_23[%gather3A_761] in [0] : vector<16xf32>, vector<16xi32> -> vector<16xf32>
        %add3A_763 = arith.constant 640 : i32
        %add3A_764 = arith.addi %add3A_714, %add3A_763 : i32
        %swap3A_765 = arith.constant 0 : i32
        %swap3A_766 = arith.index_cast %swap3A_765 : i32 to index
        %swap3A_767 = arith.index_cast %add3A_764 : i32 to index
        %swap3A_768 = tpu.vector_load %arg9[%swap3A_766, %swap3A_767] {strides = array<i32>} : memref<2x16384xf32, #tpu.memory_space<vmem>>, vector<16xf32>,
        tpu.vector_store %arg9[%swap3A_766, %swap3A_767], %gather3A_762 {strides = array<i32>} : memref<2x16384xf32, #tpu.memory_space<vmem>>, vector<16xf32>,
        %reshape3A_769 = vector.shape_cast %get3A_710 : vector<16xi32> to vector<16x1xi32>
        %gather3A_770 = vector.shape_cast %reshape3A_769 : vector<16x1xi32> to vector<16xi32>
        %gather3A_771 = tpu.dynamic_gather %get3A_27[%gather3A_770] in [0] : vector<16xf32>, vector<16xi32> -> vector<16xf32>
        %add3A_772 = arith.constant 768 : i32
        %add3A_773 = arith.addi %add3A_714, %add3A_772 : i32
        %swap3A_774 = arith.constant 0 : i32
        %swap3A_775 = arith.index_cast %swap3A_774 : i32 to index
        %swap3A_776 = arith.index_cast %add3A_773 : i32 to index
        %swap3A_777 = tpu.vector_load %arg9[%swap3A_775, %swap3A_776] {strides = array<i32>} : memref<2x16384xf32, #tpu.memory_space<vmem>>, vector<16xf32>,
        tpu.vector_store %arg9[%swap3A_775, %swap3A_776], %gather3A_771 {strides = array<i32>} : memref<2x16384xf32, #tpu.memory_space<vmem>>, vector<16xf32>,
        %reshape3A_778 = vector.shape_cast %get3A_710 : vector<16xi32> to vector<16x1xi32>
        %gather3A_779 = vector.shape_cast %reshape3A_778 : vector<16x1xi32> to vector<16xi32>
        %gather3A_780 = tpu.dynamic_gather %get3A_31[%gather3A_779] in [0] : vector<16xf32>, vector<16xi32> -> vector<16xf32>
        %add3A_781 = arith.constant 896 : i32
        %add3A_782 = arith.addi %add3A_714, %add3A_781 : i32
        %swap3A_783 = arith.constant 0 : i32
        %swap3A_784 = arith.index_cast %swap3A_783 : i32 to index
        %swap3A_785 = arith.index_cast %add3A_782 : i32 to index
        %swap3A_786 = tpu.vector_load %arg9[%swap3A_784, %swap3A_785] {strides = array<i32>} : memref<2x16384xf32, #tpu.memory_space<vmem>>, vector<16xf32>,
        tpu.vector_store %arg9[%swap3A_784, %swap3A_785], %gather3A_780 {strides = array<i32>} : memref<2x16384xf32, #tpu.memory_space<vmem>>, vector<16xf32>,
        %reshape3A_787 = vector.shape_cast %get3A_710 : vector<16xi32> to vector<16x1xi32>
        %gather3A_788 = vector.shape_cast %reshape3A_787 : vector<16x1xi32> to vector<16xi32>
        %gather3A_789 = tpu.dynamic_gather %get3A_35[%gather3A_788] in [0] : vector<16xf32>, vector<16xi32> -> vector<16xf32>
        %add3A_790 = arith.constant 0 : i32
        %add3A_791 = arith.addi %add3A_714, %add3A_790 : i32
        %swap3A_792 = arith.constant 1 : i32
        %swap3A_793 = arith.index_cast %swap3A_792 : i32 to index
        %swap3A_794 = arith.index_cast %add3A_791 : i32 to index
        %swap3A_795 = tpu.vector_load %arg9[%swap3A_793, %swap3A_794] {strides = array<i32>} : memref<2x16384xf32, #tpu.memory_space<vmem>>, vector<16xf32>,
        tpu.vector_store %arg9[%swap3A_793, %swap3A_794], %gather3A_789 {strides = array<i32>} : memref<2x16384xf32, #tpu.memory_space<vmem>>, vector<16xf32>,
        %reshape3A_796 = vector.shape_cast %get3A_710 : vector<16xi32> to vector<16x1xi32>
        %gather3A_797 = vector.shape_cast %reshape3A_796 : vector<16x1xi32> to vector<16xi32>
        %gather3A_798 = tpu.dynamic_gather %get3A_39[%gather3A_797] in [0] : vector<16xf32>, vector<16xi32> -> vector<16xf32>
        %add3A_799 = arith.constant 128 : i32
        %add3A_800 = arith.addi %add3A_714, %add3A_799 : i32
        %swap3A_801 = arith.constant 1 : i32
        %swap3A_802 = arith.index_cast %swap3A_801 : i32 to index
        %swap3A_803 = arith.index_cast %add3A_800 : i32 to index
        %swap3A_804 = tpu.vector_load %arg9[%swap3A_802, %swap3A_803] {strides = array<i32>} : memref<2x16384xf32, #tpu.memory_space<vmem>>, vector<16xf32>,
        tpu.vector_store %arg9[%swap3A_802, %swap3A_803], %gather3A_798 {strides = array<i32>} : memref<2x16384xf32, #tpu.memory_space<vmem>>, vector<16xf32>,
        %reshape3A_805 = vector.shape_cast %get3A_710 : vector<16xi32> to vector<16x1xi32>
        %gather3A_806 = vector.shape_cast %reshape3A_805 : vector<16x1xi32> to vector<16xi32>
        %gather3A_807 = tpu.dynamic_gather %get3A_43[%gather3A_806] in [0] : vector<16xf32>, vector<16xi32> -> vector<16xf32>
        %add3A_808 = arith.constant 256 : i32
        %add3A_809 = arith.addi %add3A_714, %add3A_808 : i32
        %swap3A_810 = arith.constant 1 : i32
        %swap3A_811 = arith.index_cast %swap3A_810 : i32 to index
        %swap3A_812 = arith.index_cast %add3A_809 : i32 to index
        %swap3A_813 = tpu.vector_load %arg9[%swap3A_811, %swap3A_812] {strides = array<i32>} : memref<2x16384xf32, #tpu.memory_space<vmem>>, vector<16xf32>,
        tpu.vector_store %arg9[%swap3A_811, %swap3A_812], %gather3A_807 {strides = array<i32>} : memref<2x16384xf32, #tpu.memory_space<vmem>>, vector<16xf32>,
        %reshape3A_814 = vector.shape_cast %get3A_710 : vector<16xi32> to vector<16x1xi32>
        %gather3A_815 = vector.shape_cast %reshape3A_814 : vector<16x1xi32> to vector<16xi32>
        %gather3A_816 = tpu.dynamic_gather %get3A_47[%gather3A_815] in [0] : vector<16xf32>, vector<16xi32> -> vector<16xf32>
        %add3A_817 = arith.constant 384 : i32
        %add3A_818 = arith.addi %add3A_714, %add3A_817 : i32
        %swap3A_819 = arith.constant 1 : i32
        %swap3A_820 = arith.index_cast %swap3A_819 : i32 to index
        %swap3A_821 = arith.index_cast %add3A_818 : i32 to index
        %swap3A_822 = tpu.vector_load %arg9[%swap3A_820, %swap3A_821] {strides = array<i32>} : memref<2x16384xf32, #tpu.memory_space<vmem>>, vector<16xf32>,
        tpu.vector_store %arg9[%swap3A_820, %swap3A_821], %gather3A_816 {strides = array<i32>} : memref<2x16384xf32, #tpu.memory_space<vmem>>, vector<16xf32>,
        %reshape3A_823 = vector.shape_cast %get3A_710 : vector<16xi32> to vector<16x1xi32>
        %gather3A_824 = vector.shape_cast %reshape3A_823 : vector<16x1xi32> to vector<16xi32>
        %gather3A_825 = tpu.dynamic_gather %get3A_51[%gather3A_824] in [0] : vector<16xf32>, vector<16xi32> -> vector<16xf32>
        %add3A_826 = arith.constant 512 : i32
        %add3A_827 = arith.addi %add3A_714, %add3A_826 : i32
        %swap3A_828 = arith.constant 1 : i32
        %swap3A_829 = arith.index_cast %swap3A_828 : i32 to index
        %swap3A_830 = arith.index_cast %add3A_827 : i32 to index
        %swap3A_831 = tpu.vector_load %arg9[%swap3A_829, %swap3A_830] {strides = array<i32>} : memref<2x16384xf32, #tpu.memory_space<vmem>>, vector<16xf32>,
        tpu.vector_store %arg9[%swap3A_829, %swap3A_830], %gather3A_825 {strides = array<i32>} : memref<2x16384xf32, #tpu.memory_space<vmem>>, vector<16xf32>,
        %reshape3A_832 = vector.shape_cast %get3A_710 : vector<16xi32> to vector<16x1xi32>
        %gather3A_833 = vector.shape_cast %reshape3A_832 : vector<16x1xi32> to vector<16xi32>
        %gather3A_834 = tpu.dynamic_gather %get3A_55[%gather3A_833] in [0] : vector<16xf32>, vector<16xi32> -> vector<16xf32>
        %add3A_835 = arith.constant 640 : i32
        %add3A_836 = arith.addi %add3A_714, %add3A_835 : i32
        %swap3A_837 = arith.constant 1 : i32
        %swap3A_838 = arith.index_cast %swap3A_837 : i32 to index
        %swap3A_839 = arith.index_cast %add3A_836 : i32 to index
        %swap3A_840 = tpu.vector_load %arg9[%swap3A_838, %swap3A_839] {strides = array<i32>} : memref<2x16384xf32, #tpu.memory_space<vmem>>, vector<16xf32>,
        tpu.vector_store %arg9[%swap3A_838, %swap3A_839], %gather3A_834 {strides = array<i32>} : memref<2x16384xf32, #tpu.memory_space<vmem>>, vector<16xf32>,
        %reshape3A_841 = vector.shape_cast %get3A_710 : vector<16xi32> to vector<16x1xi32>
        %gather3A_842 = vector.shape_cast %reshape3A_841 : vector<16x1xi32> to vector<16xi32>
        %gather3A_843 = tpu.dynamic_gather %get3A_59[%gather3A_842] in [0] : vector<16xf32>, vector<16xi32> -> vector<16xf32>
        %add3A_844 = arith.constant 768 : i32
        %add3A_845 = arith.addi %add3A_714, %add3A_844 : i32
        %swap3A_846 = arith.constant 1 : i32
        %swap3A_847 = arith.index_cast %swap3A_846 : i32 to index
        %swap3A_848 = arith.index_cast %add3A_845 : i32 to index
        %swap3A_849 = tpu.vector_load %arg9[%swap3A_847, %swap3A_848] {strides = array<i32>} : memref<2x16384xf32, #tpu.memory_space<vmem>>, vector<16xf32>,
        tpu.vector_store %arg9[%swap3A_847, %swap3A_848], %gather3A_843 {strides = array<i32>} : memref<2x16384xf32, #tpu.memory_space<vmem>>, vector<16xf32>,
        %reshape3A_850 = vector.shape_cast %get3A_710 : vector<16xi32> to vector<16x1xi32>
        %gather3A_851 = vector.shape_cast %reshape3A_850 : vector<16x1xi32> to vector<16xi32>
        %gather3A_852 = tpu.dynamic_gather %get3A_63[%gather3A_851] in [0] : vector<16xf32>, vector<16xi32> -> vector<16xf32>
        %add3A_853 = arith.constant 896 : i32
        %add3A_854 = arith.addi %add3A_714, %add3A_853 : i32
        %swap3A_855 = arith.constant 1 : i32
        %swap3A_856 = arith.index_cast %swap3A_855 : i32 to index
        %swap3A_857 = arith.index_cast %add3A_854 : i32 to index
        %swap3A_858 = tpu.vector_load %arg9[%swap3A_856, %swap3A_857] {strides = array<i32>} : memref<2x16384xf32, #tpu.memory_space<vmem>>, vector<16xf32>,
        tpu.vector_store %arg9[%swap3A_856, %swap3A_857], %gather3A_852 {strides = array<i32>} : memref<2x16384xf32, #tpu.memory_space<vmem>>, vector<16xf32>,
        %mul3A_859 = arith.constant 128 : i32
        %mul3A_860 = arith.muli %scan3A_245, %mul3A_859 : i32
        %add3A_861 = arith.constant 64 : i32
        %add3A_862 = arith.addi %mul3A_860, %add3A_861 : i32
        %get3A_863 = arith.index_cast %add3A_862 : i32 to index
        %get3A_864 = tpu.vector_load %arg7[%get3A_863] {strides = array<i32>} : memref<2048xi32, #tpu.memory_space<vmem>>, vector<16xi32>,
        %mul3A_865 = arith.constant 1024 : i32
        %mul3A_866 = arith.muli %scan3A_245, %mul3A_865 : i32
        %add3A_867 = arith.constant 64 : i32
        %add3A_868 = arith.addi %mul3A_866, %add3A_867 : i32
        %reshape3A_869 = vector.shape_cast %get3A_864 : vector<16xi32> to vector<16x1xi32>
        %gather3A_870 = vector.shape_cast %reshape3A_869 : vector<16x1xi32> to vector<16xi32>
        %gather3A_871 = tpu.dynamic_gather %get3A_3[%gather3A_870] in [0] : vector<16xf32>, vector<16xi32> -> vector<16xf32>
        %add3A_872 = arith.constant 0 : i32
        %add3A_873 = arith.addi %add3A_868, %add3A_872 : i32
        %swap3A_874 = arith.constant 0 : i32
        %swap3A_875 = arith.index_cast %swap3A_874 : i32 to index
        %swap3A_876 = arith.index_cast %add3A_873 : i32 to index
        %swap3A_877 = tpu.vector_load %arg9[%swap3A_875, %swap3A_876] {strides = array<i32>} : memref<2x16384xf32, #tpu.memory_space<vmem>>, vector<16xf32>,
        tpu.vector_store %arg9[%swap3A_875, %swap3A_876], %gather3A_871 {strides = array<i32>} : memref<2x16384xf32, #tpu.memory_space<vmem>>, vector<16xf32>,
        %reshape3A_878 = vector.shape_cast %get3A_864 : vector<16xi32> to vector<16x1xi32>
        %gather3A_879 = vector.shape_cast %reshape3A_878 : vector<16x1xi32> to vector<16xi32>
        %gather3A_880 = tpu.dynamic_gather %get3A_7[%gather3A_879] in [0] : vector<16xf32>, vector<16xi32> -> vector<16xf32>
        %add3A_881 = arith.constant 128 : i32
        %add3A_882 = arith.addi %add3A_868, %add3A_881 : i32
        %swap3A_883 = arith.constant 0 : i32
        %swap3A_884 = arith.index_cast %swap3A_883 : i32 to index
        %swap3A_885 = arith.index_cast %add3A_882 : i32 to index
        %swap3A_886 = tpu.vector_load %arg9[%swap3A_884, %swap3A_885] {strides = array<i32>} : memref<2x16384xf32, #tpu.memory_space<vmem>>, vector<16xf32>,
        tpu.vector_store %arg9[%swap3A_884, %swap3A_885], %gather3A_880 {strides = array<i32>} : memref<2x16384xf32, #tpu.memory_space<vmem>>, vector<16xf32>,
        %reshape3A_887 = vector.shape_cast %get3A_864 : vector<16xi32> to vector<16x1xi32>
        %gather3A_888 = vector.shape_cast %reshape3A_887 : vector<16x1xi32> to vector<16xi32>
        %gather3A_889 = tpu.dynamic_gather %get3A_11[%gather3A_888] in [0] : vector<16xf32>, vector<16xi32> -> vector<16xf32>
        %add3A_890 = arith.constant 256 : i32
        %add3A_891 = arith.addi %add3A_868, %add3A_890 : i32
        %swap3A_892 = arith.constant 0 : i32
        %swap3A_893 = arith.index_cast %swap3A_892 : i32 to index
        %swap3A_894 = arith.index_cast %add3A_891 : i32 to index
        %swap3A_895 = tpu.vector_load %arg9[%swap3A_893, %swap3A_894] {strides = array<i32>} : memref<2x16384xf32, #tpu.memory_space<vmem>>, vector<16xf32>,
        tpu.vector_store %arg9[%swap3A_893, %swap3A_894], %gather3A_889 {strides = array<i32>} : memref<2x16384xf32, #tpu.memory_space<vmem>>, vector<16xf32>,
        %reshape3A_896 = vector.shape_cast %get3A_864 : vector<16xi32> to vector<16x1xi32>
        %gather3A_897 = vector.shape_cast %reshape3A_896 : vector<16x1xi32> to vector<16xi32>
        %gather3A_898 = tpu.dynamic_gather %get3A_15[%gather3A_897] in [0] : vector<16xf32>, vector<16xi32> -> vector<16xf32>
        %add3A_899 = arith.constant 384 : i32
        %add3A_900 = arith.addi %add3A_868, %add3A_899 : i32
        %swap3A_901 = arith.constant 0 : i32
        %swap3A_902 = arith.index_cast %swap3A_901 : i32 to index
        %swap3A_903 = arith.index_cast %add3A_900 : i32 to index
        %swap3A_904 = tpu.vector_load %arg9[%swap3A_902, %swap3A_903] {strides = array<i32>} : memref<2x16384xf32, #tpu.memory_space<vmem>>, vector<16xf32>,
        tpu.vector_store %arg9[%swap3A_902, %swap3A_903], %gather3A_898 {strides = array<i32>} : memref<2x16384xf32, #tpu.memory_space<vmem>>, vector<16xf32>,
        %reshape3A_905 = vector.shape_cast %get3A_864 : vector<16xi32> to vector<16x1xi32>
        %gather3A_906 = vector.shape_cast %reshape3A_905 : vector<16x1xi32> to vector<16xi32>
        %gather3A_907 = tpu.dynamic_gather %get3A_19[%gather3A_906] in [0] : vector<16xf32>, vector<16xi32> -> vector<16xf32>
        %add3A_908 = arith.constant 512 : i32
        %add3A_909 = arith.addi %add3A_868, %add3A_908 : i32
        %swap3A_910 = arith.constant 0 : i32
        %swap3A_911 = arith.index_cast %swap3A_910 : i32 to index
        %swap3A_912 = arith.index_cast %add3A_909 : i32 to index
        %swap3A_913 = tpu.vector_load %arg9[%swap3A_911, %swap3A_912] {strides = array<i32>} : memref<2x16384xf32, #tpu.memory_space<vmem>>, vector<16xf32>,
        tpu.vector_store %arg9[%swap3A_911, %swap3A_912], %gather3A_907 {strides = array<i32>} : memref<2x16384xf32, #tpu.memory_space<vmem>>, vector<16xf32>,
        %reshape3A_914 = vector.shape_cast %get3A_864 : vector<16xi32> to vector<16x1xi32>
        %gather3A_915 = vector.shape_cast %reshape3A_914 : vector<16x1xi32> to vector<16xi32>
        %gather3A_916 = tpu.dynamic_gather %get3A_23[%gather3A_915] in [0] : vector<16xf32>, vector<16xi32> -> vector<16xf32>
        %add3A_917 = arith.constant 640 : i32
        %add3A_918 = arith.addi %add3A_868, %add3A_917 : i32
        %swap3A_919 = arith.constant 0 : i32
        %swap3A_920 = arith.index_cast %swap3A_919 : i32 to index
        %swap3A_921 = arith.index_cast %add3A_918 : i32 to index
        %swap3A_922 = tpu.vector_load %arg9[%swap3A_920, %swap3A_921] {strides = array<i32>} : memref<2x16384xf32, #tpu.memory_space<vmem>>, vector<16xf32>,
        tpu.vector_store %arg9[%swap3A_920, %swap3A_921], %gather3A_916 {strides = array<i32>} : memref<2x16384xf32, #tpu.memory_space<vmem>>, vector<16xf32>,
        %reshape3A_923 = vector.shape_cast %get3A_864 : vector<16xi32> to vector<16x1xi32>
        %gather3A_924 = vector.shape_cast %reshape3A_923 : vector<16x1xi32> to vector<16xi32>
        %gather3A_925 = tpu.dynamic_gather %get3A_27[%gather3A_924] in [0] : vector<16xf32>, vector<16xi32> -> vector<16xf32>
        %add3A_926 = arith.constant 768 : i32
        %add3A_927 = arith.addi %add3A_868, %add3A_926 : i32
        %swap3A_928 = arith.constant 0 : i32
        %swap3A_929 = arith.index_cast %swap3A_928 : i32 to index
        %swap3A_930 = arith.index_cast %add3A_927 : i32 to index
        %swap3A_931 = tpu.vector_load %arg9[%swap3A_929, %swap3A_930] {strides = array<i32>} : memref<2x16384xf32, #tpu.memory_space<vmem>>, vector<16xf32>,
        tpu.vector_store %arg9[%swap3A_929, %swap3A_930], %gather3A_925 {strides = array<i32>} : memref<2x16384xf32, #tpu.memory_space<vmem>>, vector<16xf32>,
        %reshape3A_932 = vector.shape_cast %get3A_864 : vector<16xi32> to vector<16x1xi32>
        %gather3A_933 = vector.shape_cast %reshape3A_932 : vector<16x1xi32> to vector<16xi32>
        %gather3A_934 = tpu.dynamic_gather %get3A_31[%gather3A_933] in [0] : vector<16xf32>, vector<16xi32> -> vector<16xf32>
        %add3A_935 = arith.constant 896 : i32
        %add3A_936 = arith.addi %add3A_868, %add3A_935 : i32
        %swap3A_937 = arith.constant 0 : i32
        %swap3A_938 = arith.index_cast %swap3A_937 : i32 to index
        %swap3A_939 = arith.index_cast %add3A_936 : i32 to index
        %swap3A_940 = tpu.vector_load %arg9[%swap3A_938, %swap3A_939] {strides = array<i32>} : memref<2x16384xf32, #tpu.memory_space<vmem>>, vector<16xf32>,
        tpu.vector_store %arg9[%swap3A_938, %swap3A_939], %gather3A_934 {strides = array<i32>} : memref<2x16384xf32, #tpu.memory_space<vmem>>, vector<16xf32>,
        %reshape3A_941 = vector.shape_cast %get3A_864 : vector<16xi32> to vector<16x1xi32>
        %gather3A_942 = vector.shape_cast %reshape3A_941 : vector<16x1xi32> to vector<16xi32>
        %gather3A_943 = tpu.dynamic_gather %get3A_35[%gather3A_942] in [0] : vector<16xf32>, vector<16xi32> -> vector<16xf32>
        %add3A_944 = arith.constant 0 : i32
        %add3A_945 = arith.addi %add3A_868, %add3A_944 : i32
        %swap3A_946 = arith.constant 1 : i32
        %swap3A_947 = arith.index_cast %swap3A_946 : i32 to index
        %swap3A_948 = arith.index_cast %add3A_945 : i32 to index
        %swap3A_949 = tpu.vector_load %arg9[%swap3A_947, %swap3A_948] {strides = array<i32>} : memref<2x16384xf32, #tpu.memory_space<vmem>>, vector<16xf32>,
        tpu.vector_store %arg9[%swap3A_947, %swap3A_948], %gather3A_943 {strides = array<i32>} : memref<2x16384xf32, #tpu.memory_space<vmem>>, vector<16xf32>,
        %reshape3A_950 = vector.shape_cast %get3A_864 : vector<16xi32> to vector<16x1xi32>
        %gather3A_951 = vector.shape_cast %reshape3A_950 : vector<16x1xi32> to vector<16xi32>
        %gather3A_952 = tpu.dynamic_gather %get3A_39[%gather3A_951] in [0] : vector<16xf32>, vector<16xi32> -> vector<16xf32>
        %add3A_953 = arith.constant 128 : i32
        %add3A_954 = arith.addi %add3A_868, %add3A_953 : i32
        %swap3A_955 = arith.constant 1 : i32
        %swap3A_956 = arith.index_cast %swap3A_955 : i32 to index
        %swap3A_957 = arith.index_cast %add3A_954 : i32 to index
        %swap3A_958 = tpu.vector_load %arg9[%swap3A_956, %swap3A_957] {strides = array<i32>} : memref<2x16384xf32, #tpu.memory_space<vmem>>, vector<16xf32>,
        tpu.vector_store %arg9[%swap3A_956, %swap3A_957], %gather3A_952 {strides = array<i32>} : memref<2x16384xf32, #tpu.memory_space<vmem>>, vector<16xf32>,
        %reshape3A_959 = vector.shape_cast %get3A_864 : vector<16xi32> to vector<16x1xi32>
        %gather3A_960 = vector.shape_cast %reshape3A_959 : vector<16x1xi32> to vector<16xi32>
        %gather3A_961 = tpu.dynamic_gather %get3A_43[%gather3A_960] in [0] : vector<16xf32>, vector<16xi32> -> vector<16xf32>
        %add3A_962 = arith.constant 256 : i32
        %add3A_963 = arith.addi %add3A_868, %add3A_962 : i32
        %swap3A_964 = arith.constant 1 : i32
        %swap3A_965 = arith.index_cast %swap3A_964 : i32 to index
        %swap3A_966 = arith.index_cast %add3A_963 : i32 to index
        %swap3A_967 = tpu.vector_load %arg9[%swap3A_965, %swap3A_966] {strides = array<i32>} : memref<2x16384xf32, #tpu.memory_space<vmem>>, vector<16xf32>,
        tpu.vector_store %arg9[%swap3A_965, %swap3A_966], %gather3A_961 {strides = array<i32>} : memref<2x16384xf32, #tpu.memory_space<vmem>>, vector<16xf32>,
        %reshape3A_968 = vector.shape_cast %get3A_864 : vector<16xi32> to vector<16x1xi32>
        %gather3A_969 = vector.shape_cast %reshape3A_968 : vector<16x1xi32> to vector<16xi32>
        %gather3A_970 = tpu.dynamic_gather %get3A_47[%gather3A_969] in [0] : vector<16xf32>, vector<16xi32> -> vector<16xf32>
        %add3A_971 = arith.constant 384 : i32
        %add3A_972 = arith.addi %add3A_868, %add3A_971 : i32
        %swap3A_973 = arith.constant 1 : i32
        %swap3A_974 = arith.index_cast %swap3A_973 : i32 to index
        %swap3A_975 = arith.index_cast %add3A_972 : i32 to index
        %swap3A_976 = tpu.vector_load %arg9[%swap3A_974, %swap3A_975] {strides = array<i32>} : memref<2x16384xf32, #tpu.memory_space<vmem>>, vector<16xf32>,
        tpu.vector_store %arg9[%swap3A_974, %swap3A_975], %gather3A_970 {strides = array<i32>} : memref<2x16384xf32, #tpu.memory_space<vmem>>, vector<16xf32>,
        %reshape3A_977 = vector.shape_cast %get3A_864 : vector<16xi32> to vector<16x1xi32>
        %gather3A_978 = vector.shape_cast %reshape3A_977 : vector<16x1xi32> to vector<16xi32>
        %gather3A_979 = tpu.dynamic_gather %get3A_51[%gather3A_978] in [0] : vector<16xf32>, vector<16xi32> -> vector<16xf32>
        %add3A_980 = arith.constant 512 : i32
        %add3A_981 = arith.addi %add3A_868, %add3A_980 : i32
        %swap3A_982 = arith.constant 1 : i32
        %swap3A_983 = arith.index_cast %swap3A_982 : i32 to index
        %swap3A_984 = arith.index_cast %add3A_981 : i32 to index
        %swap3A_985 = tpu.vector_load %arg9[%swap3A_983, %swap3A_984] {strides = array<i32>} : memref<2x16384xf32, #tpu.memory_space<vmem>>, vector<16xf32>,
        tpu.vector_store %arg9[%swap3A_983, %swap3A_984], %gather3A_979 {strides = array<i32>} : memref<2x16384xf32, #tpu.memory_space<vmem>>, vector<16xf32>,
        %reshape3A_986 = vector.shape_cast %get3A_864 : vector<16xi32> to vector<16x1xi32>
        %gather3A_987 = vector.shape_cast %reshape3A_986 : vector<16x1xi32> to vector<16xi32>
        %gather3A_988 = tpu.dynamic_gather %get3A_55[%gather3A_987] in [0] : vector<16xf32>, vector<16xi32> -> vector<16xf32>
        %add3A_989 = arith.constant 640 : i32
        %add3A_990 = arith.addi %add3A_868, %add3A_989 : i32
        %swap3A_991 = arith.constant 1 : i32
        %swap3A_992 = arith.index_cast %swap3A_991 : i32 to index
        %swap3A_993 = arith.index_cast %add3A_990 : i32 to index
        %swap3A_994 = tpu.vector_load %arg9[%swap3A_992, %swap3A_993] {strides = array<i32>} : memref<2x16384xf32, #tpu.memory_space<vmem>>, vector<16xf32>,
        tpu.vector_store %arg9[%swap3A_992, %swap3A_993], %gather3A_988 {strides = array<i32>} : memref<2x16384xf32, #tpu.memory_space<vmem>>, vector<16xf32>,
        %reshape3A_995 = vector.shape_cast %get3A_864 : vector<16xi32> to vector<16x1xi32>
        %gather3A_996 = vector.shape_cast %reshape3A_995 : vector<16x1xi32> to vector<16xi32>
        %gather3A_997 = tpu.dynamic_gather %get3A_59[%gather3A_996] in [0] : vector<16xf32>, vector<16xi32> -> vector<16xf32>
        %add3A_998 = arith.constant 768 : i32
        %add3A_999 = arith.addi %add3A_868, %add3A_998 : i32
        %swap3A_1000 = arith.constant 1 : i32
        %swap3A_1001 = arith.index_cast %swap3A_1000 : i32 to index
        %swap3A_1002 = arith.index_cast %add3A_999 : i32 to index
        %swap3A_1003 = tpu.vector_load %arg9[%swap3A_1001, %swap3A_1002] {strides = array<i32>} : memref<2x16384xf32, #tpu.memory_space<vmem>>, vector<16xf32>,
        tpu.vector_store %arg9[%swap3A_1001, %swap3A_1002], %gather3A_997 {strides = array<i32>} : memref<2x16384xf32, #tpu.memory_space<vmem>>, vector<16xf32>,
        %reshape3A_1004 = vector.shape_cast %get3A_864 : vector<16xi32> to vector<16x1xi32>
        %gather3A_1005 = vector.shape_cast %reshape3A_1004 : vector<16x1xi32> to vector<16xi32>
        %gather3A_1006 = tpu.dynamic_gather %get3A_63[%gather3A_1005] in [0] : vector<16xf32>, vector<16xi32> -> vector<16xf32>
        %add3A_1007 = arith.constant 896 : i32
        %add3A_1008 = arith.addi %add3A_868, %add3A_1007 : i32
        %swap3A_1009 = arith.constant 1 : i32
        %swap3A_1010 = arith.index_cast %swap3A_1009 : i32 to index
        %swap3A_1011 = arith.index_cast %add3A_1008 : i32 to index
        %swap3A_1012 = tpu.vector_load %arg9[%swap3A_1010, %swap3A_1011] {strides = array<i32>} : memref<2x16384xf32, #tpu.memory_space<vmem>>, vector<16xf32>,
        tpu.vector_store %arg9[%swap3A_1010, %swap3A_1011], %gather3A_1006 {strides = array<i32>} : memref<2x16384xf32, #tpu.memory_space<vmem>>, vector<16xf32>,
        %mul3A_1013 = arith.constant 128 : i32
        %mul3A_1014 = arith.muli %scan3A_245, %mul3A_1013 : i32
        %add3A_1015 = arith.constant 80 : i32
        %add3A_1016 = arith.addi %mul3A_1014, %add3A_1015 : i32
        %get3A_1017 = arith.index_cast %add3A_1016 : i32 to index
        %get3A_1018 = tpu.vector_load %arg7[%get3A_1017] {strides = array<i32>} : memref<2048xi32, #tpu.memory_space<vmem>>, vector<16xi32>,
        %mul3A_1019 = arith.constant 1024 : i32
        %mul3A_1020 = arith.muli %scan3A_245, %mul3A_1019 : i32
        %add3A_1021 = arith.constant 80 : i32
        %add3A_1022 = arith.addi %mul3A_1020, %add3A_1021 : i32
        %reshape3A_1023 = vector.shape_cast %get3A_1018 : vector<16xi32> to vector<16x1xi32>
        %gather3A_1024 = vector.shape_cast %reshape3A_1023 : vector<16x1xi32> to vector<16xi32>
        %gather3A_1025 = tpu.dynamic_gather %get3A_3[%gather3A_1024] in [0] : vector<16xf32>, vector<16xi32> -> vector<16xf32>
        %add3A_1026 = arith.constant 0 : i32
        %add3A_1027 = arith.addi %add3A_1022, %add3A_1026 : i32
        %swap3A_1028 = arith.constant 0 : i32
        %swap3A_1029 = arith.index_cast %swap3A_1028 : i32 to index
        %swap3A_1030 = arith.index_cast %add3A_1027 : i32 to index
        %swap3A_1031 = tpu.vector_load %arg9[%swap3A_1029, %swap3A_1030] {strides = array<i32>} : memref<2x16384xf32, #tpu.memory_space<vmem>>, vector<16xf32>,
        tpu.vector_store %arg9[%swap3A_1029, %swap3A_1030], %gather3A_1025 {strides = array<i32>} : memref<2x16384xf32, #tpu.memory_space<vmem>>, vector<16xf32>,
        %reshape3A_1032 = vector.shape_cast %get3A_1018 : vector<16xi32> to vector<16x1xi32>
        %gather3A_1033 = vector.shape_cast %reshape3A_1032 : vector<16x1xi32> to vector<16xi32>
        %gather3A_1034 = tpu.dynamic_gather %get3A_7[%gather3A_1033] in [0] : vector<16xf32>, vector<16xi32> -> vector<16xf32>
        %add3A_1035 = arith.constant 128 : i32
        %add3A_1036 = arith.addi %add3A_1022, %add3A_1035 : i32
        %swap3A_1037 = arith.constant 0 : i32
        %swap3A_1038 = arith.index_cast %swap3A_1037 : i32 to index
        %swap3A_1039 = arith.index_cast %add3A_1036 : i32 to index
        %swap3A_1040 = tpu.vector_load %arg9[%swap3A_1038, %swap3A_1039] {strides = array<i32>} : memref<2x16384xf32, #tpu.memory_space<vmem>>, vector<16xf32>,
        tpu.vector_store %arg9[%swap3A_1038, %swap3A_1039], %gather3A_1034 {strides = array<i32>} : memref<2x16384xf32, #tpu.memory_space<vmem>>, vector<16xf32>,
        %reshape3A_1041 = vector.shape_cast %get3A_1018 : vector<16xi32> to vector<16x1xi32>
        %gather3A_1042 = vector.shape_cast %reshape3A_1041 : vector<16x1xi32> to vector<16xi32>
        %gather3A_1043 = tpu.dynamic_gather %get3A_11[%gather3A_1042] in [0] : vector<16xf32>, vector<16xi32> -> vector<16xf32>
        %add3A_1044 = arith.constant 256 : i32
        %add3A_1045 = arith.addi %add3A_1022, %add3A_1044 : i32
        %swap3A_1046 = arith.constant 0 : i32
        %swap3A_1047 = arith.index_cast %swap3A_1046 : i32 to index
        %swap3A_1048 = arith.index_cast %add3A_1045 : i32 to index
        %swap3A_1049 = tpu.vector_load %arg9[%swap3A_1047, %swap3A_1048] {strides = array<i32>} : memref<2x16384xf32, #tpu.memory_space<vmem>>, vector<16xf32>,
        tpu.vector_store %arg9[%swap3A_1047, %swap3A_1048], %gather3A_1043 {strides = array<i32>} : memref<2x16384xf32, #tpu.memory_space<vmem>>, vector<16xf32>,
        %reshape3A_1050 = vector.shape_cast %get3A_1018 : vector<16xi32> to vector<16x1xi32>
        %gather3A_1051 = vector.shape_cast %reshape3A_1050 : vector<16x1xi32> to vector<16xi32>
        %gather3A_1052 = tpu.dynamic_gather %get3A_15[%gather3A_1051] in [0] : vector<16xf32>, vector<16xi32> -> vector<16xf32>
        %add3A_1053 = arith.constant 384 : i32
        %add3A_1054 = arith.addi %add3A_1022, %add3A_1053 : i32
        %swap3A_1055 = arith.constant 0 : i32
        %swap3A_1056 = arith.index_cast %swap3A_1055 : i32 to index
        %swap3A_1057 = arith.index_cast %add3A_1054 : i32 to index
        %swap3A_1058 = tpu.vector_load %arg9[%swap3A_1056, %swap3A_1057] {strides = array<i32>} : memref<2x16384xf32, #tpu.memory_space<vmem>>, vector<16xf32>,
        tpu.vector_store %arg9[%swap3A_1056, %swap3A_1057], %gather3A_1052 {strides = array<i32>} : memref<2x16384xf32, #tpu.memory_space<vmem>>, vector<16xf32>,
        %reshape3A_1059 = vector.shape_cast %get3A_1018 : vector<16xi32> to vector<16x1xi32>
        %gather3A_1060 = vector.shape_cast %reshape3A_1059 : vector<16x1xi32> to vector<16xi32>
        %gather3A_1061 = tpu.dynamic_gather %get3A_19[%gather3A_1060] in [0] : vector<16xf32>, vector<16xi32> -> vector<16xf32>
        %add3A_1062 = arith.constant 512 : i32
        %add3A_1063 = arith.addi %add3A_1022, %add3A_1062 : i32
        %swap3A_1064 = arith.constant 0 : i32
        %swap3A_1065 = arith.index_cast %swap3A_1064 : i32 to index
        %swap3A_1066 = arith.index_cast %add3A_1063 : i32 to index
        %swap3A_1067 = tpu.vector_load %arg9[%swap3A_1065, %swap3A_1066] {strides = array<i32>} : memref<2x16384xf32, #tpu.memory_space<vmem>>, vector<16xf32>,
        tpu.vector_store %arg9[%swap3A_1065, %swap3A_1066], %gather3A_1061 {strides = array<i32>} : memref<2x16384xf32, #tpu.memory_space<vmem>>, vector<16xf32>,
        %reshape3A_1068 = vector.shape_cast %get3A_1018 : vector<16xi32> to vector<16x1xi32>
        %gather3A_1069 = vector.shape_cast %reshape3A_1068 : vector<16x1xi32> to vector<16xi32>
        %gather3A_1070 = tpu.dynamic_gather %get3A_23[%gather3A_1069] in [0] : vector<16xf32>, vector<16xi32> -> vector<16xf32>
        %add3A_1071 = arith.constant 640 : i32
        %add3A_1072 = arith.addi %add3A_1022, %add3A_1071 : i32
        %swap3A_1073 = arith.constant 0 : i32
        %swap3A_1074 = arith.index_cast %swap3A_1073 : i32 to index
        %swap3A_1075 = arith.index_cast %add3A_1072 : i32 to index
        %swap3A_1076 = tpu.vector_load %arg9[%swap3A_1074, %swap3A_1075] {strides = array<i32>} : memref<2x16384xf32, #tpu.memory_space<vmem>>, vector<16xf32>,
        tpu.vector_store %arg9[%swap3A_1074, %swap3A_1075], %gather3A_1070 {strides = array<i32>} : memref<2x16384xf32, #tpu.memory_space<vmem>>, vector<16xf32>,
        %reshape3A_1077 = vector.shape_cast %get3A_1018 : vector<16xi32> to vector<16x1xi32>
        %gather3A_1078 = vector.shape_cast %reshape3A_1077 : vector<16x1xi32> to vector<16xi32>
        %gather3A_1079 = tpu.dynamic_gather %get3A_27[%gather3A_1078] in [0] : vector<16xf32>, vector<16xi32> -> vector<16xf32>
        %add3A_1080 = arith.constant 768 : i32
        %add3A_1081 = arith.addi %add3A_1022, %add3A_1080 : i32
        %swap3A_1082 = arith.constant 0 : i32
        %swap3A_1083 = arith.index_cast %swap3A_1082 : i32 to index
        %swap3A_1084 = arith.index_cast %add3A_1081 : i32 to index
        %swap3A_1085 = tpu.vector_load %arg9[%swap3A_1083, %swap3A_1084] {strides = array<i32>} : memref<2x16384xf32, #tpu.memory_space<vmem>>, vector<16xf32>,
        tpu.vector_store %arg9[%swap3A_1083, %swap3A_1084], %gather3A_1079 {strides = array<i32>} : memref<2x16384xf32, #tpu.memory_space<vmem>>, vector<16xf32>,
        %reshape3A_1086 = vector.shape_cast %get3A_1018 : vector<16xi32> to vector<16x1xi32>
        %gather3A_1087 = vector.shape_cast %reshape3A_1086 : vector<16x1xi32> to vector<16xi32>
        %gather3A_1088 = tpu.dynamic_gather %get3A_31[%gather3A_1087] in [0] : vector<16xf32>, vector<16xi32> -> vector<16xf32>
        %add3A_1089 = arith.constant 896 : i32
        %add3A_1090 = arith.addi %add3A_1022, %add3A_1089 : i32
        %swap3A_1091 = arith.constant 0 : i32
        %swap3A_1092 = arith.index_cast %swap3A_1091 : i32 to index
        %swap3A_1093 = arith.index_cast %add3A_1090 : i32 to index
        %swap3A_1094 = tpu.vector_load %arg9[%swap3A_1092, %swap3A_1093] {strides = array<i32>} : memref<2x16384xf32, #tpu.memory_space<vmem>>, vector<16xf32>,
        tpu.vector_store %arg9[%swap3A_1092, %swap3A_1093], %gather3A_1088 {strides = array<i32>} : memref<2x16384xf32, #tpu.memory_space<vmem>>, vector<16xf32>,
        %reshape3A_1095 = vector.shape_cast %get3A_1018 : vector<16xi32> to vector<16x1xi32>
        %gather3A_1096 = vector.shape_cast %reshape3A_1095 : vector<16x1xi32> to vector<16xi32>
        %gather3A_1097 = tpu.dynamic_gather %get3A_35[%gather3A_1096] in [0] : vector<16xf32>, vector<16xi32> -> vector<16xf32>
        %add3A_1098 = arith.constant 0 : i32
        %add3A_1099 = arith.addi %add3A_1022, %add3A_1098 : i32
        %swap3A_1100 = arith.constant 1 : i32
        %swap3A_1101 = arith.index_cast %swap3A_1100 : i32 to index
        %swap3A_1102 = arith.index_cast %add3A_1099 : i32 to index
        %swap3A_1103 = tpu.vector_load %arg9[%swap3A_1101, %swap3A_1102] {strides = array<i32>} : memref<2x16384xf32, #tpu.memory_space<vmem>>, vector<16xf32>,
        tpu.vector_store %arg9[%swap3A_1101, %swap3A_1102], %gather3A_1097 {strides = array<i32>} : memref<2x16384xf32, #tpu.memory_space<vmem>>, vector<16xf32>,
        %reshape3A_1104 = vector.shape_cast %get3A_1018 : vector<16xi32> to vector<16x1xi32>
        %gather3A_1105 = vector.shape_cast %reshape3A_1104 : vector<16x1xi32> to vector<16xi32>
        %gather3A_1106 = tpu.dynamic_gather %get3A_39[%gather3A_1105] in [0] : vector<16xf32>, vector<16xi32> -> vector<16xf32>
        %add3A_1107 = arith.constant 128 : i32
        %add3A_1108 = arith.addi %add3A_1022, %add3A_1107 : i32
        %swap3A_1109 = arith.constant 1 : i32
        %swap3A_1110 = arith.index_cast %swap3A_1109 : i32 to index
        %swap3A_1111 = arith.index_cast %add3A_1108 : i32 to index
        %swap3A_1112 = tpu.vector_load %arg9[%swap3A_1110, %swap3A_1111] {strides = array<i32>} : memref<2x16384xf32, #tpu.memory_space<vmem>>, vector<16xf32>,
        tpu.vector_store %arg9[%swap3A_1110, %swap3A_1111], %gather3A_1106 {strides = array<i32>} : memref<2x16384xf32, #tpu.memory_space<vmem>>, vector<16xf32>,
        %reshape3A_1113 = vector.shape_cast %get3A_1018 : vector<16xi32> to vector<16x1xi32>
        %gather3A_1114 = vector.shape_cast %reshape3A_1113 : vector<16x1xi32> to vector<16xi32>
        %gather3A_1115 = tpu.dynamic_gather %get3A_43[%gather3A_1114] in [0] : vector<16xf32>, vector<16xi32> -> vector<16xf32>
        %add3A_1116 = arith.constant 256 : i32
        %add3A_1117 = arith.addi %add3A_1022, %add3A_1116 : i32
        %swap3A_1118 = arith.constant 1 : i32
        %swap3A_1119 = arith.index_cast %swap3A_1118 : i32 to index
        %swap3A_1120 = arith.index_cast %add3A_1117 : i32 to index
        %swap3A_1121 = tpu.vector_load %arg9[%swap3A_1119, %swap3A_1120] {strides = array<i32>} : memref<2x16384xf32, #tpu.memory_space<vmem>>, vector<16xf32>,
        tpu.vector_store %arg9[%swap3A_1119, %swap3A_1120], %gather3A_1115 {strides = array<i32>} : memref<2x16384xf32, #tpu.memory_space<vmem>>, vector<16xf32>,
        %reshape3A_1122 = vector.shape_cast %get3A_1018 : vector<16xi32> to vector<16x1xi32>
        %gather3A_1123 = vector.shape_cast %reshape3A_1122 : vector<16x1xi32> to vector<16xi32>
        %gather3A_1124 = tpu.dynamic_gather %get3A_47[%gather3A_1123] in [0] : vector<16xf32>, vector<16xi32> -> vector<16xf32>
        %add3A_1125 = arith.constant 384 : i32
        %add3A_1126 = arith.addi %add3A_1022, %add3A_1125 : i32
        %swap3A_1127 = arith.constant 1 : i32
        %swap3A_1128 = arith.index_cast %swap3A_1127 : i32 to index
        %swap3A_1129 = arith.index_cast %add3A_1126 : i32 to index
        %swap3A_1130 = tpu.vector_load %arg9[%swap3A_1128, %swap3A_1129] {strides = array<i32>} : memref<2x16384xf32, #tpu.memory_space<vmem>>, vector<16xf32>,
        tpu.vector_store %arg9[%swap3A_1128, %swap3A_1129], %gather3A_1124 {strides = array<i32>} : memref<2x16384xf32, #tpu.memory_space<vmem>>, vector<16xf32>,
        %reshape3A_1131 = vector.shape_cast %get3A_1018 : vector<16xi32> to vector<16x1xi32>
        %gather3A_1132 = vector.shape_cast %reshape3A_1131 : vector<16x1xi32> to vector<16xi32>
        %gather3A_1133 = tpu.dynamic_gather %get3A_51[%gather3A_1132] in [0] : vector<16xf32>, vector<16xi32> -> vector<16xf32>
        %add3A_1134 = arith.constant 512 : i32
        %add3A_1135 = arith.addi %add3A_1022, %add3A_1134 : i32
        %swap3A_1136 = arith.constant 1 : i32
        %swap3A_1137 = arith.index_cast %swap3A_1136 : i32 to index
        %swap3A_1138 = arith.index_cast %add3A_1135 : i32 to index
        %swap3A_1139 = tpu.vector_load %arg9[%swap3A_1137, %swap3A_1138] {strides = array<i32>} : memref<2x16384xf32, #tpu.memory_space<vmem>>, vector<16xf32>,
        tpu.vector_store %arg9[%swap3A_1137, %swap3A_1138], %gather3A_1133 {strides = array<i32>} : memref<2x16384xf32, #tpu.memory_space<vmem>>, vector<16xf32>,
        %reshape3A_1140 = vector.shape_cast %get3A_1018 : vector<16xi32> to vector<16x1xi32>
        %gather3A_1141 = vector.shape_cast %reshape3A_1140 : vector<16x1xi32> to vector<16xi32>
        %gather3A_1142 = tpu.dynamic_gather %get3A_55[%gather3A_1141] in [0] : vector<16xf32>, vector<16xi32> -> vector<16xf32>
        %add3A_1143 = arith.constant 640 : i32
        %add3A_1144 = arith.addi %add3A_1022, %add3A_1143 : i32
        %swap3A_1145 = arith.constant 1 : i32
        %swap3A_1146 = arith.index_cast %swap3A_1145 : i32 to index
        %swap3A_1147 = arith.index_cast %add3A_1144 : i32 to index
        %swap3A_1148 = tpu.vector_load %arg9[%swap3A_1146, %swap3A_1147] {strides = array<i32>} : memref<2x16384xf32, #tpu.memory_space<vmem>>, vector<16xf32>,
        tpu.vector_store %arg9[%swap3A_1146, %swap3A_1147], %gather3A_1142 {strides = array<i32>} : memref<2x16384xf32, #tpu.memory_space<vmem>>, vector<16xf32>,
        %reshape3A_1149 = vector.shape_cast %get3A_1018 : vector<16xi32> to vector<16x1xi32>
        %gather3A_1150 = vector.shape_cast %reshape3A_1149 : vector<16x1xi32> to vector<16xi32>
        %gather3A_1151 = tpu.dynamic_gather %get3A_59[%gather3A_1150] in [0] : vector<16xf32>, vector<16xi32> -> vector<16xf32>
        %add3A_1152 = arith.constant 768 : i32
        %add3A_1153 = arith.addi %add3A_1022, %add3A_1152 : i32
        %swap3A_1154 = arith.constant 1 : i32
        %swap3A_1155 = arith.index_cast %swap3A_1154 : i32 to index
        %swap3A_1156 = arith.index_cast %add3A_1153 : i32 to index
        %swap3A_1157 = tpu.vector_load %arg9[%swap3A_1155, %swap3A_1156] {strides = array<i32>} : memref<2x16384xf32, #tpu.memory_space<vmem>>, vector<16xf32>,
        tpu.vector_store %arg9[%swap3A_1155, %swap3A_1156], %gather3A_1151 {strides = array<i32>} : memref<2x16384xf32, #tpu.memory_space<vmem>>, vector<16xf32>,
        %reshape3A_1158 = vector.shape_cast %get3A_1018 : vector<16xi32> to vector<16x1xi32>
        %gather3A_1159 = vector.shape_cast %reshape3A_1158 : vector<16x1xi32> to vector<16xi32>
        %gather3A_1160 = tpu.dynamic_gather %get3A_63[%gather3A_1159] in [0] : vector<16xf32>, vector<16xi32> -> vector<16xf32>
        %add3A_1161 = arith.constant 896 : i32
        %add3A_1162 = arith.addi %add3A_1022, %add3A_1161 : i32
        %swap3A_1163 = arith.constant 1 : i32
        %swap3A_1164 = arith.index_cast %swap3A_1163 : i32 to index
        %swap3A_1165 = arith.index_cast %add3A_1162 : i32 to index
        %swap3A_1166 = tpu.vector_load %arg9[%swap3A_1164, %swap3A_1165] {strides = array<i32>} : memref<2x16384xf32, #tpu.memory_space<vmem>>, vector<16xf32>,
        tpu.vector_store %arg9[%swap3A_1164, %swap3A_1165], %gather3A_1160 {strides = array<i32>} : memref<2x16384xf32, #tpu.memory_space<vmem>>, vector<16xf32>,
        %mul3A_1167 = arith.constant 128 : i32
        %mul3A_1168 = arith.muli %scan3A_245, %mul3A_1167 : i32
        %add3A_1169 = arith.constant 96 : i32
        %add3A_1170 = arith.addi %mul3A_1168, %add3A_1169 : i32
        %get3A_1171 = arith.index_cast %add3A_1170 : i32 to index
        %get3A_1172 = tpu.vector_load %arg7[%get3A_1171] {strides = array<i32>} : memref<2048xi32, #tpu.memory_space<vmem>>, vector<16xi32>,
        %mul3A_1173 = arith.constant 1024 : i32
        %mul3A_1174 = arith.muli %scan3A_245, %mul3A_1173 : i32
        %add3A_1175 = arith.constant 96 : i32
        %add3A_1176 = arith.addi %mul3A_1174, %add3A_1175 : i32
        %reshape3A_1177 = vector.shape_cast %get3A_1172 : vector<16xi32> to vector<16x1xi32>
        %gather3A_1178 = vector.shape_cast %reshape3A_1177 : vector<16x1xi32> to vector<16xi32>
        %gather3A_1179 = tpu.dynamic_gather %get3A_3[%gather3A_1178] in [0] : vector<16xf32>, vector<16xi32> -> vector<16xf32>
        %add3A_1180 = arith.constant 0 : i32
        %add3A_1181 = arith.addi %add3A_1176, %add3A_1180 : i32
        %swap3A_1182 = arith.constant 0 : i32
        %swap3A_1183 = arith.index_cast %swap3A_1182 : i32 to index
        %swap3A_1184 = arith.index_cast %add3A_1181 : i32 to index
        %swap3A_1185 = tpu.vector_load %arg9[%swap3A_1183, %swap3A_1184] {strides = array<i32>} : memref<2x16384xf32, #tpu.memory_space<vmem>>, vector<16xf32>,
        tpu.vector_store %arg9[%swap3A_1183, %swap3A_1184], %gather3A_1179 {strides = array<i32>} : memref<2x16384xf32, #tpu.memory_space<vmem>>, vector<16xf32>,
        %reshape3A_1186 = vector.shape_cast %get3A_1172 : vector<16xi32> to vector<16x1xi32>
        %gather3A_1187 = vector.shape_cast %reshape3A_1186 : vector<16x1xi32> to vector<16xi32>
        %gather3A_1188 = tpu.dynamic_gather %get3A_7[%gather3A_1187] in [0] : vector<16xf32>, vector<16xi32> -> vector<16xf32>
        %add3A_1189 = arith.constant 128 : i32
        %add3A_1190 = arith.addi %add3A_1176, %add3A_1189 : i32
        %swap3A_1191 = arith.constant 0 : i32
        %swap3A_1192 = arith.index_cast %swap3A_1191 : i32 to index
        %swap3A_1193 = arith.index_cast %add3A_1190 : i32 to index
        %swap3A_1194 = tpu.vector_load %arg9[%swap3A_1192, %swap3A_1193] {strides = array<i32>} : memref<2x16384xf32, #tpu.memory_space<vmem>>, vector<16xf32>,
        tpu.vector_store %arg9[%swap3A_1192, %swap3A_1193], %gather3A_1188 {strides = array<i32>} : memref<2x16384xf32, #tpu.memory_space<vmem>>, vector<16xf32>,
        %reshape3A_1195 = vector.shape_cast %get3A_1172 : vector<16xi32> to vector<16x1xi32>
        %gather3A_1196 = vector.shape_cast %reshape3A_1195 : vector<16x1xi32> to vector<16xi32>
        %gather3A_1197 = tpu.dynamic_gather %get3A_11[%gather3A_1196] in [0] : vector<16xf32>, vector<16xi32> -> vector<16xf32>
        %add3A_1198 = arith.constant 256 : i32
        %add3A_1199 = arith.addi %add3A_1176, %add3A_1198 : i32
        %swap3A_1200 = arith.constant 0 : i32
        %swap3A_1201 = arith.index_cast %swap3A_1200 : i32 to index
        %swap3A_1202 = arith.index_cast %add3A_1199 : i32 to index
        %swap3A_1203 = tpu.vector_load %arg9[%swap3A_1201, %swap3A_1202] {strides = array<i32>} : memref<2x16384xf32, #tpu.memory_space<vmem>>, vector<16xf32>,
        tpu.vector_store %arg9[%swap3A_1201, %swap3A_1202], %gather3A_1197 {strides = array<i32>} : memref<2x16384xf32, #tpu.memory_space<vmem>>, vector<16xf32>,
        %reshape3A_1204 = vector.shape_cast %get3A_1172 : vector<16xi32> to vector<16x1xi32>
        %gather3A_1205 = vector.shape_cast %reshape3A_1204 : vector<16x1xi32> to vector<16xi32>
        %gather3A_1206 = tpu.dynamic_gather %get3A_15[%gather3A_1205] in [0] : vector<16xf32>, vector<16xi32> -> vector<16xf32>
        %add3A_1207 = arith.constant 384 : i32
        %add3A_1208 = arith.addi %add3A_1176, %add3A_1207 : i32
        %swap3A_1209 = arith.constant 0 : i32
        %swap3A_1210 = arith.index_cast %swap3A_1209 : i32 to index
        %swap3A_1211 = arith.index_cast %add3A_1208 : i32 to index
        %swap3A_1212 = tpu.vector_load %arg9[%swap3A_1210, %swap3A_1211] {strides = array<i32>} : memref<2x16384xf32, #tpu.memory_space<vmem>>, vector<16xf32>,
        tpu.vector_store %arg9[%swap3A_1210, %swap3A_1211], %gather3A_1206 {strides = array<i32>} : memref<2x16384xf32, #tpu.memory_space<vmem>>, vector<16xf32>,
        %reshape3A_1213 = vector.shape_cast %get3A_1172 : vector<16xi32> to vector<16x1xi32>
        %gather3A_1214 = vector.shape_cast %reshape3A_1213 : vector<16x1xi32> to vector<16xi32>
        %gather3A_1215 = tpu.dynamic_gather %get3A_19[%gather3A_1214] in [0] : vector<16xf32>, vector<16xi32> -> vector<16xf32>
        %add3A_1216 = arith.constant 512 : i32
        %add3A_1217 = arith.addi %add3A_1176, %add3A_1216 : i32
        %swap3A_1218 = arith.constant 0 : i32
        %swap3A_1219 = arith.index_cast %swap3A_1218 : i32 to index
        %swap3A_1220 = arith.index_cast %add3A_1217 : i32 to index
        %swap3A_1221 = tpu.vector_load %arg9[%swap3A_1219, %swap3A_1220] {strides = array<i32>} : memref<2x16384xf32, #tpu.memory_space<vmem>>, vector<16xf32>,
        tpu.vector_store %arg9[%swap3A_1219, %swap3A_1220], %gather3A_1215 {strides = array<i32>} : memref<2x16384xf32, #tpu.memory_space<vmem>>, vector<16xf32>,
        %reshape3A_1222 = vector.shape_cast %get3A_1172 : vector<16xi32> to vector<16x1xi32>
        %gather3A_1223 = vector.shape_cast %reshape3A_1222 : vector<16x1xi32> to vector<16xi32>
        %gather3A_1224 = tpu.dynamic_gather %get3A_23[%gather3A_1223] in [0] : vector<16xf32>, vector<16xi32> -> vector<16xf32>
        %add3A_1225 = arith.constant 640 : i32
        %add3A_1226 = arith.addi %add3A_1176, %add3A_1225 : i32
        %swap3A_1227 = arith.constant 0 : i32
        %swap3A_1228 = arith.index_cast %swap3A_1227 : i32 to index
        %swap3A_1229 = arith.index_cast %add3A_1226 : i32 to index
        %swap3A_1230 = tpu.vector_load %arg9[%swap3A_1228, %swap3A_1229] {strides = array<i32>} : memref<2x16384xf32, #tpu.memory_space<vmem>>, vector<16xf32>,
        tpu.vector_store %arg9[%swap3A_1228, %swap3A_1229], %gather3A_1224 {strides = array<i32>} : memref<2x16384xf32, #tpu.memory_space<vmem>>, vector<16xf32>,
        %reshape3A_1231 = vector.shape_cast %get3A_1172 : vector<16xi32> to vector<16x1xi32>
        %gather3A_1232 = vector.shape_cast %reshape3A_1231 : vector<16x1xi32> to vector<16xi32>
        %gather3A_1233 = tpu.dynamic_gather %get3A_27[%gather3A_1232] in [0] : vector<16xf32>, vector<16xi32> -> vector<16xf32>
        %add3A_1234 = arith.constant 768 : i32
        %add3A_1235 = arith.addi %add3A_1176, %add3A_1234 : i32
        %swap3A_1236 = arith.constant 0 : i32
        %swap3A_1237 = arith.index_cast %swap3A_1236 : i32 to index
        %swap3A_1238 = arith.index_cast %add3A_1235 : i32 to index
        %swap3A_1239 = tpu.vector_load %arg9[%swap3A_1237, %swap3A_1238] {strides = array<i32>} : memref<2x16384xf32, #tpu.memory_space<vmem>>, vector<16xf32>,
        tpu.vector_store %arg9[%swap3A_1237, %swap3A_1238], %gather3A_1233 {strides = array<i32>} : memref<2x16384xf32, #tpu.memory_space<vmem>>, vector<16xf32>,
        %reshape3A_1240 = vector.shape_cast %get3A_1172 : vector<16xi32> to vector<16x1xi32>
        %gather3A_1241 = vector.shape_cast %reshape3A_1240 : vector<16x1xi32> to vector<16xi32>
        %gather3A_1242 = tpu.dynamic_gather %get3A_31[%gather3A_1241] in [0] : vector<16xf32>, vector<16xi32> -> vector<16xf32>
        %add3A_1243 = arith.constant 896 : i32
        %add3A_1244 = arith.addi %add3A_1176, %add3A_1243 : i32
        %swap3A_1245 = arith.constant 0 : i32
        %swap3A_1246 = arith.index_cast %swap3A_1245 : i32 to index
        %swap3A_1247 = arith.index_cast %add3A_1244 : i32 to index
        %swap3A_1248 = tpu.vector_load %arg9[%swap3A_1246, %swap3A_1247] {strides = array<i32>} : memref<2x16384xf32, #tpu.memory_space<vmem>>, vector<16xf32>,
        tpu.vector_store %arg9[%swap3A_1246, %swap3A_1247], %gather3A_1242 {strides = array<i32>} : memref<2x16384xf32, #tpu.memory_space<vmem>>, vector<16xf32>,
        %reshape3A_1249 = vector.shape_cast %get3A_1172 : vector<16xi32> to vector<16x1xi32>
        %gather3A_1250 = vector.shape_cast %reshape3A_1249 : vector<16x1xi32> to vector<16xi32>
        %gather3A_1251 = tpu.dynamic_gather %get3A_35[%gather3A_1250] in [0] : vector<16xf32>, vector<16xi32> -> vector<16xf32>
        %add3A_1252 = arith.constant 0 : i32
        %add3A_1253 = arith.addi %add3A_1176, %add3A_1252 : i32
        %swap3A_1254 = arith.constant 1 : i32
        %swap3A_1255 = arith.index_cast %swap3A_1254 : i32 to index
        %swap3A_1256 = arith.index_cast %add3A_1253 : i32 to index
        %swap3A_1257 = tpu.vector_load %arg9[%swap3A_1255, %swap3A_1256] {strides = array<i32>} : memref<2x16384xf32, #tpu.memory_space<vmem>>, vector<16xf32>,
        tpu.vector_store %arg9[%swap3A_1255, %swap3A_1256], %gather3A_1251 {strides = array<i32>} : memref<2x16384xf32, #tpu.memory_space<vmem>>, vector<16xf32>,
        %reshape3A_1258 = vector.shape_cast %get3A_1172 : vector<16xi32> to vector<16x1xi32>
        %gather3A_1259 = vector.shape_cast %reshape3A_1258 : vector<16x1xi32> to vector<16xi32>
        %gather3A_1260 = tpu.dynamic_gather %get3A_39[%gather3A_1259] in [0] : vector<16xf32>, vector<16xi32> -> vector<16xf32>
        %add3A_1261 = arith.constant 128 : i32
        %add3A_1262 = arith.addi %add3A_1176, %add3A_1261 : i32
        %swap3A_1263 = arith.constant 1 : i32
        %swap3A_1264 = arith.index_cast %swap3A_1263 : i32 to index
        %swap3A_1265 = arith.index_cast %add3A_1262 : i32 to index
        %swap3A_1266 = tpu.vector_load %arg9[%swap3A_1264, %swap3A_1265] {strides = array<i32>} : memref<2x16384xf32, #tpu.memory_space<vmem>>, vector<16xf32>,
        tpu.vector_store %arg9[%swap3A_1264, %swap3A_1265], %gather3A_1260 {strides = array<i32>} : memref<2x16384xf32, #tpu.memory_space<vmem>>, vector<16xf32>,
        %reshape3A_1267 = vector.shape_cast %get3A_1172 : vector<16xi32> to vector<16x1xi32>
        %gather3A_1268 = vector.shape_cast %reshape3A_1267 : vector<16x1xi32> to vector<16xi32>
        %gather3A_1269 = tpu.dynamic_gather %get3A_43[%gather3A_1268] in [0] : vector<16xf32>, vector<16xi32> -> vector<16xf32>
        %add3A_1270 = arith.constant 256 : i32
        %add3A_1271 = arith.addi %add3A_1176, %add3A_1270 : i32
        %swap3A_1272 = arith.constant 1 : i32
        %swap3A_1273 = arith.index_cast %swap3A_1272 : i32 to index
        %swap3A_1274 = arith.index_cast %add3A_1271 : i32 to index
        %swap3A_1275 = tpu.vector_load %arg9[%swap3A_1273, %swap3A_1274] {strides = array<i32>} : memref<2x16384xf32, #tpu.memory_space<vmem>>, vector<16xf32>,
        tpu.vector_store %arg9[%swap3A_1273, %swap3A_1274], %gather3A_1269 {strides = array<i32>} : memref<2x16384xf32, #tpu.memory_space<vmem>>, vector<16xf32>,
        %reshape3A_1276 = vector.shape_cast %get3A_1172 : vector<16xi32> to vector<16x1xi32>
        %gather3A_1277 = vector.shape_cast %reshape3A_1276 : vector<16x1xi32> to vector<16xi32>
        %gather3A_1278 = tpu.dynamic_gather %get3A_47[%gather3A_1277] in [0] : vector<16xf32>, vector<16xi32> -> vector<16xf32>
        %add3A_1279 = arith.constant 384 : i32
        %add3A_1280 = arith.addi %add3A_1176, %add3A_1279 : i32
        %swap3A_1281 = arith.constant 1 : i32
        %swap3A_1282 = arith.index_cast %swap3A_1281 : i32 to index
        %swap3A_1283 = arith.index_cast %add3A_1280 : i32 to index
        %swap3A_1284 = tpu.vector_load %arg9[%swap3A_1282, %swap3A_1283] {strides = array<i32>} : memref<2x16384xf32, #tpu.memory_space<vmem>>, vector<16xf32>,
        tpu.vector_store %arg9[%swap3A_1282, %swap3A_1283], %gather3A_1278 {strides = array<i32>} : memref<2x16384xf32, #tpu.memory_space<vmem>>, vector<16xf32>,
        %reshape3A_1285 = vector.shape_cast %get3A_1172 : vector<16xi32> to vector<16x1xi32>
        %gather3A_1286 = vector.shape_cast %reshape3A_1285 : vector<16x1xi32> to vector<16xi32>
        %gather3A_1287 = tpu.dynamic_gather %get3A_51[%gather3A_1286] in [0] : vector<16xf32>, vector<16xi32> -> vector<16xf32>
        %add3A_1288 = arith.constant 512 : i32
        %add3A_1289 = arith.addi %add3A_1176, %add3A_1288 : i32
        %swap3A_1290 = arith.constant 1 : i32
        %swap3A_1291 = arith.index_cast %swap3A_1290 : i32 to index
        %swap3A_1292 = arith.index_cast %add3A_1289 : i32 to index
        %swap3A_1293 = tpu.vector_load %arg9[%swap3A_1291, %swap3A_1292] {strides = array<i32>} : memref<2x16384xf32, #tpu.memory_space<vmem>>, vector<16xf32>,
        tpu.vector_store %arg9[%swap3A_1291, %swap3A_1292], %gather3A_1287 {strides = array<i32>} : memref<2x16384xf32, #tpu.memory_space<vmem>>, vector<16xf32>,
        %reshape3A_1294 = vector.shape_cast %get3A_1172 : vector<16xi32> to vector<16x1xi32>
        %gather3A_1295 = vector.shape_cast %reshape3A_1294 : vector<16x1xi32> to vector<16xi32>
        %gather3A_1296 = tpu.dynamic_gather %get3A_55[%gather3A_1295] in [0] : vector<16xf32>, vector<16xi32> -> vector<16xf32>
        %add3A_1297 = arith.constant 640 : i32
        %add3A_1298 = arith.addi %add3A_1176, %add3A_1297 : i32
        %swap3A_1299 = arith.constant 1 : i32
        %swap3A_1300 = arith.index_cast %swap3A_1299 : i32 to index
        %swap3A_1301 = arith.index_cast %add3A_1298 : i32 to index
        %swap3A_1302 = tpu.vector_load %arg9[%swap3A_1300, %swap3A_1301] {strides = array<i32>} : memref<2x16384xf32, #tpu.memory_space<vmem>>, vector<16xf32>,
        tpu.vector_store %arg9[%swap3A_1300, %swap3A_1301], %gather3A_1296 {strides = array<i32>} : memref<2x16384xf32, #tpu.memory_space<vmem>>, vector<16xf32>,
        %reshape3A_1303 = vector.shape_cast %get3A_1172 : vector<16xi32> to vector<16x1xi32>
        %gather3A_1304 = vector.shape_cast %reshape3A_1303 : vector<16x1xi32> to vector<16xi32>
        %gather3A_1305 = tpu.dynamic_gather %get3A_59[%gather3A_1304] in [0] : vector<16xf32>, vector<16xi32> -> vector<16xf32>
        %add3A_1306 = arith.constant 768 : i32
        %add3A_1307 = arith.addi %add3A_1176, %add3A_1306 : i32
        %swap3A_1308 = arith.constant 1 : i32
        %swap3A_1309 = arith.index_cast %swap3A_1308 : i32 to index
        %swap3A_1310 = arith.index_cast %add3A_1307 : i32 to index
        %swap3A_1311 = tpu.vector_load %arg9[%swap3A_1309, %swap3A_1310] {strides = array<i32>} : memref<2x16384xf32, #tpu.memory_space<vmem>>, vector<16xf32>,
        tpu.vector_store %arg9[%swap3A_1309, %swap3A_1310], %gather3A_1305 {strides = array<i32>} : memref<2x16384xf32, #tpu.memory_space<vmem>>, vector<16xf32>,
        %reshape3A_1312 = vector.shape_cast %get3A_1172 : vector<16xi32> to vector<16x1xi32>
        %gather3A_1313 = vector.shape_cast %reshape3A_1312 : vector<16x1xi32> to vector<16xi32>
        %gather3A_1314 = tpu.dynamic_gather %get3A_63[%gather3A_1313] in [0] : vector<16xf32>, vector<16xi32> -> vector<16xf32>
        %add3A_1315 = arith.constant 896 : i32
        %add3A_1316 = arith.addi %add3A_1176, %add3A_1315 : i32
        %swap3A_1317 = arith.constant 1 : i32
        %swap3A_1318 = arith.index_cast %swap3A_1317 : i32 to index
        %swap3A_1319 = arith.index_cast %add3A_1316 : i32 to index
        %swap3A_1320 = tpu.vector_load %arg9[%swap3A_1318, %swap3A_1319] {strides = array<i32>} : memref<2x16384xf32, #tpu.memory_space<vmem>>, vector<16xf32>,
        tpu.vector_store %arg9[%swap3A_1318, %swap3A_1319], %gather3A_1314 {strides = array<i32>} : memref<2x16384xf32, #tpu.memory_space<vmem>>, vector<16xf32>,
        %mul3A_1321 = arith.constant 128 : i32
        %mul3A_1322 = arith.muli %scan3A_245, %mul3A_1321 : i32
        %add3A_1323 = arith.constant 112 : i32
        %add3A_1324 = arith.addi %mul3A_1322, %add3A_1323 : i32
        %get3A_1325 = arith.index_cast %add3A_1324 : i32 to index
        %get3A_1326 = tpu.vector_load %arg7[%get3A_1325] {strides = array<i32>} : memref<2048xi32, #tpu.memory_space<vmem>>, vector<16xi32>,
        %mul3A_1327 = arith.constant 1024 : i32
        %mul3A_1328 = arith.muli %scan3A_245, %mul3A_1327 : i32
        %add3A_1329 = arith.constant 112 : i32
        %add3A_1330 = arith.addi %mul3A_1328, %add3A_1329 : i32
        %reshape3A_1331 = vector.shape_cast %get3A_1326 : vector<16xi32> to vector<16x1xi32>
        %gather3A_1332 = vector.shape_cast %reshape3A_1331 : vector<16x1xi32> to vector<16xi32>
        %gather3A_1333 = tpu.dynamic_gather %get3A_3[%gather3A_1332] in [0] : vector<16xf32>, vector<16xi32> -> vector<16xf32>
        %add3A_1334 = arith.constant 0 : i32
        %add3A_1335 = arith.addi %add3A_1330, %add3A_1334 : i32
        %swap3A_1336 = arith.constant 0 : i32
        %swap3A_1337 = arith.index_cast %swap3A_1336 : i32 to index
        %swap3A_1338 = arith.index_cast %add3A_1335 : i32 to index
        %swap3A_1339 = tpu.vector_load %arg9[%swap3A_1337, %swap3A_1338] {strides = array<i32>} : memref<2x16384xf32, #tpu.memory_space<vmem>>, vector<16xf32>,
        tpu.vector_store %arg9[%swap3A_1337, %swap3A_1338], %gather3A_1333 {strides = array<i32>} : memref<2x16384xf32, #tpu.memory_space<vmem>>, vector<16xf32>,
        %reshape3A_1340 = vector.shape_cast %get3A_1326 : vector<16xi32> to vector<16x1xi32>
        %gather3A_1341 = vector.shape_cast %reshape3A_1340 : vector<16x1xi32> to vector<16xi32>
        %gather3A_1342 = tpu.dynamic_gather %get3A_7[%gather3A_1341] in [0] : vector<16xf32>, vector<16xi32> -> vector<16xf32>
        %add3A_1343 = arith.constant 128 : i32
        %add3A_1344 = arith.addi %add3A_1330, %add3A_1343 : i32
        %swap3A_1345 = arith.constant 0 : i32
        %swap3A_1346 = arith.index_cast %swap3A_1345 : i32 to index
        %swap3A_1347 = arith.index_cast %add3A_1344 : i32 to index
        %swap3A_1348 = tpu.vector_load %arg9[%swap3A_1346, %swap3A_1347] {strides = array<i32>} : memref<2x16384xf32, #tpu.memory_space<vmem>>, vector<16xf32>,
        tpu.vector_store %arg9[%swap3A_1346, %swap3A_1347], %gather3A_1342 {strides = array<i32>} : memref<2x16384xf32, #tpu.memory_space<vmem>>, vector<16xf32>,
        %reshape3A_1349 = vector.shape_cast %get3A_1326 : vector<16xi32> to vector<16x1xi32>
        %gather3A_1350 = vector.shape_cast %reshape3A_1349 : vector<16x1xi32> to vector<16xi32>
        %gather3A_1351 = tpu.dynamic_gather %get3A_11[%gather3A_1350] in [0] : vector<16xf32>, vector<16xi32> -> vector<16xf32>
        %add3A_1352 = arith.constant 256 : i32
        %add3A_1353 = arith.addi %add3A_1330, %add3A_1352 : i32
        %swap3A_1354 = arith.constant 0 : i32
        %swap3A_1355 = arith.index_cast %swap3A_1354 : i32 to index
        %swap3A_1356 = arith.index_cast %add3A_1353 : i32 to index
        %swap3A_1357 = tpu.vector_load %arg9[%swap3A_1355, %swap3A_1356] {strides = array<i32>} : memref<2x16384xf32, #tpu.memory_space<vmem>>, vector<16xf32>,
        tpu.vector_store %arg9[%swap3A_1355, %swap3A_1356], %gather3A_1351 {strides = array<i32>} : memref<2x16384xf32, #tpu.memory_space<vmem>>, vector<16xf32>,
        %reshape3A_1358 = vector.shape_cast %get3A_1326 : vector<16xi32> to vector<16x1xi32>
        %gather3A_1359 = vector.shape_cast %reshape3A_1358 : vector<16x1xi32> to vector<16xi32>
        %gather3A_1360 = tpu.dynamic_gather %get3A_15[%gather3A_1359] in [0] : vector<16xf32>, vector<16xi32> -> vector<16xf32>
        %add3A_1361 = arith.constant 384 : i32
        %add3A_1362 = arith.addi %add3A_1330, %add3A_1361 : i32
        %swap3A_1363 = arith.constant 0 : i32
        %swap3A_1364 = arith.index_cast %swap3A_1363 : i32 to index
        %swap3A_1365 = arith.index_cast %add3A_1362 : i32 to index
        %swap3A_1366 = tpu.vector_load %arg9[%swap3A_1364, %swap3A_1365] {strides = array<i32>} : memref<2x16384xf32, #tpu.memory_space<vmem>>, vector<16xf32>,
        tpu.vector_store %arg9[%swap3A_1364, %swap3A_1365], %gather3A_1360 {strides = array<i32>} : memref<2x16384xf32, #tpu.memory_space<vmem>>, vector<16xf32>,
        %reshape3A_1367 = vector.shape_cast %get3A_1326 : vector<16xi32> to vector<16x1xi32>
        %gather3A_1368 = vector.shape_cast %reshape3A_1367 : vector<16x1xi32> to vector<16xi32>
        %gather3A_1369 = tpu.dynamic_gather %get3A_19[%gather3A_1368] in [0] : vector<16xf32>, vector<16xi32> -> vector<16xf32>
        %add3A_1370 = arith.constant 512 : i32
        %add3A_1371 = arith.addi %add3A_1330, %add3A_1370 : i32
        %swap3A_1372 = arith.constant 0 : i32
        %swap3A_1373 = arith.index_cast %swap3A_1372 : i32 to index
        %swap3A_1374 = arith.index_cast %add3A_1371 : i32 to index
        %swap3A_1375 = tpu.vector_load %arg9[%swap3A_1373, %swap3A_1374] {strides = array<i32>} : memref<2x16384xf32, #tpu.memory_space<vmem>>, vector<16xf32>,
        tpu.vector_store %arg9[%swap3A_1373, %swap3A_1374], %gather3A_1369 {strides = array<i32>} : memref<2x16384xf32, #tpu.memory_space<vmem>>, vector<16xf32>,
        %reshape3A_1376 = vector.shape_cast %get3A_1326 : vector<16xi32> to vector<16x1xi32>
        %gather3A_1377 = vector.shape_cast %reshape3A_1376 : vector<16x1xi32> to vector<16xi32>
        %gather3A_1378 = tpu.dynamic_gather %get3A_23[%gather3A_1377] in [0] : vector<16xf32>, vector<16xi32> -> vector<16xf32>
        %add3A_1379 = arith.constant 640 : i32
        %add3A_1380 = arith.addi %add3A_1330, %add3A_1379 : i32
        %swap3A_1381 = arith.constant 0 : i32
        %swap3A_1382 = arith.index_cast %swap3A_1381 : i32 to index
        %swap3A_1383 = arith.index_cast %add3A_1380 : i32 to index
        %swap3A_1384 = tpu.vector_load %arg9[%swap3A_1382, %swap3A_1383] {strides = array<i32>} : memref<2x16384xf32, #tpu.memory_space<vmem>>, vector<16xf32>,
        tpu.vector_store %arg9[%swap3A_1382, %swap3A_1383], %gather3A_1378 {strides = array<i32>} : memref<2x16384xf32, #tpu.memory_space<vmem>>, vector<16xf32>,
        %reshape3A_1385 = vector.shape_cast %get3A_1326 : vector<16xi32> to vector<16x1xi32>
        %gather3A_1386 = vector.shape_cast %reshape3A_1385 : vector<16x1xi32> to vector<16xi32>
        %gather3A_1387 = tpu.dynamic_gather %get3A_27[%gather3A_1386] in [0] : vector<16xf32>, vector<16xi32> -> vector<16xf32>
        %add3A_1388 = arith.constant 768 : i32
        %add3A_1389 = arith.addi %add3A_1330, %add3A_1388 : i32
        %swap3A_1390 = arith.constant 0 : i32
        %swap3A_1391 = arith.index_cast %swap3A_1390 : i32 to index
        %swap3A_1392 = arith.index_cast %add3A_1389 : i32 to index
        %swap3A_1393 = tpu.vector_load %arg9[%swap3A_1391, %swap3A_1392] {strides = array<i32>} : memref<2x16384xf32, #tpu.memory_space<vmem>>, vector<16xf32>,
        tpu.vector_store %arg9[%swap3A_1391, %swap3A_1392], %gather3A_1387 {strides = array<i32>} : memref<2x16384xf32, #tpu.memory_space<vmem>>, vector<16xf32>,
        %reshape3A_1394 = vector.shape_cast %get3A_1326 : vector<16xi32> to vector<16x1xi32>
        %gather3A_1395 = vector.shape_cast %reshape3A_1394 : vector<16x1xi32> to vector<16xi32>
        %gather3A_1396 = tpu.dynamic_gather %get3A_31[%gather3A_1395] in [0] : vector<16xf32>, vector<16xi32> -> vector<16xf32>
        %add3A_1397 = arith.constant 896 : i32
        %add3A_1398 = arith.addi %add3A_1330, %add3A_1397 : i32
        %swap3A_1399 = arith.constant 0 : i32
        %swap3A_1400 = arith.index_cast %swap3A_1399 : i32 to index
        %swap3A_1401 = arith.index_cast %add3A_1398 : i32 to index
        %swap3A_1402 = tpu.vector_load %arg9[%swap3A_1400, %swap3A_1401] {strides = array<i32>} : memref<2x16384xf32, #tpu.memory_space<vmem>>, vector<16xf32>,
        tpu.vector_store %arg9[%swap3A_1400, %swap3A_1401], %gather3A_1396 {strides = array<i32>} : memref<2x16384xf32, #tpu.memory_space<vmem>>, vector<16xf32>,
        %reshape3A_1403 = vector.shape_cast %get3A_1326 : vector<16xi32> to vector<16x1xi32>
        %gather3A_1404 = vector.shape_cast %reshape3A_1403 : vector<16x1xi32> to vector<16xi32>
        %gather3A_1405 = tpu.dynamic_gather %get3A_35[%gather3A_1404] in [0] : vector<16xf32>, vector<16xi32> -> vector<16xf32>
        %add3A_1406 = arith.constant 0 : i32
        %add3A_1407 = arith.addi %add3A_1330, %add3A_1406 : i32
        %swap3A_1408 = arith.constant 1 : i32
        %swap3A_1409 = arith.index_cast %swap3A_1408 : i32 to index
        %swap3A_1410 = arith.index_cast %add3A_1407 : i32 to index
        %swap3A_1411 = tpu.vector_load %arg9[%swap3A_1409, %swap3A_1410] {strides = array<i32>} : memref<2x16384xf32, #tpu.memory_space<vmem>>, vector<16xf32>,
        tpu.vector_store %arg9[%swap3A_1409, %swap3A_1410], %gather3A_1405 {strides = array<i32>} : memref<2x16384xf32, #tpu.memory_space<vmem>>, vector<16xf32>,
        %reshape3A_1412 = vector.shape_cast %get3A_1326 : vector<16xi32> to vector<16x1xi32>
        %gather3A_1413 = vector.shape_cast %reshape3A_1412 : vector<16x1xi32> to vector<16xi32>
        %gather3A_1414 = tpu.dynamic_gather %get3A_39[%gather3A_1413] in [0] : vector<16xf32>, vector<16xi32> -> vector<16xf32>
        %add3A_1415 = arith.constant 128 : i32
        %add3A_1416 = arith.addi %add3A_1330, %add3A_1415 : i32
        %swap3A_1417 = arith.constant 1 : i32
        %swap3A_1418 = arith.index_cast %swap3A_1417 : i32 to index
        %swap3A_1419 = arith.index_cast %add3A_1416 : i32 to index
        %swap3A_1420 = tpu.vector_load %arg9[%swap3A_1418, %swap3A_1419] {strides = array<i32>} : memref<2x16384xf32, #tpu.memory_space<vmem>>, vector<16xf32>,
        tpu.vector_store %arg9[%swap3A_1418, %swap3A_1419], %gather3A_1414 {strides = array<i32>} : memref<2x16384xf32, #tpu.memory_space<vmem>>, vector<16xf32>,
        %reshape3A_1421 = vector.shape_cast %get3A_1326 : vector<16xi32> to vector<16x1xi32>
        %gather3A_1422 = vector.shape_cast %reshape3A_1421 : vector<16x1xi32> to vector<16xi32>
        %gather3A_1423 = tpu.dynamic_gather %get3A_43[%gather3A_1422] in [0] : vector<16xf32>, vector<16xi32> -> vector<16xf32>
        %add3A_1424 = arith.constant 256 : i32
        %add3A_1425 = arith.addi %add3A_1330, %add3A_1424 : i32
        %swap3A_1426 = arith.constant 1 : i32
        %swap3A_1427 = arith.index_cast %swap3A_1426 : i32 to index
        %swap3A_1428 = arith.index_cast %add3A_1425 : i32 to index
        %swap3A_1429 = tpu.vector_load %arg9[%swap3A_1427, %swap3A_1428] {strides = array<i32>} : memref<2x16384xf32, #tpu.memory_space<vmem>>, vector<16xf32>,
        tpu.vector_store %arg9[%swap3A_1427, %swap3A_1428], %gather3A_1423 {strides = array<i32>} : memref<2x16384xf32, #tpu.memory_space<vmem>>, vector<16xf32>,
        %reshape3A_1430 = vector.shape_cast %get3A_1326 : vector<16xi32> to vector<16x1xi32>
        %gather3A_1431 = vector.shape_cast %reshape3A_1430 : vector<16x1xi32> to vector<16xi32>
        %gather3A_1432 = tpu.dynamic_gather %get3A_47[%gather3A_1431] in [0] : vector<16xf32>, vector<16xi32> -> vector<16xf32>
        %add3A_1433 = arith.constant 384 : i32
        %add3A_1434 = arith.addi %add3A_1330, %add3A_1433 : i32
        %swap3A_1435 = arith.constant 1 : i32
        %swap3A_1436 = arith.index_cast %swap3A_1435 : i32 to index
        %swap3A_1437 = arith.index_cast %add3A_1434 : i32 to index
        %swap3A_1438 = tpu.vector_load %arg9[%swap3A_1436, %swap3A_1437] {strides = array<i32>} : memref<2x16384xf32, #tpu.memory_space<vmem>>, vector<16xf32>,
        tpu.vector_store %arg9[%swap3A_1436, %swap3A_1437], %gather3A_1432 {strides = array<i32>} : memref<2x16384xf32, #tpu.memory_space<vmem>>, vector<16xf32>,
        %reshape3A_1439 = vector.shape_cast %get3A_1326 : vector<16xi32> to vector<16x1xi32>
        %gather3A_1440 = vector.shape_cast %reshape3A_1439 : vector<16x1xi32> to vector<16xi32>
        %gather3A_1441 = tpu.dynamic_gather %get3A_51[%gather3A_1440] in [0] : vector<16xf32>, vector<16xi32> -> vector<16xf32>
        %add3A_1442 = arith.constant 512 : i32
        %add3A_1443 = arith.addi %add3A_1330, %add3A_1442 : i32
        %swap3A_1444 = arith.constant 1 : i32
        %swap3A_1445 = arith.index_cast %swap3A_1444 : i32 to index
        %swap3A_1446 = arith.index_cast %add3A_1443 : i32 to index
        %swap3A_1447 = tpu.vector_load %arg9[%swap3A_1445, %swap3A_1446] {strides = array<i32>} : memref<2x16384xf32, #tpu.memory_space<vmem>>, vector<16xf32>,
        tpu.vector_store %arg9[%swap3A_1445, %swap3A_1446], %gather3A_1441 {strides = array<i32>} : memref<2x16384xf32, #tpu.memory_space<vmem>>, vector<16xf32>,
        %reshape3A_1448 = vector.shape_cast %get3A_1326 : vector<16xi32> to vector<16x1xi32>
        %gather3A_1449 = vector.shape_cast %reshape3A_1448 : vector<16x1xi32> to vector<16xi32>
        %gather3A_1450 = tpu.dynamic_gather %get3A_55[%gather3A_1449] in [0] : vector<16xf32>, vector<16xi32> -> vector<16xf32>
        %add3A_1451 = arith.constant 640 : i32
        %add3A_1452 = arith.addi %add3A_1330, %add3A_1451 : i32
        %swap3A_1453 = arith.constant 1 : i32
        %swap3A_1454 = arith.index_cast %swap3A_1453 : i32 to index
        %swap3A_1455 = arith.index_cast %add3A_1452 : i32 to index
        %swap3A_1456 = tpu.vector_load %arg9[%swap3A_1454, %swap3A_1455] {strides = array<i32>} : memref<2x16384xf32, #tpu.memory_space<vmem>>, vector<16xf32>,
        tpu.vector_store %arg9[%swap3A_1454, %swap3A_1455], %gather3A_1450 {strides = array<i32>} : memref<2x16384xf32, #tpu.memory_space<vmem>>, vector<16xf32>,
        %reshape3A_1457 = vector.shape_cast %get3A_1326 : vector<16xi32> to vector<16x1xi32>
        %gather3A_1458 = vector.shape_cast %reshape3A_1457 : vector<16x1xi32> to vector<16xi32>
        %gather3A_1459 = tpu.dynamic_gather %get3A_59[%gather3A_1458] in [0] : vector<16xf32>, vector<16xi32> -> vector<16xf32>
        %add3A_1460 = arith.constant 768 : i32
        %add3A_1461 = arith.addi %add3A_1330, %add3A_1460 : i32
        %swap3A_1462 = arith.constant 1 : i32
        %swap3A_1463 = arith.index_cast %swap3A_1462 : i32 to index
        %swap3A_1464 = arith.index_cast %add3A_1461 : i32 to index
        %swap3A_1465 = tpu.vector_load %arg9[%swap3A_1463, %swap3A_1464] {strides = array<i32>} : memref<2x16384xf32, #tpu.memory_space<vmem>>, vector<16xf32>,
        tpu.vector_store %arg9[%swap3A_1463, %swap3A_1464], %gather3A_1459 {strides = array<i32>} : memref<2x16384xf32, #tpu.memory_space<vmem>>, vector<16xf32>,
        %reshape3A_1466 = vector.shape_cast %get3A_1326 : vector<16xi32> to vector<16x1xi32>
        %gather3A_1467 = vector.shape_cast %reshape3A_1466 : vector<16x1xi32> to vector<16xi32>
        %gather3A_1468 = tpu.dynamic_gather %get3A_63[%gather3A_1467] in [0] : vector<16xf32>, vector<16xi32> -> vector<16xf32>
        %add3A_1469 = arith.constant 896 : i32
        %add3A_1470 = arith.addi %add3A_1330, %add3A_1469 : i32
        %swap3A_1471 = arith.constant 1 : i32
        %swap3A_1472 = arith.index_cast %swap3A_1471 : i32 to index
        %swap3A_1473 = arith.index_cast %add3A_1470 : i32 to index
        %swap3A_1474 = tpu.vector_load %arg9[%swap3A_1472, %swap3A_1473] {strides = array<i32>} : memref<2x16384xf32, #tpu.memory_space<vmem>>, vector<16xf32>,
        tpu.vector_store %arg9[%swap3A_1472, %swap3A_1473], %gather3A_1468 {strides = array<i32>} : memref<2x16384xf32, #tpu.memory_space<vmem>>, vector<16xf32>,
      }
      %scan3A_207 = arith.constant 16 : i32
      %mul3A_208 = arith.constant 16 : i32
      %mul3A_209 = arith.muli %min3A_192, %mul3A_208 : i32
      %add3A_210 = arith.constant 0 : i32
      %add3A_211 = arith.addi %add3A_210, %mul3A_209 : i32
      %mul3A_212 = arith.constant 1024 : i32
      %mul3A_213 = arith.muli %add3A_211, %mul3A_212 : i32
      %dma_start3A_214 = arith.constant 0 : i32
      %dma_start3A_215 = arith.constant 0 : i32
      %dma_start3A_216 = tpu.memref_slice %arg9[%dma_start3A_214, %dma_start3A_215] : memref<2x16384xf32, #tpu.memory_space<vmem>> -> memref<1x16384xf32, #tpu.memory_space<vmem>>
      %dma_start3A_217 = tpu.memref_squeeze %dma_start3A_216 : memref<1x16384xf32, #tpu.memory_space<vmem>> -> memref<16384xf32, #tpu.memory_space<vmem>>
      %dma_start3A_218 = tpu.memref_slice %arg4[%mul3A_213] : memref<102400000xf32, #tpu.memory_space<hbm>> -> memref<16384xf32, #tpu.memory_space<hbm>>
      %dma_start3A_219 = tpu.memref_slice %arg4[%mul3A_213] : memref<102400000xf32, #tpu.memory_space<hbm>> -> memref<16384xf32, #tpu.memory_space<hbm>>
      %dma_start3A_220 = arith.constant 0 : i32
      %dma_start3A_221 = tpu.memref_slice %arg9[%dma_start3A_214, %dma_start3A_220] : memref<2x16384xf32, #tpu.memory_space<vmem>> -> memref<1x16384xf32, #tpu.memory_space<vmem>>
      %dma_start3A_222 = tpu.memref_squeeze %dma_start3A_221 : memref<1x16384xf32, #tpu.memory_space<vmem>> -> memref<16384xf32, #tpu.memory_space<vmem>>
      tpu.enqueue_dma source(%dma_start3A_222 : memref<16384xf32, #tpu.memory_space<vmem>>) target(%dma_start3A_219 : memref<16384xf32, #tpu.memory_space<hbm>>) target_semaphore(%arg13 : memref<!tpu.dma_semaphore, #tpu.memory_space<semaphore_mem>>)
      %mul3A_223 = arith.constant 16 : i32
      %mul3A_224 = arith.muli %min3A_192, %mul3A_223 : i32
      %add3A_225 = arith.constant 50000 : i32
      %add3A_226 = arith.addi %add3A_225, %mul3A_224 : i32
      %mul3A_227 = arith.constant 1024 : i32
      %mul3A_228 = arith.muli %add3A_226, %mul3A_227 : i32
      %dma_start3A_229 = arith.constant 1 : i32
      %dma_start3A_230 = arith.constant 0 : i32
      %dma_start3A_231 = tpu.memref_slice %arg9[%dma_start3A_229, %dma_start3A_230] : memref<2x16384xf32, #tpu.memory_space<vmem>> -> memref<1x16384xf32, #tpu.memory_space<vmem>>
      %dma_start3A_232 = tpu.memref_squeeze %dma_start3A_231 : memref<1x16384xf32, #tpu.memory_space<vmem>> -> memref<16384xf32, #tpu.memory_space<vmem>>
      %dma_start3A_233 = tpu.memref_slice %arg4[%mul3A_228] : memref<102400000xf32, #tpu.memory_space<hbm>> -> memref<16384xf32, #tpu.memory_space<hbm>>
      %dma_start3A_234 = tpu.memref_slice %arg4[%mul3A_228] : memref<102400000xf32, #tpu.memory_space<hbm>> -> memref<16384xf32, #tpu.memory_space<hbm>>
      %dma_start3A_235 = arith.constant 0 : i32
      %dma_start3A_236 = tpu.memref_slice %arg9[%dma_start3A_229, %dma_start3A_235] : memref<2x16384xf32, #tpu.memory_space<vmem>> -> memref<1x16384xf32, #tpu.memory_space<vmem>>
      %dma_start3A_237 = tpu.memref_squeeze %dma_start3A_236 : memref<1x16384xf32, #tpu.memory_space<vmem>> -> memref<16384xf32, #tpu.memory_space<vmem>>
      tpu.enqueue_dma source(%dma_start3A_237 : memref<16384xf32, #tpu.memory_space<vmem>>) target(%dma_start3A_234 : memref<16384xf32, #tpu.memory_space<hbm>>) target_semaphore(%arg13 : memref<!tpu.dma_semaphore, #tpu.memory_space<semaphore_mem>>)
      %add3A_238 = arith.constant 2 : i32
      %add3A_239 = arith.addi %add3A_187, %add3A_238 : i32
      %lt3A_240 = arith.constant 98 : i32
      %lt3A_241 = arith.cmpi slt, %add3A_239, %lt3A_240 : i32
      %convert_element_type3A_242 = arith.extui %lt3A_241 : i1 to i32
      %cond3A_243 = arith.constant 0 : i32
      %cond3A_244 = arith.cmpi ne, %convert_element_type3A_242, %cond3A_243 : i32
      scf.if %cond3A_244 {
        %add3A_245 = arith.constant 2 : i32
        %add3A_246 = arith.addi %add3A_187, %add3A_245 : i32
        %mul3A_247 = arith.constant 32 : i32
        %mul3A_248 = arith.muli %mul3A_247, %add3A_246 : i32
        %add3A_249 = arith.addi %add3A, %mul3A_248 : i32
        %min3A_250 = arith.constant 3124 : i32
        %min3A_251 = arith.minsi %add3A_249, %min3A_250 : i32
        %mul3A_252 = arith.constant 2048 : i32
        %mul3A_253 = arith.muli %min3A_251, %mul3A_252 : i32
        %dma_start3A_254 = tpu.memref_slice %arg3[%mul3A_253] : memref<6400000xi32, #tpu.memory_space<hbm>> -> memref<2048xi32, #tpu.memory_space<hbm>>
        %dma_start3A_255 = tpu.memref_slice %arg3[%mul3A_253] : memref<6400000xi32, #tpu.memory_space<hbm>> -> memref<2048xi32, #tpu.memory_space<hbm>>
        tpu.enqueue_dma source(%dma_start3A_255 : memref<2048xi32, #tpu.memory_space<hbm>>) target(%arg7 : memref<2048xi32, #tpu.memory_space<vmem>>) target_semaphore(%arg11 : memref<!tpu.dma_semaphore, #tpu.memory_space<semaphore_mem>>)
      } else {
      }
    }
    %scan3A_82 = arith.constant 49 : i32
    %dma_wait3A = arith.constant 0 : i32
    %dma_wait3A_83 = arith.constant 0 : i32
    %dma_wait3A_84 = tpu.memref_slice %arg8[%dma_wait3A, %dma_wait3A_83] : memref<2x16384xf32, #tpu.memory_space<vmem>> -> memref<1x16384xf32, #tpu.memory_space<vmem>>
    %dma_wait3A_85 = tpu.memref_squeeze %dma_wait3A_84 : memref<1x16384xf32, #tpu.memory_space<vmem>> -> memref<16384xf32, #tpu.memory_space<vmem>>
    %dma_wait3A_86 = arith.constant 0 : i32
    %dma_wait3A_87 = tpu.memref_slice %arg4[%dma_wait3A_86] : memref<102400000xf32, #tpu.memory_space<hbm>> -> memref<16384xf32, #tpu.memory_space<hbm>>
    %dma_wait3A_88 = arith.constant 0 : i32
    %dma_wait3A_89 = tpu.memref_slice %arg4[%dma_wait3A_88] : memref<102400000xf32, #tpu.memory_space<hbm>> -> memref<16384xf32, #tpu.memory_space<hbm>>
    %dma_wait3A_90 = arith.constant 0 : i32
    %dma_wait3A_91 = tpu.memref_slice %arg8[%dma_wait3A, %dma_wait3A_90] : memref<2x16384xf32, #tpu.memory_space<vmem>> -> memref<1x16384xf32, #tpu.memory_space<vmem>>
    %dma_wait3A_92 = tpu.memref_squeeze %dma_wait3A_91 : memref<1x16384xf32, #tpu.memory_space<vmem>> -> memref<16384xf32, #tpu.memory_space<vmem>>
    tpu.wait_dma2 semaphore(%arg12 : memref<!tpu.dma_semaphore, #tpu.memory_space<semaphore_mem>>) src(%dma_wait3A_92 : memref<16384xf32, #tpu.memory_space<vmem>>) dst(%dma_wait3A_89 : memref<16384xf32, #tpu.memory_space<hbm>>)
    %dma_wait3A_93 = arith.constant 1 : i32
    %dma_wait3A_94 = arith.constant 0 : i32
    %dma_wait3A_95 = tpu.memref_slice %arg8[%dma_wait3A_93, %dma_wait3A_94] : memref<2x16384xf32, #tpu.memory_space<vmem>> -> memref<1x16384xf32, #tpu.memory_space<vmem>>
    %dma_wait3A_96 = tpu.memref_squeeze %dma_wait3A_95 : memref<1x16384xf32, #tpu.memory_space<vmem>> -> memref<16384xf32, #tpu.memory_space<vmem>>
    %dma_wait3A_97 = arith.constant 51200000 : i32
    %dma_wait3A_98 = tpu.memref_slice %arg4[%dma_wait3A_97] : memref<102400000xf32, #tpu.memory_space<hbm>> -> memref<16384xf32, #tpu.memory_space<hbm>>
    %dma_wait3A_99 = arith.constant 51200000 : i32
    %dma_wait3A_100 = tpu.memref_slice %arg4[%dma_wait3A_99] : memref<102400000xf32, #tpu.memory_space<hbm>> -> memref<16384xf32, #tpu.memory_space<hbm>>
    %dma_wait3A_101 = arith.constant 0 : i32
    %dma_wait3A_102 = tpu.memref_slice %arg8[%dma_wait3A_93, %dma_wait3A_101] : memref<2x16384xf32, #tpu.memory_space<vmem>> -> memref<1x16384xf32, #tpu.memory_space<vmem>>
    %dma_wait3A_103 = tpu.memref_squeeze %dma_wait3A_102 : memref<1x16384xf32, #tpu.memory_space<vmem>> -> memref<16384xf32, #tpu.memory_space<vmem>>
    tpu.wait_dma2 semaphore(%arg12 : memref<!tpu.dma_semaphore, #tpu.memory_space<semaphore_mem>>) src(%dma_wait3A_103 : memref<16384xf32, #tpu.memory_space<vmem>>) dst(%dma_wait3A_100 : memref<16384xf32, #tpu.memory_space<hbm>>)
    %dma_wait3A_104 = arith.constant 0 : i32
    %dma_wait3A_105 = arith.constant 0 : i32
    %dma_wait3A_106 = tpu.memref_slice %arg9[%dma_wait3A_104, %dma_wait3A_105] : memref<2x16384xf32, #tpu.memory_space<vmem>> -> memref<1x16384xf32, #tpu.memory_space<vmem>>
    %dma_wait3A_107 = tpu.memref_squeeze %dma_wait3A_106 : memref<1x16384xf32, #tpu.memory_space<vmem>> -> memref<16384xf32, #tpu.memory_space<vmem>>
    %dma_wait3A_108 = arith.constant 0 : i32
    %dma_wait3A_109 = tpu.memref_slice %arg4[%dma_wait3A_108] : memref<102400000xf32, #tpu.memory_space<hbm>> -> memref<16384xf32, #tpu.memory_space<hbm>>
    %dma_wait3A_110 = arith.constant 0 : i32
    %dma_wait3A_111 = tpu.memref_slice %arg4[%dma_wait3A_110] : memref<102400000xf32, #tpu.memory_space<hbm>> -> memref<16384xf32, #tpu.memory_space<hbm>>
    %dma_wait3A_112 = arith.constant 0 : i32
    %dma_wait3A_113 = tpu.memref_slice %arg9[%dma_wait3A_104, %dma_wait3A_112] : memref<2x16384xf32, #tpu.memory_space<vmem>> -> memref<1x16384xf32, #tpu.memory_space<vmem>>
    %dma_wait3A_114 = tpu.memref_squeeze %dma_wait3A_113 : memref<1x16384xf32, #tpu.memory_space<vmem>> -> memref<16384xf32, #tpu.memory_space<vmem>>
    tpu.wait_dma2 semaphore(%arg13 : memref<!tpu.dma_semaphore, #tpu.memory_space<semaphore_mem>>) src(%dma_wait3A_114 : memref<16384xf32, #tpu.memory_space<vmem>>) dst(%dma_wait3A_111 : memref<16384xf32, #tpu.memory_space<hbm>>)
    %dma_wait3A_115 = arith.constant 1 : i32
    %dma_wait3A_116 = arith.constant 0 : i32
    %dma_wait3A_117 = tpu.memref_slice %arg9[%dma_wait3A_115, %dma_wait3A_116] : memref<2x16384xf32, #tpu.memory_space<vmem>> -> memref<1x16384xf32, #tpu.memory_space<vmem>>
    %dma_wait3A_118 = tpu.memref_squeeze %dma_wait3A_117 : memref<1x16384xf32, #tpu.memory_space<vmem>> -> memref<16384xf32, #tpu.memory_space<vmem>>
    %dma_wait3A_119 = arith.constant 51200000 : i32
    %dma_wait3A_120 = tpu.memref_slice %arg4[%dma_wait3A_119] : memref<102400000xf32, #tpu.memory_space<hbm>> -> memref<16384xf32, #tpu.memory_space<hbm>>
    %dma_wait3A_121 = arith.constant 51200000 : i32
    %dma_wait3A_122 = tpu.memref_slice %arg4[%dma_wait3A_121] : memref<102400000xf32, #tpu.memory_space<hbm>> -> memref<16384xf32, #tpu.memory_space<hbm>>
    %dma_wait3A_123 = arith.constant 0 : i32
    %dma_wait3A_124 = tpu.memref_slice %arg9[%dma_wait3A_115, %dma_wait3A_123] : memref<2x16384xf32, #tpu.memory_space<vmem>> -> memref<1x16384xf32, #tpu.memory_space<vmem>>
    %dma_wait3A_125 = tpu.memref_squeeze %dma_wait3A_124 : memref<1x16384xf32, #tpu.memory_space<vmem>> -> memref<16384xf32, #tpu.memory_space<vmem>>
    tpu.wait_dma2 semaphore(%arg13 : memref<!tpu.dma_semaphore, #tpu.memory_space<semaphore_mem>>) src(%dma_wait3A_125 : memref<16384xf32, #tpu.memory_space<vmem>>) dst(%dma_wait3A_122 : memref<16384xf32, #tpu.memory_space<hbm>>)
    return
  }
}

</mosaic_0001>

<sc_bundles>
// kernel: kernel.3.cloned.1.call-start
scs
__scs_entry_jumppad:
0x0: {  	(pc) =	sbr.rel $0x88, $3  }
0x1: {  	(tag) =	ssettag $0x0;
	lr =	simm.s32 $0x1  }
0x2: {  	[smem:$0x3F9F] =	sst lr;
	_ =	strace $0xD0000000  }
0x3: {  	_ = 	snop  }
0x4: {  	_ = 	snop  }
0x5: {  	_ = 	snop  }
0x6: {  	_ = 	snop  }
0x7: {  	_ = 	snop  }
__scs_overlays_trampoline_lowered:
0x8: {  	[smem:$0x3FAE] =	sst s0  }
0x9: {  	[smem:$0x3FAF] =	sst s1  }
0xa: {  	[smem:$0x3FB0] =	sst s2  }
0xb: {  	[smem:$0x3FB1] =	sst s3  }
0xc: {  	[smem:$0x3FB2] =	sst s4  }
0xd: {  	[smem:$0x3FB3] =	sst s5  }
0xe: {  	[smem:$0x3FB4] =	sst s6  }
0xf: {  	[smem:$0x3FB5] =	sst s7  }
0x10: {  	[smem:$0x3FB6] =	sst s8  }
0x11: {  	[smem:$0x3FB7] =	sst s9;
	s0 =	simm.s32 @!p0 $0x0  }
0x12: {  	s1 =	sld [smem:$0x3F9D];
	s0 =	simm.s32 @p0 $0x1  }
0x13: {  	[smem:$0x3FB8] =	sst s0;
	s0 =	simm.s32 @!p1 $0x0  }
0x14: {  	s2 =	sld [smem:$0x3F9C];
	s0 =	simm.s32 @p1 $0x1  }
0x15: {  	[smem:$0x3FB9] =	sst s0;
	s0 =	simm.s32 @!p2 $0x0  }
0x16: {  	s3 =	sld [smem:$0x3FDB];
	s0 =	simm.s32 @p2 $0x1  }
0x17: {  	s4 =	simm.s32 $0x1BF5;
	[smem:$0x3FBB] =	sst s0  }
0x18: {  	s0 =	sld [smem:$0x3F9E];
	_ =	swait.ge [sflag:s4], $0x0  }
0x19: {  	s7 =	sld [smem:$0x3F9F]  }
0x1a: {  	s8 =	sadd.s32 $0xFFFFE003, lr  }
0x1b: {  	s9 =	sadd.s32 $0xFFFFFEF7, lr;
	s5 =	simm.s32 $0xFFFFFFFF;
	p2 =	slt.u32 s8, $0xFFFFF086  }
0x1c: {  	p1 =	slt.u32 s9, $0xF7A;
	s5 =	simm.s32 @!p2 $0x0  }
0x1d: {  	s5 =	simm.s32 @p1 $0x1;
	p0 =	seq.s32 s7, s2  }
0x1e: {  	s7 =	smul.u32 @!p0 $0xF7A, s2;
	p2 =	seq.s32 @!p0 s5, $0x0  }
0x1f: {  	s9 =	smul.u32 $0xF7A, s1;
	s8 =	simm.s32 @!p0 $0x1BF5;
	p2 =	por !p2, p0  }
0x20: {  	[sflag:s8] =	ssyncset.s32 @!p0 $0xFFFFF086;
	s6 =	sadd.s32 @!p0 s3, s7;
	s7 =	simm.s32 @!p0 $0x108  }
0x21: {  	s3 =	sadd.s32 s3, s9;
	s6 =	sadd.s32 @!p0 $0x88, s6;
	s7 =	simm.s32 @p2 $0x1082  }
0x22: {  	[simem:s7], [sflag:s8] =	dma.local @!p0 [hbm:s6], $0xF7A  }
0x23: {  	s9 =	sor.u32 $0xD0000000, s2;
	s6 =	simm.s32 $0x108;
	_ =	swait.ge @!p0 [sflag:s8], $0x0  }
0x24: {  	s3 =	sadd.s32 $0x88, s3;
	s6 =	simm.s32 @!p1 $0x1082;
	[sflag:s4] =	ssyncset.s32 $0xFFFFF086  }
0x25: {  	[simem:s6], [sflag:s4] =	dma.local [hbm:s3], $0xF7A  }
0x26: {  	[smem:$0x3F9F] =	sst s1;
	(tag) =	ssettag s2;
	_ =	strace s9  }
0x27: {  	s1 =	sld [smem:$0x3FAF]  }
0x28: {  	s2 =	sld [smem:$0x3FB0]  }
0x29: {  	s4 =	sld [smem:$0x3FB2]  }
0x2a: {  	p0 =	seq.s32 s5, $0x0;
	s5 =	sld [smem:$0x3FB3]  }
0x2b: {  	s6 =	sld [smem:$0x3FB4]  }
0x2c: {  	s7 =	sld [smem:$0x3FB5]  }
0x2d: {  	s3 =	simm.s32 $0x108;
	s8 =	sld [smem:$0x3FB6]  }
0x2e: {  	s3 =	simm.s32 @!p0 $0x1082;
	s9 =	sld [smem:$0x3FB7]  }
0x2f: {  	lr =	sadd.s32 s0, s3;
	s0 =	sld [smem:$0x3FAE]  }
0x30: {  	s3 =	sld [smem:$0x3FB1]  }
0x31: {  	[smem:$0x3FBA] =	sst s10  }
0x32: {  	s10 =	sld [smem:$0x3FB8];
	_ =	sdelay $0x3  }
0x33: {  	p0 =	seq.s32 s10, $0x1;
	s10 =	sld [smem:$0x3FBA];
	_ =	sdelay $0x3  }
0x34: {  	[smem:$0x3FBA] =	sst s10  }
0x35: {  	s10 =	sld [smem:$0x3FB9];
	_ =	sdelay $0x3  }
0x36: {  	p1 =	seq.s32 s10, $0x1;
	s10 =	sld [smem:$0x3FBA];
	_ =	sdelay $0x3  }
0x37: {  	[smem:$0x3FBA] =	sst s10  }
0x38: {  	s10 =	sld [smem:$0x3FBB]  }
0x39: {  	_ = 	snop;
	(pc) =	sbr.ind lr, $3  }
0x3a: {  	_ = 	snop  }
0x3b: {  	_ = 	snop  }
0x3c: {  	p2 =	seq.s32 s10, $0x1;
	s10 =	sld [smem:$0x3FBA]  }
0x3d: {  	_ =	shalt  }
0x3e: {  	_ =	shalt  }
0x3f: {  	_ =	shalt  }
0x40: {  	_ =	shalt  }
0x41: {  	_ =	shalt  }
0x42: {  	_ =	shalt  }
0x43: {  	_ =	shalt  }
0x44: {  	_ =	shalt  }
0x45: {  	_ =	shalt  }
0x46: {  	_ =	shalt  }
0x47: {  	_ =	shalt  }
0x48: {  	_ =	shalt  }
0x49: {  	_ =	shalt  }
0x4a: {  	_ =	shalt  }
0x4b: {  	_ =	shalt  }
0x4c: {  	_ =	shalt  }
0x4d: {  	_ =	shalt  }
0x4e: {  	_ =	shalt  }
0x4f: {  	_ =	shalt  }
0x50: {  	_ =	shalt  }
0x51: {  	_ =	shalt  }
0x52: {  	_ =	shalt  }
0x53: {  	_ =	shalt  }
0x54: {  	_ =	shalt  }
0x55: {  	_ =	shalt  }
0x56: {  	_ =	shalt  }
0x57: {  	_ =	shalt  }
0x58: {  	_ =	shalt  }
0x59: {  	_ =	shalt  }
0x5a: {  	_ =	shalt  }
0x5b: {  	_ =	shalt  }
0x5c: {  	_ =	shalt  }
0x5d: {  	_ =	shalt  }
0x5e: {  	_ =	shalt  }
0x5f: {  	_ =	shalt  }
0x60: {  	_ =	shalt  }
0x61: {  	_ =	shalt  }
0x62: {  	_ =	shalt  }
0x63: {  	_ =	shalt  }
0x64: {  	_ =	shalt  }
0x65: {  	_ =	shalt  }
0x66: {  	_ =	shalt  }
0x67: {  	_ =	shalt  }
0x68: {  	_ =	shalt  }
0x69: {  	_ =	shalt  }
0x6a: {  	_ =	shalt  }
0x6b: {  	_ =	shalt  }
0x6c: {  	_ =	shalt  }
0x6d: {  	_ =	shalt  }
0x6e: {  	_ =	shalt  }
0x6f: {  	_ =	shalt  }
0x70: {  	_ =	shalt  }
0x71: {  	_ =	shalt  }
0x72: {  	_ =	shalt  }
0x73: {  	_ =	shalt  }
0x74: {  	_ =	shalt  }
0x75: {  	_ =	shalt  }
0x76: {  	_ =	shalt  }
0x77: {  	_ =	shalt  }
0x78: {  	_ =	shalt  }
0x79: {  	_ =	shalt  }
0x7a: {  	_ =	shalt  }
0x7b: {  	_ =	shalt  }
0x7c: {  	_ =	shalt  }
0x7d: {  	_ =	shalt  }
0x7e: {  	_ =	shalt  }
0x7f: {  	_ =	shalt  }
0x80: {  	_ =	shalt  }
0x81: {  	_ =	shalt  }
0x82: {  	_ =	shalt  }
0x83: {  	_ =	shalt  }
0x84: {  	_ =	shalt  }
0x85: {  	_ =	shalt  }
0x86: {  	_ =	shalt  }
0x87: {  	_ =	shalt  }
.Lfunc_end0:
.L_simem_size_0:
called_computation_lowered:
.L_overlay_start_0:
0x88: {  	s2 =	sld [smem:$0x3FD9]  }
0x89: {  	s3 =	sld [smem:$0x3FFE];
	_ =	sdelay $0x1  }
0x8a: {  	s1 =	srdreg.scid  }
0x8b: {  	s0 =	sand.u32 $0x1, s1  }
0x8c: {  	s17 =	sshll.u32 s0, $0xA;
	s2 =	sadd.s32 s3, s2  }
0x8d: {  	s2 =	sadd.s32 s2, s17  }
0x8e: {  	[smem:$0x3FC6] =	sst s2  }
0x8f: {  	_ = 	snop  }
0x90: {  	s2 =	sld [smem:$0x3FC9]  }
0x91: {  	s18 =	sld [smem:$0x3FD0];
	(tm) =	ssettm $0x1  }
0x92: {  	s4 =	sld [smem:$0x3FFB];
	_ =	sdelay $0x3  }
0x93: {  	_ =	strace s4  }
0x94: {  	s4 =	sld [smem:$0x3FFC];
	_ =	sdelay $0x3  }
0x95: {  	_ =	strace s4  }
0x96: {  	s4 =	sld [smem:$0x3FFD];
	_ =	sdelay $0x3  }
0x97: {  	_ =	strace s4  }
0x98: {  	_ =	strace $0x8FFFFFFF  }
0x99: {  	s19 =	sld [smem:$0x3FDB];
	_ =	sdelay $0x1  }
0x9a: {  	s5 =	simm.s32 $_scs_section_size  }
0x9b: {  	s6 =	simm.s32 $_size__tile_overlayer_lowered;
	s7 =	simm.s32 $_tile_overlayer_lowered  }
0x9c: {  	s22 =	simm.s32 $0x1BFF;
	s21 =	sshll.u32 s7, $0x1;
	s4 =	sadd.s32 s5, s19  }
0x9d: {  	s8 =	simm.s32 $0x0;
	s20 =	sshll.u32 s6, $0x1;
	s6 =	sadd.s32 s21, s4  }
0x9e: {  	[timem:s8], [sflag:s22] =	dma.local [hbm:s6], s20  }
0x9f: {  	_ =	swait.ge [sflag:s22], s20  }
0xa0: {  	s5 =	ssub.s32 $0x0, s20;
	[sflag:s22] =	ssyncset.done $0x0  }
0xa1: {  	[sflag:s22] =	ssyncadd.s32 s5;
	_ =	sdelay $0x1  }
0xa2: {  	s23 =	simm.s32 $0x1B8B  }
0xa3: {  	_ =	swait.ge [sflag:s23], $0x1  }
0xa4: {  	[sflag:s23] =	ssyncset.done $0x0  }
0xa5: {  	s25 =	simm.s32 $0x1B8E;
	s24 =	sld [smem:$0x3FFE];
	[sflag:s23] =	ssyncadd.s32 $0xFFFFFFFF  }
0xa6: {  	s26 =	simm.s32 $execute0_lowered;
	[smem:$0x3FD2] =	sst s25  }
0xa7: {  	s6 =	sshll.u32 s26, $0x1;
	_ =	strace $0x80000046;
	[dreg:$0x1] =	wrdreg $0xFFFFFFFF  }
0xa8: {  	s28 =	simm.s32 $_size_execute0_lowered;
	s4 =	sadd.s32 s4, s6;
	[dreg:$0x0] =	wrdreg $0x0  }
0xa9: {  	s6 =	sshll.u32 s28, $0x1;
	[dreg:$0x2] =	wrdreg s4  }
0xaa: {  	[dreg:$0x3] =	wrdreg s6  }
0xab: {  	[dreg:$0x4] =	wrdreg $0xC0  }
0xac: {  	_ =	task [dreg:s8], $0x5FFFF  }
0xad: {  	[dreg:$0x1] =	wrdreg $0xFFFFFFFF  }
0xae: {  	[dreg:$0x0] =	wrdreg $0x60  }
0xaf: {  	[dreg:$0x2] =	wrdreg s24  }
0xb0: {  	[dreg:$0x3] =	wrdreg s2  }
0xb1: {  	[dreg:$0x4] =	wrdreg s18  }
0xb2: {  	[dreg:$0x5] =	wrdreg $0x9  }
0xb3: {  	_ =	task.clear_ibuf [dreg:s8], $0x6FFFF;
	_ =	strace $0x90000046  }
0xb4: {  	s29 =	simm.s32 $0x9;
	_ =	strace $0x80000048  }
0xb5: {  	_ =	swait.ge [sflag:s29], $0x1  }
0xb6: {  	[sflag:s29] =	ssyncadd.s32 $0xFFFFFFFF  }
0xb7: {  	_ =	strace $0x90000048  }
0xb8: {  	_ =	sfence  }
0xb9: {  	s30 =	sld [smem:$0x0];
	_ =	sdelay $0x2  }
0xba: {  	s31 =	sshll.u32 s1, $0xD;
	s1 =	sshrl.u32 s1, $0x2  }
0xbb: {  	s3 =	sand.u32 $0x4000, s31;
	s1 =	sadd.s32 s1, s30  }
0xbc: {  	s0 =	sor.u32 s3, s0;
	s1 =	sshll.u32 s1, $0x11  }
0xbd: {  	s0 =	sor.u32 s1, s0  }
0xbe: {  	s0 =	sadd.s32 $0x8F2B, s0  }
0xbf: {  	[sflag:s0] =	ssyncadd.remote.s32 $0x1  }
0xc0: {  	_ =	sfence.sel $0xFFFF  }
0xc1: {  	[dreg:$0x0] =	wrdreg $0xFFFFFFFF;
	(pc) =	sbr.abs _section_cstart, $3  }
0xc2: {  	[dreg:$0x1] =	wrdreg $0xFFFFFFFF  }
0xc3: {  	_ =	task.clear_ibuf [dreg:s8], $0x2FFFF;
	_ =	strace $0x9FFFFFFF  }
0xc4: {  	(tm) =	ssettm $0x7FFFFFFF  }
0xc5: {  	_ =	shalt  }
tec
execute0_lowered:
.L_overlay_start_1:
0x0: {  	(tag) =	ssettag $0x1  }
0x1: {  	s1 =	rddreg [dreg:$0x0]  }
0x2: {  	s3 =	rddreg [dreg:$0x1];
	s2 =	srdreg.scid  }
0x3: {  	s0 =	stileid.u32;
	s4 =	rddreg [dreg:$0x2];
	s6 =	simm.s32 $0x0  }
0x4: {  	s14 =	simm.s32 $0x5;
	s15 =	simm.s32 $0x100;
	s16 =	simm.s32 $0x900  }
0x5: {  	s17 =	simm.s32 $0x1;
	s18 =	simm.s32 $0x1100;
	s19 =	simm.s32 $0x5100  }
0x6: {  	s20 =	simm.s32 $0x2;
	s21 =	simm.s32 $0x9100;
	s22 =	simm.s32 $0xD100  }
0x7: {  	s23 =	simm.s32 $0x3;
	s24 =	simm.s32 $0x4;
	s25 =	simm.s32 $0x0  }
0x8: {  	s2 =	sand.u32 $0x1, s2;
	s5 =	sshll.u32 s0, $0x1;
	[smem:$0x7FF] =	sst s6  }
.Ltmp0:
0x9: {  	s11 =	sadd.s32 $0x61A800, s4;
	s5 =	sor.u32 s2, s5;
	(pc) =	sbr.rel .LBB2_1-.Ltmp0, $4  }
0xa: {  	s2 =	ssub.s32 $0x2, s2;
	_ =	strace $0x80000047;
	s7 =	sshll.u32 s5, $0x8  }
0xb: {  	s8 =	sshrl.u32 s2, $0x1;
	s9 =	sor.u32 $0x40, s5;
	s10 =	sor.u32 $0x60, s5  }
0xc: {  	s12 =	sor.u32 $0xC20, s5;
	s7 =	sadd.s32 s3, s7;
	s2 =	ssub.s32 s2, s8  }
0xd: {  	s12 =	smin.u32 s12, $0xC34;
	s8 =	sadd.s32 $0x2000, s7;
	s13 =	smax.u32 s2, $0x1  }
.LBB2_10:
0xe: {  	_ =	swait.ge [sflag:s23], $0x4000  }
0xf: {  	[sflag:s23] =	ssyncset.done $0x0  }
0x10: {  	[sflag:s23] =	ssyncadd.s32 $0xFFFFC000  }
0x11: {  	_ =	swait.ge [sflag:s23], $0x4000  }
0x12: {  	[sflag:s23] =	ssyncset.done $0x0  }
0x13: {  	s25 =	sadd.s32 $0x1, s25;
	[sflag:s23] =	ssyncadd.s32 $0xFFFFC000  }
0x14: {  	p0 =	sne.s32 s25, s13;
	_ =	swait.ge [sflag:s24], $0x4000  }
.Ltmp1:
0x15: {  	[sflag:s24] =	ssyncset.done $0x0;
	(pc) =	sbr.rel @!p0 .LBB2_11-.Ltmp1, $4  }
0x16: {  	[sflag:s24] =	ssyncadd.s32 $0xFFFFC000  }
0x17: {  	_ =	swait.ge [sflag:s24], $0x4000  }
0x18: {  	[sflag:s24] =	ssyncset.done $0x0  }
0x19: {  	[sflag:s24] =	ssyncadd.s32 $0xFFFFC000  }
.LBB2_1:
0x1a: {  	[tilespmem:s6], [sflag:$0x5] =	stream.linear.gather [hbm4b:s1+s6], $0x100, $0x38;
	[tilespmem:$0x11100] =	vst v63  }
0x1b: {  	_ =	swait.ge [sflag:s14], $0x100  }
0x1c: {  	[sflag:s14] =	ssyncset.done $0x0  }
0x1d: {  	[sflag:s14] =	ssyncadd.s32 $0xFFFFFF00  }
0x1e: {  	v0 =	vld [tilespmem:$0x0]  }
0x1f: {  	v1 =	vld [tilespmem:$0x10]  }
0x20: {  	v2 =	vld [tilespmem:$0x20]  }
0x21: {  	v3 =	vld [tilespmem:$0x30]  }
0x22: {  	v4 =	vld [tilespmem:$0x40]  }
0x23: {  	v5 =	vld [tilespmem:$0x50]  }
0x24: {  	v6 =	vld [tilespmem:$0x60]  }
0x25: {  	v7 =	vld [tilespmem:$0x70]  }
0x26: {  	v8 =	vld [tilespmem:$0x80]  }
0x27: {  	v9 =	vld [tilespmem:$0x90]  }
0x28: {  	v10 =	vld [tilespmem:$0xA0]  }
0x29: {  	v11 =	vld [tilespmem:$0xB0]  }
0x2a: {  	v12 =	vld [tilespmem:$0xC0]  }
0x2b: {  	v13 =	vld [tilespmem:$0xD0]  }
0x2c: {  	v14 =	vld [tilespmem:$0xE0]  }
0x2d: {  	v15 =	vld [tilespmem:$0xF0];
	[tilespmem:s15], [sflag:$0x1] =	stream.linear.gather [hbm4b:s7+s6], $0x800, $0x38  }
0x2e: {  	s26 =	simm.s32 $0x0  }
0x2f: {  	[tilespmem:s16], [sflag:$0x2] =	stream.linear.gather [hbm4b:s8+s6], $0x800, $0x38;
	[tilespmem:$0x11100] =	vst v63  }
.LBB2_2:
0x30: {  	p0 =	seq.s32 s26, $0x0  }
0x31: {  	s2 =	simm.s32 @!p0 $0x3  }
0x32: {  	_ =	swait.ge @!p0 [sflag:s2], $0x4000  }
0x33: {  	[sflag:s2] =	ssyncset.done @!p0 $0x0  }
0x34: {  	[sflag:s2] =	ssyncadd.s32 @!p0 $0xFFFFC000  }
0x35: {  	_ =	swait.ge @!p0 [sflag:s2], $0x4000  }
0x36: {  	[sflag:s2] =	ssyncset.done @!p0 $0x0  }
0x37: {  	[sflag:s2] =	ssyncadd.s32 @!p0 $0xFFFFC000  }
0x38: {  	_ =	swait.ge [sflag:s17], $0x800  }
0x39: {  	s28 =	sshll.u32 s26, $0x6;
	s30 =	simm.s32 $0x0;
	[sflag:s17] =	ssyncset.done $0x0  }
0x3a: {  	s31 =	simm.s32 $0x140;
	s29 =	sor.u32 s5, s28;
	[sflag:s17] =	ssyncadd.s32 $0xFFFFF800  }
.LBB2_3:
0x3b: {  	v16 =	vld [tilespmem:s31+$0xFFFFFFC0];
	_ =	sdelay $0x4  }
0x3c: {  	v17 =	vperm.xlane v0, v16  }
0x3d: {  	s2 =	sshra.s32 s30, $0x2;
	v18 =	vperm.xlane v1, v16  }
0x3e: {  	[tilespmem:s2+$0x1100] =	vst v17;
	v17 =	vperm.xlane v2, v16  }
0x3f: {  	v52 =	vperm.xlane v3, v16;
	[tilespmem:s2+$0x1180] =	vst v18  }
0x40: {  	[tilespmem:s2+$0x1200] =	vst v17;
	v17 =	vperm.xlane v4, v16  }
0x41: {  	v53 =	vperm.xlane v5, v16;
	[tilespmem:s2+$0x1280] =	vst v52  }
0x42: {  	[tilespmem:s2+$0x1300] =	vst v17;
	v17 =	vperm.xlane v6, v16  }
0x43: {  	v54 =	vperm.xlane v7, v16;
	[tilespmem:s2+$0x1380] =	vst v53  }
0x44: {  	[tilespmem:s2+$0x1400] =	vst v17;
	v17 =	vperm.xlane v8, v16  }
0x45: {  	v55 =	vperm.xlane v9, v16;
	[tilespmem:s2+$0x1480] =	vst v54  }
0x46: {  	[tilespmem:s2+$0x5100] =	vst v17;
	v17 =	vperm.xlane v10, v16  }
0x47: {  	v56 =	vperm.xlane v11, v16;
	[tilespmem:s2+$0x5180] =	vst v55  }
0x48: {  	[tilespmem:s2+$0x5200] =	vst v17;
	v17 =	vperm.xlane v12, v16  }
0x49: {  	v57 =	vperm.xlane v13, v16;
	[tilespmem:s2+$0x5280] =	vst v56  }
0x4a: {  	[tilespmem:s2+$0x5300] =	vst v17;
	v17 =	vperm.xlane v14, v16  }
0x4b: {  	[tilespmem:s2+$0x5380] =	vst v57;
	v16 =	vperm.xlane v15, v16  }
0x4c: {  	[tilespmem:s2+$0x5400] =	vst v17  }
0x4d: {  	[tilespmem:s2+$0x5480] =	vst v16  }
0x4e: {  	v16 =	vld [tilespmem:s31+$0xFFFFFFD0];
	_ =	sdelay $0x4  }
0x4f: {  	v17 =	vperm.xlane v0, v16  }
0x50: {  	v58 =	vperm.xlane v1, v16  }
0x51: {  	[tilespmem:s2+$0x1110] =	vst v17;
	v17 =	vperm.xlane v2, v16  }
0x52: {  	v59 =	vperm.xlane v3, v16;
	[tilespmem:s2+$0x1190] =	vst v58  }
0x53: {  	[tilespmem:s2+$0x1210] =	vst v17;
	v17 =	vperm.xlane v4, v16  }
0x54: {  	v60 =	vperm.xlane v5, v16;
	[tilespmem:s2+$0x1290] =	vst v59  }
0x55: {  	[tilespmem:s2+$0x1310] =	vst v17;
	v17 =	vperm.xlane v6, v16  }
0x56: {  	v61 =	vperm.xlane v7, v16;
	[tilespmem:s2+$0x1390] =	vst v60  }
0x57: {  	[tilespmem:s2+$0x1410] =	vst v17;
	v17 =	vperm.xlane v8, v16  }
0x58: {  	v62 =	vperm.xlane v9, v16;
	[tilespmem:s2+$0x1490] =	vst v61  }
0x59: {  	[tilespmem:s2+$0x5110] =	vst v17;
	v17 =	vperm.xlane v10, v16  }
0x5a: {  	v63 =	vperm.xlane v11, v16;
	[tilespmem:s2+$0x5190] =	vst v62  }
0x5b: {  	[tilespmem:s2+$0x5210] =	vst v17;
	v17 =	vperm.xlane v12, v16  }
0x5c: {  	v21 =	vperm.xlane v13, v16;
	[tilespmem:s2+$0x5290] =	vst v63  }
0x5d: {  	[tilespmem:s2+$0x5310] =	vst v17;
	v17 =	vperm.xlane v14, v16  }
0x5e: {  	[tilespmem:s2+$0x5390] =	vst v21;
	v16 =	vperm.xlane v15, v16  }
0x5f: {  	[tilespmem:s2+$0x5410] =	vst v17  }
0x60: {  	[tilespmem:s2+$0x5490] =	vst v16  }
0x61: {  	v16 =	vld [tilespmem:s31+$0xFFFFFFE0];
	_ =	sdelay $0x4  }
0x62: {  	v17 =	vperm.xlane v0, v16  }
0x63: {  	v22 =	vperm.xlane v1, v16  }
0x64: {  	[tilespmem:s2+$0x1120] =	vst v17;
	v17 =	vperm.xlane v2, v16  }
0x65: {  	v23 =	vperm.xlane v3, v16;
	[tilespmem:s2+$0x11A0] =	vst v22  }
0x66: {  	[tilespmem:s2+$0x1220] =	vst v17;
	v17 =	vperm.xlane v4, v16  }
0x67: {  	v24 =	vperm.xlane v5, v16;
	[tilespmem:s2+$0x12A0] =	vst v23  }
0x68: {  	[tilespmem:s2+$0x1320] =	vst v17;
	v17 =	vperm.xlane v6, v16  }
0x69: {  	v25 =	vperm.xlane v7, v16;
	[tilespmem:s2+$0x13A0] =	vst v24  }
0x6a: {  	[tilespmem:s2+$0x1420] =	vst v17;
	v17 =	vperm.xlane v8, v16  }
0x6b: {  	v26 =	vperm.xlane v9, v16;
	[tilespmem:s2+$0x14A0] =	vst v25  }
0x6c: {  	[tilespmem:s2+$0x5120] =	vst v17;
	v17 =	vperm.xlane v10, v16  }
0x6d: {  	v27 =	vperm.xlane v11, v16;
	[tilespmem:s2+$0x51A0] =	vst v26  }
0x6e: {  	[tilespmem:s2+$0x5220] =	vst v17;
	v17 =	vperm.xlane v12, v16  }
0x6f: {  	v28 =	vperm.xlane v13, v16;
	[tilespmem:s2+$0x52A0] =	vst v27  }
0x70: {  	[tilespmem:s2+$0x5320] =	vst v17;
	v17 =	vperm.xlane v14, v16  }
0x71: {  	[tilespmem:s2+$0x53A0] =	vst v28;
	v16 =	vperm.xlane v15, v16  }
0x72: {  	[tilespmem:s2+$0x5420] =	vst v17  }
0x73: {  	[tilespmem:s2+$0x54A0] =	vst v16  }
0x74: {  	v16 =	vld [tilespmem:s31+$0xFFFFFFF0];
	_ =	sdelay $0x4  }
0x75: {  	v17 =	vperm.xlane v0, v16  }
0x76: {  	v29 =	vperm.xlane v1, v16  }
0x77: {  	[tilespmem:s2+$0x1130] =	vst v17;
	v17 =	vperm.xlane v2, v16  }
0x78: {  	v30 =	vperm.xlane v3, v16;
	[tilespmem:s2+$0x11B0] =	vst v29  }
0x79: {  	[tilespmem:s2+$0x1230] =	vst v17;
	v17 =	vperm.xlane v4, v16  }
0x7a: {  	v31 =	vperm.xlane v5, v16;
	[tilespmem:s2+$0x12B0] =	vst v30  }
0x7b: {  	[tilespmem:s2+$0x1330] =	vst v17;
	v17 =	vperm.xlane v6, v16  }
0x7c: {  	v32 =	vperm.xlane v7, v16;
	[tilespmem:s2+$0x13B0] =	vst v31  }
0x7d: {  	[tilespmem:s2+$0x1430] =	vst v17;
	v17 =	vperm.xlane v8, v16  }
0x7e: {  	v33 =	vperm.xlane v9, v16;
	[tilespmem:s2+$0x14B0] =	vst v32  }
0x7f: {  	[tilespmem:s2+$0x5130] =	vst v17;
	v17 =	vperm.xlane v10, v16  }
0x80: {  	v34 =	vperm.xlane v11, v16;
	[tilespmem:s2+$0x51B0] =	vst v33  }
0x81: {  	[tilespmem:s2+$0x5230] =	vst v17;
	v17 =	vperm.xlane v12, v16  }
0x82: {  	v35 =	vperm.xlane v13, v16;
	[tilespmem:s2+$0x52B0] =	vst v34  }
0x83: {  	[tilespmem:s2+$0x5330] =	vst v17;
	v17 =	vperm.xlane v14, v16  }
0x84: {  	[tilespmem:s2+$0x53B0] =	vst v35;
	v16 =	vperm.xlane v15, v16  }
0x85: {  	[tilespmem:s2+$0x5430] =	vst v17  }
0x86: {  	[tilespmem:s2+$0x54B0] =	vst v16  }
0x87: {  	v16 =	vld [tilespmem:s31+$0x0];
	_ =	sdelay $0x4  }
0x88: {  	v17 =	vperm.xlane v0, v16  }
0x89: {  	v36 =	vperm.xlane v1, v16  }
0x8a: {  	[tilespmem:s2+$0x1140] =	vst v17;
	v17 =	vperm.xlane v2, v16  }
0x8b: {  	v37 =	vperm.xlane v3, v16;
	[tilespmem:s2+$0x11C0] =	vst v36  }
0x8c: {  	[tilespmem:s2+$0x1240] =	vst v17;
	v17 =	vperm.xlane v4, v16  }
0x8d: {  	v38 =	vperm.xlane v5, v16;
	[tilespmem:s2+$0x12C0] =	vst v37  }
0x8e: {  	[tilespmem:s2+$0x1340] =	vst v17;
	v17 =	vperm.xlane v6, v16  }
0x8f: {  	v39 =	vperm.xlane v7, v16;
	[tilespmem:s2+$0x13C0] =	vst v38  }
0x90: {  	[tilespmem:s2+$0x1440] =	vst v17;
	v17 =	vperm.xlane v8, v16  }
0x91: {  	v40 =	vperm.xlane v9, v16;
	[tilespmem:s2+$0x14C0] =	vst v39  }
0x92: {  	[tilespmem:s2+$0x5140] =	vst v17;
	v17 =	vperm.xlane v10, v16  }
0x93: {  	v41 =	vperm.xlane v11, v16;
	[tilespmem:s2+$0x51C0] =	vst v40  }
0x94: {  	[tilespmem:s2+$0x5240] =	vst v17;
	v17 =	vperm.xlane v12, v16  }
0x95: {  	v42 =	vperm.xlane v13, v16;
	[tilespmem:s2+$0x52C0] =	vst v41  }
0x96: {  	[tilespmem:s2+$0x5340] =	vst v17;
	v17 =	vperm.xlane v14, v16  }
0x97: {  	[tilespmem:s2+$0x53C0] =	vst v42;
	v16 =	vperm.xlane v15, v16  }
0x98: {  	[tilespmem:s2+$0x5440] =	vst v17  }
0x99: {  	[tilespmem:s2+$0x54C0] =	vst v16  }
0x9a: {  	v16 =	vld [tilespmem:s31+$0x10];
	_ =	sdelay $0x4  }
0x9b: {  	v17 =	vperm.xlane v0, v16  }
0x9c: {  	v43 =	vperm.xlane v1, v16  }
0x9d: {  	[tilespmem:s2+$0x1150] =	vst v17;
	v17 =	vperm.xlane v2, v16  }
0x9e: {  	v44 =	vperm.xlane v3, v16;
	[tilespmem:s2+$0x11D0] =	vst v43  }
0x9f: {  	[tilespmem:s2+$0x1250] =	vst v17;
	v17 =	vperm.xlane v4, v16  }
0xa0: {  	v45 =	vperm.xlane v5, v16;
	[tilespmem:s2+$0x12D0] =	vst v44  }
0xa1: {  	[tilespmem:s2+$0x1350] =	vst v17;
	v17 =	vperm.xlane v6, v16  }
0xa2: {  	v46 =	vperm.xlane v7, v16;
	[tilespmem:s2+$0x13D0] =	vst v45  }
0xa3: {  	[tilespmem:s2+$0x1450] =	vst v17;
	v17 =	vperm.xlane v8, v16  }
0xa4: {  	v47 =	vperm.xlane v9, v16;
	[tilespmem:s2+$0x14D0] =	vst v46  }
0xa5: {  	[tilespmem:s2+$0x5150] =	vst v17;
	v17 =	vperm.xlane v10, v16  }
0xa6: {  	v48 =	vperm.xlane v11, v16;
	[tilespmem:s2+$0x51D0] =	vst v47  }
0xa7: {  	[tilespmem:s2+$0x5250] =	vst v17;
	v17 =	vperm.xlane v12, v16  }
0xa8: {  	v49 =	vperm.xlane v13, v16;
	[tilespmem:s2+$0x52D0] =	vst v48  }
0xa9: {  	[tilespmem:s2+$0x5350] =	vst v17;
	v17 =	vperm.xlane v14, v16  }
0xaa: {  	[tilespmem:s2+$0x53D0] =	vst v49;
	v16 =	vperm.xlane v15, v16  }
0xab: {  	[tilespmem:s2+$0x5450] =	vst v17  }
0xac: {  	[tilespmem:s2+$0x54D0] =	vst v16  }
0xad: {  	v16 =	vld [tilespmem:s31+$0x20];
	_ =	sdelay $0x4  }
0xae: {  	v17 =	vperm.xlane v0, v16  }
0xaf: {  	v50 =	vperm.xlane v1, v16  }
0xb0: {  	[tilespmem:s2+$0x1160] =	vst v17;
	v17 =	vperm.xlane v2, v16  }
0xb1: {  	v51 =	vperm.xlane v3, v16;
	[tilespmem:s2+$0x11E0] =	vst v50  }
0xb2: {  	[tilespmem:s2+$0x1260] =	vst v17;
	v17 =	vperm.xlane v4, v16  }
0xb3: {  	v52 =	vperm.xlane v5, v16;
	[tilespmem:s2+$0x12E0] =	vst v51  }
0xb4: {  	[tilespmem:s2+$0x1360] =	vst v17;
	v17 =	vperm.xlane v6, v16  }
0xb5: {  	v53 =	vperm.xlane v7, v16;
	[tilespmem:s2+$0x13E0] =	vst v52  }
0xb6: {  	[tilespmem:s2+$0x1460] =	vst v17;
	v17 =	vperm.xlane v8, v16  }
0xb7: {  	v54 =	vperm.xlane v9, v16;
	[tilespmem:s2+$0x14E0] =	vst v53  }
0xb8: {  	[tilespmem:s2+$0x5160] =	vst v17;
	v17 =	vperm.xlane v10, v16  }
0xb9: {  	v55 =	vperm.xlane v11, v16;
	[tilespmem:s2+$0x51E0] =	vst v54  }
0xba: {  	[tilespmem:s2+$0x5260] =	vst v17;
	v17 =	vperm.xlane v12, v16  }
0xbb: {  	v56 =	vperm.xlane v13, v16;
	[tilespmem:s2+$0x52E0] =	vst v55  }
0xbc: {  	[tilespmem:s2+$0x5360] =	vst v17;
	v17 =	vperm.xlane v14, v16  }
0xbd: {  	[tilespmem:s2+$0x53E0] =	vst v56;
	v16 =	vperm.xlane v15, v16  }
0xbe: {  	[tilespmem:s2+$0x5460] =	vst v17  }
0xbf: {  	[tilespmem:s2+$0x54E0] =	vst v16  }
0xc0: {  	v16 =	vld [tilespmem:s31+$0x30];
	_ =	sdelay $0x4  }
0xc1: {  	v17 =	vperm.xlane v0, v16  }
0xc2: {  	v57 =	vperm.xlane v1, v16  }
0xc3: {  	[tilespmem:s2+$0x1170] =	vst v17;
	v17 =	vperm.xlane v2, v16  }
0xc4: {  	v58 =	vperm.xlane v3, v16;
	[tilespmem:s2+$0x11F0] =	vst v57  }
0xc5: {  	[tilespmem:s2+$0x1270] =	vst v17;
	v17 =	vperm.xlane v4, v16  }
0xc6: {  	v59 =	vperm.xlane v5, v16;
	[tilespmem:s2+$0x12F0] =	vst v58  }
0xc7: {  	[tilespmem:s2+$0x1370] =	vst v17;
	v17 =	vperm.xlane v6, v16  }
0xc8: {  	v60 =	vperm.xlane v7, v16;
	[tilespmem:s2+$0x13F0] =	vst v59  }
0xc9: {  	[tilespmem:s2+$0x1470] =	vst v17;
	v17 =	vperm.xlane v8, v16  }
0xca: {  	v61 =	vperm.xlane v9, v16;
	[tilespmem:s2+$0x14F0] =	vst v60  }
0xcb: {  	[tilespmem:s2+$0x5170] =	vst v17;
	v17 =	vperm.xlane v10, v16  }
0xcc: {  	v62 =	vperm.xlane v11, v16;
	[tilespmem:s2+$0x51F0] =	vst v61  }
0xcd: {  	p0 =	sne.s32 s30, $0xF000;
	[tilespmem:s2+$0x5270] =	vst v17;
	v17 =	vperm.xlane v12, v16  }
.Ltmp2:
0xce: {  	v63 =	vperm.xlane v13, v16;
	[tilespmem:s2+$0x52F0] =	vst v62;
	(pc) =	sbr.rel @p0 .LBB2_3-.Ltmp2, $4  }
0xcf: {  	[tilespmem:s2+$0x5370] =	vst v17;
	v17 =	vperm.xlane v14, v16  }
0xd0: {  	[tilespmem:s2+$0x53F0] =	vst v63;
	v16 =	vperm.xlane v15, v16  }
0xd1: {  	[tilespmem:s2+$0x5470] =	vst v17  }
0xd2: {  	s30 =	sadd.s32 $0x1000, s30;
	s31 =	sadd.s32 $0x80, s31;
	[tilespmem:s2+$0x54F0] =	vst v16  }
0xd3: {  	s2 =	sshll.u32 s29, $0xB  }
0xd4: {  	s30 =	sadd.s32 s4, s2  }
0xd5: {  	[hbm4b:s30+s6] =	stream.linear.scatter [tilespmem:s18], [sflag:$0x3], $0x4000, $0x38;
	[tilespmem:$0x11100] =	vst v63  }
0xd6: {  	p0 =	seq.s32 s26, $0x30;
	s2 =	sadd.s32 s2, s11  }
0xd7: {  	[hbm4b:s2+s6] =	stream.linear.scatter [tilespmem:s19], [sflag:$0x3], $0x4000, $0x38;
	[tilespmem:$0x11100] =	vst v63  }
0xd8: {  	p1 =	seq.s32 @!p0 s26, $0x0;
	s2 =	sadd.s32 @!p0 s9, s28  }
0xd9: {  	p1 =	por p0, !p1;
	s2 =	smin.u32 @!p0 s2, $0xC34  }
.Ltmp3:
0xda: {  	s2 =	sshll.u32 @!p0 s2, $0x8;
	(pc) =	sbr.rel @!p1 .LBB2_6-.Ltmp3, $4  }
0xdb: {  	s31 =	simm.s32 @!p0 $0x100;
	s30 =	simm.s32 @!p0 $0x0;
	s2 =	sadd.s32 @!p0 s3, s2  }
0xdc: {  	[tilespmem:s31], [sflag:$0x1] =	stream.linear.gather @!p0 [hbm4b:s2+s30], $0x800, $0x38;
	[tilespmem:$0x11100] =	vst v63  }
0xdd: {  	s2 =	sor.u32 @!p0 $0x20, s29  }
0xde: {  	s29 =	smin.u32 @!p0 s2, $0xC34  }
0xdf: {  	_ =	swait.ge [sflag:s24], $0x4000  }
0xe0: {  	[sflag:s24] =	ssyncset.done $0x0  }
0xe1: {  	[sflag:s24] =	ssyncadd.s32 $0xFFFFC000  }
0xe2: {  	_ =	swait.ge [sflag:s24], $0x4000  }
0xe3: {  	[sflag:s24] =	ssyncset.done $0x0  }
0xe4: {  	s29 =	smov.u32 @p0 s12;
	[sflag:s24] =	ssyncadd.s32 $0xFFFFC000  }
.LBB2_6:
0xe5: {  	_ =	swait.ge [sflag:s20], $0x800  }
0xe6: {  	[sflag:s20] =	ssyncset.done $0x0  }
0xe7: {  	s30 =	simm.s32 $0x0;
	s31 =	simm.s32 $0x940;
	[sflag:s20] =	ssyncadd.s32 $0xFFFFF800  }
.LBB2_7:
0xe8: {  	v16 =	vld [tilespmem:s31+$0xFFFFFFC0];
	_ =	sdelay $0x4  }
0xe9: {  	v17 =	vperm.xlane v0, v16  }
0xea: {  	s2 =	sshra.s32 s30, $0x2;
	v18 =	vperm.xlane v1, v16  }
0xeb: {  	[tilespmem:s2+$0x9100] =	vst v17;
	v17 =	vperm.xlane v2, v16  }
0xec: {  	v52 =	vperm.xlane v3, v16;
	[tilespmem:s2+$0x9180] =	vst v18  }
0xed: {  	[tilespmem:s2+$0x9200] =	vst v17;
	v17 =	vperm.xlane v4, v16  }
0xee: {  	v53 =	vperm.xlane v5, v16;
	[tilespmem:s2+$0x9280] =	vst v52  }
0xef: {  	[tilespmem:s2+$0x9300] =	vst v17;
	v17 =	vperm.xlane v6, v16  }
0xf0: {  	v54 =	vperm.xlane v7, v16;
	[tilespmem:s2+$0x9380] =	vst v53  }
0xf1: {  	[tilespmem:s2+$0x9400] =	vst v17;
	v17 =	vperm.xlane v8, v16  }
0xf2: {  	v55 =	vperm.xlane v9, v16;
	[tilespmem:s2+$0x9480] =	vst v54  }
0xf3: {  	[tilespmem:s2+$0xD100] =	vst v17;
	v17 =	vperm.xlane v10, v16  }
0xf4: {  	v56 =	vperm.xlane v11, v16;
	[tilespmem:s2+$0xD180] =	vst v55  }
0xf5: {  	[tilespmem:s2+$0xD200] =	vst v17;
	v17 =	vperm.xlane v12, v16  }
0xf6: {  	v57 =	vperm.xlane v13, v16;
	[tilespmem:s2+$0xD280] =	vst v56  }
0xf7: {  	[tilespmem:s2+$0xD300] =	vst v17;
	v17 =	vperm.xlane v14, v16  }
0xf8: {  	[tilespmem:s2+$0xD380] =	vst v57;
	v16 =	vperm.xlane v15, v16  }
0xf9: {  	[tilespmem:s2+$0xD400] =	vst v17  }
0xfa: {  	[tilespmem:s2+$0xD480] =	vst v16  }
0xfb: {  	v16 =	vld [tilespmem:s31+$0xFFFFFFD0];
	_ =	sdelay $0x4  }
0xfc: {  	v17 =	vperm.xlane v0, v16  }
0xfd: {  	v58 =	vperm.xlane v1, v16  }
0xfe: {  	[tilespmem:s2+$0x9110] =	vst v17;
	v17 =	vperm.xlane v2, v16  }
0xff: {  	v59 =	vperm.xlane v3, v16;
	[tilespmem:s2+$0x9190] =	vst v58  }
0x100: {  	[tilespmem:s2+$0x9210] =	vst v17;
	v17 =	vperm.xlane v4, v16  }
0x101: {  	v60 =	vperm.xlane v5, v16;
	[tilespmem:s2+$0x9290] =	vst v59  }
0x102: {  	[tilespmem:s2+$0x9310] =	vst v17;
	v17 =	vperm.xlane v6, v16  }
0x103: {  	v61 =	vperm.xlane v7, v16;
	[tilespmem:s2+$0x9390] =	vst v60  }
0x104: {  	[tilespmem:s2+$0x9410] =	vst v17;
	v17 =	vperm.xlane v8, v16  }
0x105: {  	v62 =	vperm.xlane v9, v16;
	[tilespmem:s2+$0x9490] =	vst v61  }
0x106: {  	[tilespmem:s2+$0xD110] =	vst v17;
	v17 =	vperm.xlane v10, v16  }
0x107: {  	v63 =	vperm.xlane v11, v16;
	[tilespmem:s2+$0xD190] =	vst v62  }
0x108: {  	[tilespmem:s2+$0xD210] =	vst v17;
	v17 =	vperm.xlane v12, v16  }
0x109: {  	v21 =	vperm.xlane v13, v16;
	[tilespmem:s2+$0xD290] =	vst v63  }
0x10a: {  	[tilespmem:s2+$0xD310] =	vst v17;
	v17 =	vperm.xlane v14, v16  }
0x10b: {  	[tilespmem:s2+$0xD390] =	vst v21;
	v16 =	vperm.xlane v15, v16  }
0x10c: {  	[tilespmem:s2+$0xD410] =	vst v17  }
0x10d: {  	[tilespmem:s2+$0xD490] =	vst v16  }
0x10e: {  	v16 =	vld [tilespmem:s31+$0xFFFFFFE0];
	_ =	sdelay $0x4  }
0x10f: {  	v17 =	vperm.xlane v0, v16  }
0x110: {  	v22 =	vperm.xlane v1, v16  }
0x111: {  	[tilespmem:s2+$0x9120] =	vst v17;
	v17 =	vperm.xlane v2, v16  }
0x112: {  	v23 =	vperm.xlane v3, v16;
	[tilespmem:s2+$0x91A0] =	vst v22  }
0x113: {  	[tilespmem:s2+$0x9220] =	vst v17;
	v17 =	vperm.xlane v4, v16  }
0x114: {  	v24 =	vperm.xlane v5, v16;
	[tilespmem:s2+$0x92A0] =	vst v23  }
0x115: {  	[tilespmem:s2+$0x9320] =	vst v17;
	v17 =	vperm.xlane v6, v16  }
0x116: {  	v25 =	vperm.xlane v7, v16;
	[tilespmem:s2+$0x93A0] =	vst v24  }
0x117: {  	[tilespmem:s2+$0x9420] =	vst v17;
	v17 =	vperm.xlane v8, v16  }
0x118: {  	v26 =	vperm.xlane v9, v16;
	[tilespmem:s2+$0x94A0] =	vst v25  }
0x119: {  	[tilespmem:s2+$0xD120] =	vst v17;
	v17 =	vperm.xlane v10, v16  }
0x11a: {  	v27 =	vperm.xlane v11, v16;
	[tilespmem:s2+$0xD1A0] =	vst v26  }
0x11b: {  	[tilespmem:s2+$0xD220] =	vst v17;
	v17 =	vperm.xlane v12, v16  }
0x11c: {  	v28 =	vperm.xlane v13, v16;
	[tilespmem:s2+$0xD2A0] =	vst v27  }
0x11d: {  	[tilespmem:s2+$0xD320] =	vst v17;
	v17 =	vperm.xlane v14, v16  }
0x11e: {  	[tilespmem:s2+$0xD3A0] =	vst v28;
	v16 =	vperm.xlane v15, v16  }
0x11f: {  	[tilespmem:s2+$0xD420] =	vst v17  }
0x120: {  	[tilespmem:s2+$0xD4A0] =	vst v16  }
0x121: {  	v16 =	vld [tilespmem:s31+$0xFFFFFFF0];
	_ =	sdelay $0x4  }
0x122: {  	v17 =	vperm.xlane v0, v16  }
0x123: {  	v29 =	vperm.xlane v1, v16  }
0x124: {  	[tilespmem:s2+$0x9130] =	vst v17;
	v17 =	vperm.xlane v2, v16  }
0x125: {  	v30 =	vperm.xlane v3, v16;
	[tilespmem:s2+$0x91B0] =	vst v29  }
0x126: {  	[tilespmem:s2+$0x9230] =	vst v17;
	v17 =	vperm.xlane v4, v16  }
0x127: {  	v31 =	vperm.xlane v5, v16;
	[tilespmem:s2+$0x92B0] =	vst v30  }
0x128: {  	[tilespmem:s2+$0x9330] =	vst v17;
	v17 =	vperm.xlane v6, v16  }
0x129: {  	v32 =	vperm.xlane v7, v16;
	[tilespmem:s2+$0x93B0] =	vst v31  }
0x12a: {  	[tilespmem:s2+$0x9430] =	vst v17;
	v17 =	vperm.xlane v8, v16  }
0x12b: {  	v33 =	vperm.xlane v9, v16;
	[tilespmem:s2+$0x94B0] =	vst v32  }
0x12c: {  	[tilespmem:s2+$0xD130] =	vst v17;
	v17 =	vperm.xlane v10, v16  }
0x12d: {  	v34 =	vperm.xlane v11, v16;
	[tilespmem:s2+$0xD1B0] =	vst v33  }
0x12e: {  	[tilespmem:s2+$0xD230] =	vst v17;
	v17 =	vperm.xlane v12, v16  }
0x12f: {  	v35 =	vperm.xlane v13, v16;
	[tilespmem:s2+$0xD2B0] =	vst v34  }
0x130: {  	[tilespmem:s2+$0xD330] =	vst v17;
	v17 =	vperm.xlane v14, v16  }
0x131: {  	[tilespmem:s2+$0xD3B0] =	vst v35;
	v16 =	vperm.xlane v15, v16  }
0x132: {  	[tilespmem:s2+$0xD430] =	vst v17  }
0x133: {  	[tilespmem:s2+$0xD4B0] =	vst v16  }
0x134: {  	v16 =	vld [tilespmem:s31+$0x0];
	_ =	sdelay $0x4  }
0x135: {  	v17 =	vperm.xlane v0, v16  }
0x136: {  	v36 =	vperm.xlane v1, v16  }
0x137: {  	[tilespmem:s2+$0x9140] =	vst v17;
	v17 =	vperm.xlane v2, v16  }
0x138: {  	v37 =	vperm.xlane v3, v16;
	[tilespmem:s2+$0x91C0] =	vst v36  }
0x139: {  	[tilespmem:s2+$0x9240] =	vst v17;
	v17 =	vperm.xlane v4, v16  }
0x13a: {  	v38 =	vperm.xlane v5, v16;
	[tilespmem:s2+$0x92C0] =	vst v37  }
0x13b: {  	[tilespmem:s2+$0x9340] =	vst v17;
	v17 =	vperm.xlane v6, v16  }
0x13c: {  	v39 =	vperm.xlane v7, v16;
	[tilespmem:s2+$0x93C0] =	vst v38  }
0x13d: {  	[tilespmem:s2+$0x9440] =	vst v17;
	v17 =	vperm.xlane v8, v16  }
0x13e: {  	v40 =	vperm.xlane v9, v16;
	[tilespmem:s2+$0x94C0] =	vst v39  }
0x13f: {  	[tilespmem:s2+$0xD140] =	vst v17;
	v17 =	vperm.xlane v10, v16  }
0x140: {  	v41 =	vperm.xlane v11, v16;
	[tilespmem:s2+$0xD1C0] =	vst v40  }
0x141: {  	[tilespmem:s2+$0xD240] =	vst v17;
	v17 =	vperm.xlane v12, v16  }
0x142: {  	v42 =	vperm.xlane v13, v16;
	[tilespmem:s2+$0xD2C0] =	vst v41  }
0x143: {  	[tilespmem:s2+$0xD340] =	vst v17;
	v17 =	vperm.xlane v14, v16  }
0x144: {  	[tilespmem:s2+$0xD3C0] =	vst v42;
	v16 =	vperm.xlane v15, v16  }
0x145: {  	[tilespmem:s2+$0xD440] =	vst v17  }
0x146: {  	[tilespmem:s2+$0xD4C0] =	vst v16  }
0x147: {  	v16 =	vld [tilespmem:s31+$0x10];
	_ =	sdelay $0x4  }
0x148: {  	v17 =	vperm.xlane v0, v16  }
0x149: {  	v43 =	vperm.xlane v1, v16  }
0x14a: {  	[tilespmem:s2+$0x9150] =	vst v17;
	v17 =	vperm.xlane v2, v16  }
0x14b: {  	v44 =	vperm.xlane v3, v16;
	[tilespmem:s2+$0x91D0] =	vst v43  }
0x14c: {  	[tilespmem:s2+$0x9250] =	vst v17;
	v17 =	vperm.xlane v4, v16  }
0x14d: {  	v45 =	vperm.xlane v5, v16;
	[tilespmem:s2+$0x92D0] =	vst v44  }
0x14e: {  	[tilespmem:s2+$0x9350] =	vst v17;
	v17 =	vperm.xlane v6, v16  }
0x14f: {  	v46 =	vperm.xlane v7, v16;
	[tilespmem:s2+$0x93D0] =	vst v45  }
0x150: {  	[tilespmem:s2+$0x9450] =	vst v17;
	v17 =	vperm.xlane v8, v16  }
0x151: {  	v47 =	vperm.xlane v9, v16;
	[tilespmem:s2+$0x94D0] =	vst v46  }
0x152: {  	[tilespmem:s2+$0xD150] =	vst v17;
	v17 =	vperm.xlane v10, v16  }
0x153: {  	v48 =	vperm.xlane v11, v16;
	[tilespmem:s2+$0xD1D0] =	vst v47  }
0x154: {  	[tilespmem:s2+$0xD250] =	vst v17;
	v17 =	vperm.xlane v12, v16  }
0x155: {  	v49 =	vperm.xlane v13, v16;
	[tilespmem:s2+$0xD2D0] =	vst v48  }
0x156: {  	[tilespmem:s2+$0xD350] =	vst v17;
	v17 =	vperm.xlane v14, v16  }
0x157: {  	[tilespmem:s2+$0xD3D0] =	vst v49;
	v16 =	vperm.xlane v15, v16  }
0x158: {  	[tilespmem:s2+$0xD450] =	vst v17  }
0x159: {  	[tilespmem:s2+$0xD4D0] =	vst v16  }
0x15a: {  	v16 =	vld [tilespmem:s31+$0x20];
	_ =	sdelay $0x4  }
0x15b: {  	v17 =	vperm.xlane v0, v16  }
0x15c: {  	v50 =	vperm.xlane v1, v16  }
0x15d: {  	[tilespmem:s2+$0x9160] =	vst v17;
	v17 =	vperm.xlane v2, v16  }
0x15e: {  	v51 =	vperm.xlane v3, v16;
	[tilespmem:s2+$0x91E0] =	vst v50  }
0x15f: {  	[tilespmem:s2+$0x9260] =	vst v17;
	v17 =	vperm.xlane v4, v16  }
0x160: {  	v52 =	vperm.xlane v5, v16;
	[tilespmem:s2+$0x92E0] =	vst v51  }
0x161: {  	[tilespmem:s2+$0x9360] =	vst v17;
	v17 =	vperm.xlane v6, v16  }
0x162: {  	v53 =	vperm.xlane v7, v16;
	[tilespmem:s2+$0x93E0] =	vst v52  }
0x163: {  	[tilespmem:s2+$0x9460] =	vst v17;
	v17 =	vperm.xlane v8, v16  }
0x164: {  	v54 =	vperm.xlane v9, v16;
	[tilespmem:s2+$0x94E0] =	vst v53  }
0x165: {  	[tilespmem:s2+$0xD160] =	vst v17;
	v17 =	vperm.xlane v10, v16  }
0x166: {  	v55 =	vperm.xlane v11, v16;
	[tilespmem:s2+$0xD1E0] =	vst v54  }
0x167: {  	[tilespmem:s2+$0xD260] =	vst v17;
	v17 =	vperm.xlane v12, v16  }
0x168: {  	v56 =	vperm.xlane v13, v16;
	[tilespmem:s2+$0xD2E0] =	vst v55  }
0x169: {  	[tilespmem:s2+$0xD360] =	vst v17;
	v17 =	vperm.xlane v14, v16  }
0x16a: {  	[tilespmem:s2+$0xD3E0] =	vst v56;
	v16 =	vperm.xlane v15, v16  }
0x16b: {  	[tilespmem:s2+$0xD460] =	vst v17  }
0x16c: {  	[tilespmem:s2+$0xD4E0] =	vst v16  }
0x16d: {  	v16 =	vld [tilespmem:s31+$0x30];
	_ =	sdelay $0x4  }
0x16e: {  	v17 =	vperm.xlane v0, v16  }
0x16f: {  	v57 =	vperm.xlane v1, v16  }
0x170: {  	[tilespmem:s2+$0x9170] =	vst v17;
	v17 =	vperm.xlane v2, v16  }
0x171: {  	v58 =	vperm.xlane v3, v16;
	[tilespmem:s2+$0x91F0] =	vst v57  }
0x172: {  	[tilespmem:s2+$0x9270] =	vst v17;
	v17 =	vperm.xlane v4, v16  }
0x173: {  	v59 =	vperm.xlane v5, v16;
	[tilespmem:s2+$0x92F0] =	vst v58  }
0x174: {  	[tilespmem:s2+$0x9370] =	vst v17;
	v17 =	vperm.xlane v6, v16  }
0x175: {  	v60 =	vperm.xlane v7, v16;
	[tilespmem:s2+$0x93F0] =	vst v59  }
0x176: {  	[tilespmem:s2+$0x9470] =	vst v17;
	v17 =	vperm.xlane v8, v16  }
0x177: {  	v61 =	vperm.xlane v9, v16;
	[tilespmem:s2+$0x94F0] =	vst v60  }
0x178: {  	[tilespmem:s2+$0xD170] =	vst v17;
	v17 =	vperm.xlane v10, v16  }
0x179: {  	v62 =	vperm.xlane v11, v16;
	[tilespmem:s2+$0xD1F0] =	vst v61  }
0x17a: {  	p1 =	sne.s32 s30, $0xF000;
	[tilespmem:s2+$0xD270] =	vst v17;
	v17 =	vperm.xlane v12, v16  }
.Ltmp4:
0x17b: {  	v63 =	vperm.xlane v13, v16;
	[tilespmem:s2+$0xD2F0] =	vst v62;
	(pc) =	sbr.rel @p1 .LBB2_7-.Ltmp4, $4  }
0x17c: {  	[tilespmem:s2+$0xD370] =	vst v17;
	v17 =	vperm.xlane v14, v16  }
0x17d: {  	[tilespmem:s2+$0xD3F0] =	vst v63;
	v16 =	vperm.xlane v15, v16  }
0x17e: {  	[tilespmem:s2+$0xD470] =	vst v17  }
0x17f: {  	s30 =	sadd.s32 $0x1000, s30;
	s31 =	sadd.s32 $0x80, s31;
	[tilespmem:s2+$0xD4F0] =	vst v16  }
.Ltmp5:
0x180: {  	s2 =	sshll.u32 s29, $0xB;
	(pc) =	sbr.rel @p0 .LBB2_10-.Ltmp5, $4  }
0x181: {  	s29 =	sadd.s32 s4, s2  }
0x182: {  	[hbm4b:s29+s6] =	stream.linear.scatter [tilespmem:s21], [sflag:$0x4], $0x4000, $0x38;
	[tilespmem:$0x11100] =	vst v63  }
0x183: {  	s2 =	sadd.s32 s2, s11  }
0x184: {  	[hbm4b:s2+s6] =	stream.linear.scatter [tilespmem:s22], [sflag:$0x4], $0x4000, $0x38;
	[tilespmem:$0x11100] =	vst v63  }
.Ltmp6:
0x185: {  	s2 =	sadd.s32 s10, s28;
	(pc) =	sbr.rel .LBB2_2-.Ltmp6, $4  }
0x186: {  	s2 =	smin.u32 s2, $0xC34  }
0x187: {  	s2 =	sshll.u32 s2, $0x8  }
0x188: {  	s26 =	sadd.s32 $0x1, s26;
	s2 =	sadd.s32 s3, s2  }
0x189: {  	[tilespmem:s16], [sflag:$0x2] =	stream.linear.gather [hbm4b:s2+s6], $0x800, $0x38;
	[tilespmem:$0x11100] =	vst v63  }
.LBB2_11:
0x18a: {  	_ =	sfence.sel $0x180000  }
0x18b: {  	[bflag:$0x0] =	sbarrier.arrive $0xFFFF  }
0x18c: {  	_ =	strace $0x90000047  }
0x18d: {  	[bflag:$0x2] =	sbarrier.arrive $0xFFFF  }
0x18e: {  	p0 =	sne.s32 s0, $0x0;
	s0 =	rddreg [dreg:$0x3]  }
0x18f: {  	s0 =	sadd.s32 @!p0 $0x100000, s0  }
0x190: {  	[sflag:s0] =	ssyncadd.tile.s32 @!p0 $0x1;
	_ =	shalt  }
.Lfunc_end2:
_tile_overlayer_lowered:
.L_overlay_start_2:
0x191: {  	(tag) =	ssettag $0x2  }
0x192: {  	s0 =	rddreg [dreg:$0x0];
	s2 =	stileid.u32  }
0x193: {  	s1 =	rddreg [dreg:$0x1];
	p0 =	sne.s32 s2, $0x0  }
0x194: {  	s3 =	rddreg [dreg:$0x2];
	[bflag:$0x3] =	sbarrier.arrive $0xFFFF;
	s2 =	simm.s32 @!p0 $0x1C05  }
0x195: {  	[timem:s3], [sflag:s2] =	dma.local @!p0 [hbm:s0], s1  }
0x196: {  	s0 =	simm.s32 @!p0 $0x5  }
0x197: {  	_ =	swait.ge @!p0 [sflag:s0], s1  }
0x198: {  	s1 =	ssub.s32 @!p0 $0x0, s1;
	[sflag:s0] =	ssyncset.done @!p0 $0x0  }
0x199: {  	[sflag:s0] =	ssyncadd.s32 @!p0 s1  }
0x19a: {  	[bflag:$0x3] =	sbarrier.arrive $0xFFFF  }
0x19b: {  	_ =	shalt  }

</sc_bundles>
